<compile_context>
chip_gen: v7x
topology: tpu7x:2x2x1
jax: 0.10.2.dev20260603
libtpu: 0.0.44.dev20260713+nightly
codegen_flags: <defaults>
</compile_context>

<pallas_src>
import functools

import jax
import jax.numpy as jnp
from jax import lax
from jax.experimental import pallas as pl
from jax.experimental.pallas import tpu as pltpu
from jax.experimental.pallas import tpu_sc as plsc

N = 32768
K = 512
D = 32

NC = 2
NS = 16
NW = NC * NS
RPW = N // NW
KD = K * D

LANE_BLK = 4096
NH = N // 2
NBLK_H = NH // LANE_BLK
RPW_H = NH // NW


def _assign_body(c_ref, xt_ref, out_ref):
    c = c_ref[...]
    xt = xt_ref[...]
    g = jnp.dot(c, xt, preferred_element_type=jnp.float32,
                precision=lax.Precision.HIGHEST)
    cn = jnp.sum(c * c, axis=1)
    score = cn[:, None] - 2.0 * g
    m = jnp.min(score, axis=0, keepdims=True)
    ids = lax.broadcasted_iota(jnp.int32, score.shape, 0)
    idx = jnp.min(jnp.where(score == m, ids, jnp.int32(K)), axis=0)
    out_ref[...] = idx.reshape(1, LANE_BLK)


def _make_assign(blk0):
    return pl.pallas_call(
        _assign_body,
        grid=(NBLK_H,),
        in_specs=[
            pl.BlockSpec((K, D), lambda i: (0, 0)),
            pl.BlockSpec((D, LANE_BLK), lambda i: (0, blk0 + i)),
        ],
        out_specs=pl.BlockSpec((1, LANE_BLK), lambda i: (0, i)),
        out_shape=jax.ShapeDtypeStruct((1, NH), jnp.int32),
    )


_assign_lo = _make_assign(0)
_assign_hi = _make_assign(NBLK_H)


@functools.cache
def _get_segsum(row0):
    mesh = plsc.VectorSubcoreMesh(
        core_axis_name="c", subcore_axis_name="s", num_cores=NC, num_subcores=NS
    )

    @functools.partial(
        pl.kernel,
        mesh=mesh,
        out_type=[
            jax.ShapeDtypeStruct((NW, KD), jnp.float32),
            jax.ShapeDtypeStruct((NW, K), jnp.float32),
        ],
        scratch_types=[
            pltpu.VMEM((RPW_H * D,), jnp.float32),
            pltpu.VMEM((RPW_H,), jnp.int32),
            pltpu.VMEM((KD,), jnp.float32),
            pltpu.VMEM((K,), jnp.float32),
        ],
        compiler_params=pltpu.CompilerParams(needs_layout_passes=False),
    )
    def _segsum(x_hbm, idx_hbm, sums_hbm, cnt_hbm, x_v, idx_v, acc_v, cnt_v):
        wid = lax.axis_index("s") * NC + lax.axis_index("c")
        base = wid * RPW_H
        pltpu.sync_copy(x_hbm.at[pl.ds((row0 + base) * D, RPW_H * D)], x_v)
        pltpu.sync_copy(idx_hbm.at[pl.ds(base, RPW_H)], idx_v)

        zeros16 = jnp.zeros((16,), jnp.float32)

        @plsc.parallel_loop(0, KD // 16, unroll=8)
        def _zero_acc(i):
            acc_v[pl.ds(i * 16, 16)] = zeros16

        @plsc.parallel_loop(0, K // 16, unroll=8)
        def _zero_cnt(i):
            cnt_v[pl.ds(i * 16, 16)] = zeros16

        lane = lax.iota(jnp.int32, 16)
        ones16 = jnp.ones((16,), jnp.float32)

        @plsc.parallel_loop(0, RPW_H // 16, unroll=2)
        def _group(g):
            idx16 = idx_v[pl.ds(g * 16, 16)]
            row_base = (g * 16 + lane) * D
            seg_base = idx16 * D
            for col in range(D):
                vals = plsc.load_gather(x_v, [row_base + col])
                plsc.addupdate_scatter(acc_v, [seg_base + col], vals)
            plsc.addupdate_scatter(cnt_v, [idx16], ones16)

        pltpu.sync_copy(acc_v, sums_hbm.at[wid])
        pltpu.sync_copy(cnt_v, cnt_hbm.at[wid])

    return _segsum


def _combine_body(s1_ref, s2_ref, c1_ref, c2_ref, ck1_ref, n_ref):
    ck1_ref[...] = (jnp.sum(s1_ref[...], axis=0, keepdims=True)
                    + jnp.sum(s2_ref[...], axis=0, keepdims=True))
    n_ref[...] = (jnp.sum(c1_ref[...], axis=0, keepdims=True)
                  + jnp.sum(c2_ref[...], axis=0, keepdims=True)
                  ).astype(jnp.int32)


_combine = pl.pallas_call(
    _combine_body,
    out_shape=[
        jax.ShapeDtypeStruct((1, KD), jnp.float32),
        jax.ShapeDtypeStruct((1, K), jnp.int32),
    ],
)


def kernel(locF, Ck):
    X = locF[:, 0, :]
    xt = X.T
    x_flat = X.reshape(N * D)
    c = Ck[0]
    idx_lo = _assign_lo(c, xt).reshape(NH)
    s_lo, c_lo = _get_segsum(0)(x_flat, idx_lo)
    idx_hi = _assign_hi(c, xt).reshape(NH)
    s_hi, c_hi = _get_segsum(NH)(x_flat, idx_hi)
    ck1, n_items = _combine(s_lo, s_hi, c_lo, c_hi)
    return (ck1.reshape(1, K, D), n_items)

# --- scband reference (transcript-rebuilt; emitter-appended) ---
"""Pipeline reference for scband-k-mean-cluster-step-30829275251215 (READ-ONLY COPY).

The authoritative reference and input builder live on the scoring server;
editing this copy changes nothing except your own understanding.
"""

import jax, jax.numpy as jnp
import numpy as np


def setup_inputs(seed: int = 0) -> dict:
    key = jax.random.key(seed)
    k1, k2 = jax.random.split(key)
    locF = jax.random.normal(k1, (32768, 1, 32), dtype=jnp.float32)
    # Ck is a registered buffer of shape (1, k, D). The torch module initializes it to
    # zeros; here we materialize it as a learned parameter with random values so the
    # assignment/segment-sum computation is non-degenerate.
    Ck = jax.random.normal(k2, (1, 512, 32), dtype=jnp.float32)
    return {"locF": locF, "Ck": Ck}


def reference(locF, Ck):
    k = Ck.shape[1]
    # index = ((locF - Ck)**2).mean(dim=2).min(dim=1)[1]
    dist = jnp.mean((locF - Ck) ** 2, axis=2)  # [N, k]
    index = jnp.argmin(dist, axis=1)  # [N], first-min matches torch .min semantics
    # Ck1 = cat([locF[index==p].sum(dim=0, keepdim=True) for p in range(k)], dim=1)
    # locF[index==p] has shape [M, 1, D]; sum over dim 0 -> [1, 1, D]; cat dim=1 -> [1, k, D]
    sums = jax.ops.segment_sum(locF[:, 0, :], index, num_segments=k)  # [k, D]
    Ck1 = sums[None, :, :]  # [1, k, D]
    # nItems = cat([(index==p).sum(0, keepdim=True) for p in range(k)]).view(1, -1)
    nItems = jnp.bincount(index, length=k).reshape(1, -1)  # [1, k]
    return (Ck1, nItems)

if __name__ == "__main__":
    import jax
    _d = setup_inputs()
    print(jax.jit(kernel)(*tuple(_d.values())))

</pallas_src>

<mosaic_0001>
#map = affine_map<(d0, d1) -> (0)>
#map1 = affine_map<(d0, d1) -> (0, 0)>
module attributes {stable_mosaic.version = 14 : i64} {
  func.func @_segsum(%arg0: i32, %arg1: i32, %arg2: memref<1048576xf32, #tpu.memory_space<hbm>>, %arg3: memref<16384xi32, #tpu.memory_space<hbm>>, %arg4: memref<32x16384xf32, #tpu.memory_space<hbm>>, %arg5: memref<32x512xf32, #tpu.memory_space<hbm>>, %arg6: memref<16384xf32, #tpu.memory_space<vmem>>, %arg7: memref<512xi32, #tpu.memory_space<vmem>>, %arg8: memref<16384xf32, #tpu.memory_space<vmem>>, %arg9: memref<512xf32, #tpu.memory_space<vmem>>) attributes {dimension_semantics = [#tpu.dimension_semantics<core_parallel>, #tpu.dimension_semantics<subcore_parallel>], iteration_bounds = array<i64: 2, 16>, scalar_prefetch = 0 : i64, scratch_operands = 4 : i64, tpu.core_type = #tpu.core_type<sc_vector_subcore>, window_params = [{transform_indices = #map}, {transform_indices = #map}, {transform_indices = #map1}, {transform_indices = #map1}]} {
    %mul3A = arith.constant 2 : i32
    %mul3A_0 = arith.muli %arg1, %mul3A : i32
    %add3A = arith.addi %mul3A_0, %arg0 : i32
    %mul3A_1 = arith.constant 512 : i32
    %mul3A_2 = arith.muli %add3A, %mul3A_1 : i32
    %add3A_3 = arith.constant 0 : i32
    %add3A_4 = arith.addi %add3A_3, %mul3A_2 : i32
    %mul3A_5 = arith.constant 32 : i32
    %mul3A_6 = arith.muli %add3A_4, %mul3A_5 : i32
    "tpu.region"() ({
      %run_scoped3A = tpu.sem_alloc : memref<!tpu.dma_semaphore, #tpu.memory_space<semaphore_mem>>
      %dma_start3A = tpu.memref_slice %arg2[%mul3A_6] : memref<1048576xf32, #tpu.memory_space<hbm>> -> memref<16384xf32, #tpu.memory_space<hbm>>
      %dma_start3A_18 = tpu.memref_slice %arg2[%mul3A_6] : memref<1048576xf32, #tpu.memory_space<hbm>> -> memref<16384xf32, #tpu.memory_space<hbm>>
      tpu.enqueue_dma source(%dma_start3A_18 : memref<16384xf32, #tpu.memory_space<hbm>>) target(%arg6 : memref<16384xf32, #tpu.memory_space<vmem>>) target_semaphore(%run_scoped3A : memref<!tpu.dma_semaphore, #tpu.memory_space<semaphore_mem>>)
      %dma_wait3A = tpu.memref_slice %arg2[%mul3A_6] : memref<1048576xf32, #tpu.memory_space<hbm>> -> memref<16384xf32, #tpu.memory_space<hbm>>
      %dma_wait3A_19 = tpu.memref_slice %arg2[%mul3A_6] : memref<1048576xf32, #tpu.memory_space<hbm>> -> memref<16384xf32, #tpu.memory_space<hbm>>
      tpu.wait_dma2 semaphore(%run_scoped3A : memref<!tpu.dma_semaphore, #tpu.memory_space<semaphore_mem>>) src(%dma_wait3A_19 : memref<16384xf32, #tpu.memory_space<hbm>>) dst(%arg6 : memref<16384xf32, #tpu.memory_space<vmem>>)
      tpu.yield
    }) : () -> ()
    "tpu.region"() ({
      %run_scoped3A = tpu.sem_alloc : memref<!tpu.dma_semaphore, #tpu.memory_space<semaphore_mem>>
      %dma_start3A = tpu.memref_slice %arg3[%mul3A_2] : memref<16384xi32, #tpu.memory_space<hbm>> -> memref<512xi32, #tpu.memory_space<hbm>>
      %dma_start3A_18 = tpu.memref_slice %arg3[%mul3A_2] : memref<16384xi32, #tpu.memory_space<hbm>> -> memref<512xi32, #tpu.memory_space<hbm>>
      tpu.enqueue_dma source(%dma_start3A_18 : memref<512xi32, #tpu.memory_space<hbm>>) target(%arg7 : memref<512xi32, #tpu.memory_space<vmem>>) target_semaphore(%run_scoped3A : memref<!tpu.dma_semaphore, #tpu.memory_space<semaphore_mem>>)
      %dma_wait3A = tpu.memref_slice %arg3[%mul3A_2] : memref<16384xi32, #tpu.memory_space<hbm>> -> memref<512xi32, #tpu.memory_space<hbm>>
      %dma_wait3A_19 = tpu.memref_slice %arg3[%mul3A_2] : memref<16384xi32, #tpu.memory_space<hbm>> -> memref<512xi32, #tpu.memory_space<hbm>>
      tpu.wait_dma2 semaphore(%run_scoped3A : memref<!tpu.dma_semaphore, #tpu.memory_space<semaphore_mem>>) src(%dma_wait3A_19 : memref<512xi32, #tpu.memory_space<hbm>>) dst(%arg7 : memref<512xi32, #tpu.memory_space<vmem>>)
      tpu.yield
    }) : () -> ()
    %broadcast_in_dim3A = arith.constant 0.000000e+00 : f32
    %broadcast_in_dim3A_7 = vector.broadcast %broadcast_in_dim3A : f32 to vector<16xf32>
    %parallel_loop3A = arith.constant 0 : i32
    %parallel_loop3A_8 = arith.constant 1024 : i32
    %parallel_loop3A_9 = arith.constant 1 : i32
    scf.for %parallel_loop3A_18 = %parallel_loop3A to %parallel_loop3A_8 step %parallel_loop3A_9  : i32 {
      %parallel_loop3A_19 = arith.constant 16 : i32
      %parallel_loop3A_20 = arith.muli %parallel_loop3A_18, %parallel_loop3A_19 : i32
      %parallel_loop3A_21 = arith.index_cast %parallel_loop3A_20 : i32 to index
      %parallel_loop3A_22 = tpu.vector_load %arg8[%parallel_loop3A_21] {strides = array<i32>} : memref<16384xf32, #tpu.memory_space<vmem>>, vector<16xf32>,
      tpu.vector_store %arg8[%parallel_loop3A_21], %broadcast_in_dim3A_7 {strides = array<i32>} : memref<16384xf32, #tpu.memory_space<vmem>>, vector<16xf32>,
    } {sc.loop_unroll_factor = 8 : i64, sc.parallel_access}
    %parallel_loop3A_10 = arith.constant 0 : i32
    %parallel_loop3A_11 = arith.constant 32 : i32
    %parallel_loop3A_12 = arith.constant 1 : i32
    scf.for %parallel_loop3A_18 = %parallel_loop3A_10 to %parallel_loop3A_11 step %parallel_loop3A_12  : i32 {
      %parallel_loop3A_19 = arith.constant 16 : i32
      %parallel_loop3A_20 = arith.muli %parallel_loop3A_18, %parallel_loop3A_19 : i32
      %parallel_loop3A_21 = arith.index_cast %parallel_loop3A_20 : i32 to index
      %parallel_loop3A_22 = tpu.vector_load %arg9[%parallel_loop3A_21] {strides = array<i32>} : memref<512xf32, #tpu.memory_space<vmem>>, vector<16xf32>,
      tpu.vector_store %arg9[%parallel_loop3A_21], %broadcast_in_dim3A_7 {strides = array<i32>} : memref<512xf32, #tpu.memory_space<vmem>>, vector<16xf32>,
    } {sc.loop_unroll_factor = 8 : i64, sc.parallel_access}
    %iota3A = tpu.iota {dimensions = array<i32: 0>} : vector<16xi32>
    %broadcast_in_dim3A_13 = arith.constant 1.000000e+00 : f32
    %broadcast_in_dim3A_14 = vector.broadcast %broadcast_in_dim3A_13 : f32 to vector<16xf32>
    %parallel_loop3A_15 = arith.constant 0 : i32
    %parallel_loop3A_16 = arith.constant 32 : i32
    %parallel_loop3A_17 = arith.constant 1 : i32
    scf.for %parallel_loop3A_18 = %parallel_loop3A_15 to %parallel_loop3A_16 step %parallel_loop3A_17  : i32 {
      %parallel_loop3A_19 = arith.constant 16 : i32
      %parallel_loop3A_20 = arith.muli %parallel_loop3A_18, %parallel_loop3A_19 : i32
      %parallel_loop3A_21 = arith.index_cast %parallel_loop3A_20 : i32 to index
      %parallel_loop3A_22 = tpu.vector_load %arg7[%parallel_loop3A_21] {strides = array<i32>} : memref<512xi32, #tpu.memory_space<vmem>>, vector<16xi32>,
      %parallel_loop3A_23 = arith.constant 16 : i32
      %parallel_loop3A_24 = arith.muli %parallel_loop3A_18, %parallel_loop3A_23 : i32
      %parallel_loop3A_25 = vector.broadcast %parallel_loop3A_24 : i32 to vector<16xi32>
      %parallel_loop3A_26 = arith.addi %parallel_loop3A_25, %iota3A : vector<16xi32>
      %parallel_loop3A_27 = arith.constant 32 : i32
      %parallel_loop3A_28 = vector.broadcast %parallel_loop3A_27 : i32 to vector<16xi32>
      %parallel_loop3A_29 = arith.muli %parallel_loop3A_26, %parallel_loop3A_28 : vector<16xi32>
      %parallel_loop3A_30 = arith.constant 32 : i32
      %parallel_loop3A_31 = vector.broadcast %parallel_loop3A_30 : i32 to vector<16xi32>
      %parallel_loop3A_32 = arith.muli %parallel_loop3A_22, %parallel_loop3A_31 : vector<16xi32>
      %parallel_loop3A_33 = arith.constant 0 : i32
      %parallel_loop3A_34 = vector.broadcast %parallel_loop3A_33 : i32 to vector<16xi32>
      %parallel_loop3A_35 = arith.addi %parallel_loop3A_29, %parallel_loop3A_34 : vector<16xi32>
      %parallel_loop3A_36 = tpu.vector_load_idx %arg6[%parallel_loop3A_35] : memref<16384xf32, #tpu.memory_space<vmem>>[vector<16xi32>], vector<16xf32>,
      %parallel_loop3A_37 = arith.constant 0 : i32
      %parallel_loop3A_38 = vector.broadcast %parallel_loop3A_37 : i32 to vector<16xi32>
      %parallel_loop3A_39 = arith.addi %parallel_loop3A_32, %parallel_loop3A_38 : vector<16xi32>
      tpu.vector_store_idx %arg8[%parallel_loop3A_39], %parallel_loop3A_36 {add = true} : memref<16384xf32, #tpu.memory_space<vmem>>[vector<16xi32>], vector<16xf32>,
      %parallel_loop3A_40 = arith.constant 1 : i32
      %parallel_loop3A_41 = vector.broadcast %parallel_loop3A_40 : i32 to vector<16xi32>
      %parallel_loop3A_42 = arith.addi %parallel_loop3A_29, %parallel_loop3A_41 : vector<16xi32>
      %parallel_loop3A_43 = tpu.vector_load_idx %arg6[%parallel_loop3A_42] : memref<16384xf32, #tpu.memory_space<vmem>>[vector<16xi32>], vector<16xf32>,
      %parallel_loop3A_44 = arith.constant 1 : i32
      %parallel_loop3A_45 = vector.broadcast %parallel_loop3A_44 : i32 to vector<16xi32>
      %parallel_loop3A_46 = arith.addi %parallel_loop3A_32, %parallel_loop3A_45 : vector<16xi32>
      tpu.vector_store_idx %arg8[%parallel_loop3A_46], %parallel_loop3A_43 {add = true} : memref<16384xf32, #tpu.memory_space<vmem>>[vector<16xi32>], vector<16xf32>,
      %parallel_loop3A_47 = arith.constant 2 : i32
      %parallel_loop3A_48 = vector.broadcast %parallel_loop3A_47 : i32 to vector<16xi32>
      %parallel_loop3A_49 = arith.addi %parallel_loop3A_29, %parallel_loop3A_48 : vector<16xi32>
      %parallel_loop3A_50 = tpu.vector_load_idx %arg6[%parallel_loop3A_49] : memref<16384xf32, #tpu.memory_space<vmem>>[vector<16xi32>], vector<16xf32>,
      %parallel_loop3A_51 = arith.constant 2 : i32
      %parallel_loop3A_52 = vector.broadcast %parallel_loop3A_51 : i32 to vector<16xi32>
      %parallel_loop3A_53 = arith.addi %parallel_loop3A_32, %parallel_loop3A_52 : vector<16xi32>
      tpu.vector_store_idx %arg8[%parallel_loop3A_53], %parallel_loop3A_50 {add = true} : memref<16384xf32, #tpu.memory_space<vmem>>[vector<16xi32>], vector<16xf32>,
      %parallel_loop3A_54 = arith.constant 3 : i32
      %parallel_loop3A_55 = vector.broadcast %parallel_loop3A_54 : i32 to vector<16xi32>
      %parallel_loop3A_56 = arith.addi %parallel_loop3A_29, %parallel_loop3A_55 : vector<16xi32>
      %parallel_loop3A_57 = tpu.vector_load_idx %arg6[%parallel_loop3A_56] : memref<16384xf32, #tpu.memory_space<vmem>>[vector<16xi32>], vector<16xf32>,
      %parallel_loop3A_58 = arith.constant 3 : i32
      %parallel_loop3A_59 = vector.broadcast %parallel_loop3A_58 : i32 to vector<16xi32>
      %parallel_loop3A_60 = arith.addi %parallel_loop3A_32, %parallel_loop3A_59 : vector<16xi32>
      tpu.vector_store_idx %arg8[%parallel_loop3A_60], %parallel_loop3A_57 {add = true} : memref<16384xf32, #tpu.memory_space<vmem>>[vector<16xi32>], vector<16xf32>,
      %parallel_loop3A_61 = arith.constant 4 : i32
      %parallel_loop3A_62 = vector.broadcast %parallel_loop3A_61 : i32 to vector<16xi32>
      %parallel_loop3A_63 = arith.addi %parallel_loop3A_29, %parallel_loop3A_62 : vector<16xi32>
      %parallel_loop3A_64 = tpu.vector_load_idx %arg6[%parallel_loop3A_63] : memref<16384xf32, #tpu.memory_space<vmem>>[vector<16xi32>], vector<16xf32>,
      %parallel_loop3A_65 = arith.constant 4 : i32
      %parallel_loop3A_66 = vector.broadcast %parallel_loop3A_65 : i32 to vector<16xi32>
      %parallel_loop3A_67 = arith.addi %parallel_loop3A_32, %parallel_loop3A_66 : vector<16xi32>
      tpu.vector_store_idx %arg8[%parallel_loop3A_67], %parallel_loop3A_64 {add = true} : memref<16384xf32, #tpu.memory_space<vmem>>[vector<16xi32>], vector<16xf32>,
      %parallel_loop3A_68 = arith.constant 5 : i32
      %parallel_loop3A_69 = vector.broadcast %parallel_loop3A_68 : i32 to vector<16xi32>
      %parallel_loop3A_70 = arith.addi %parallel_loop3A_29, %parallel_loop3A_69 : vector<16xi32>
      %parallel_loop3A_71 = tpu.vector_load_idx %arg6[%parallel_loop3A_70] : memref<16384xf32, #tpu.memory_space<vmem>>[vector<16xi32>], vector<16xf32>,
      %parallel_loop3A_72 = arith.constant 5 : i32
      %parallel_loop3A_73 = vector.broadcast %parallel_loop3A_72 : i32 to vector<16xi32>
      %parallel_loop3A_74 = arith.addi %parallel_loop3A_32, %parallel_loop3A_73 : vector<16xi32>
      tpu.vector_store_idx %arg8[%parallel_loop3A_74], %parallel_loop3A_71 {add = true} : memref<16384xf32, #tpu.memory_space<vmem>>[vector<16xi32>], vector<16xf32>,
      %parallel_loop3A_75 = arith.constant 6 : i32
      %parallel_loop3A_76 = vector.broadcast %parallel_loop3A_75 : i32 to vector<16xi32>
      %parallel_loop3A_77 = arith.addi %parallel_loop3A_29, %parallel_loop3A_76 : vector<16xi32>
      %parallel_loop3A_78 = tpu.vector_load_idx %arg6[%parallel_loop3A_77] : memref<16384xf32, #tpu.memory_space<vmem>>[vector<16xi32>], vector<16xf32>,
      %parallel_loop3A_79 = arith.constant 6 : i32
      %parallel_loop3A_80 = vector.broadcast %parallel_loop3A_79 : i32 to vector<16xi32>
      %parallel_loop3A_81 = arith.addi %parallel_loop3A_32, %parallel_loop3A_80 : vector<16xi32>
      tpu.vector_store_idx %arg8[%parallel_loop3A_81], %parallel_loop3A_78 {add = true} : memref<16384xf32, #tpu.memory_space<vmem>>[vector<16xi32>], vector<16xf32>,
      %parallel_loop3A_82 = arith.constant 7 : i32
      %parallel_loop3A_83 = vector.broadcast %parallel_loop3A_82 : i32 to vector<16xi32>
      %parallel_loop3A_84 = arith.addi %parallel_loop3A_29, %parallel_loop3A_83 : vector<16xi32>
      %parallel_loop3A_85 = tpu.vector_load_idx %arg6[%parallel_loop3A_84] : memref<16384xf32, #tpu.memory_space<vmem>>[vector<16xi32>], vector<16xf32>,
      %parallel_loop3A_86 = arith.constant 7 : i32
      %parallel_loop3A_87 = vector.broadcast %parallel_loop3A_86 : i32 to vector<16xi32>
      %parallel_loop3A_88 = arith.addi %parallel_loop3A_32, %parallel_loop3A_87 : vector<16xi32>
      tpu.vector_store_idx %arg8[%parallel_loop3A_88], %parallel_loop3A_85 {add = true} : memref<16384xf32, #tpu.memory_space<vmem>>[vector<16xi32>], vector<16xf32>,
      %parallel_loop3A_89 = arith.constant 8 : i32
      %parallel_loop3A_90 = vector.broadcast %parallel_loop3A_89 : i32 to vector<16xi32>
      %parallel_loop3A_91 = arith.addi %parallel_loop3A_29, %parallel_loop3A_90 : vector<16xi32>
      %parallel_loop3A_92 = tpu.vector_load_idx %arg6[%parallel_loop3A_91] : memref<16384xf32, #tpu.memory_space<vmem>>[vector<16xi32>], vector<16xf32>,
      %parallel_loop3A_93 = arith.constant 8 : i32
      %parallel_loop3A_94 = vector.broadcast %parallel_loop3A_93 : i32 to vector<16xi32>
      %parallel_loop3A_95 = arith.addi %parallel_loop3A_32, %parallel_loop3A_94 : vector<16xi32>
      tpu.vector_store_idx %arg8[%parallel_loop3A_95], %parallel_loop3A_92 {add = true} : memref<16384xf32, #tpu.memory_space<vmem>>[vector<16xi32>], vector<16xf32>,
      %parallel_loop3A_96 = arith.constant 9 : i32
      %parallel_loop3A_97 = vector.broadcast %parallel_loop3A_96 : i32 to vector<16xi32>
      %parallel_loop3A_98 = arith.addi %parallel_loop3A_29, %parallel_loop3A_97 : vector<16xi32>
      %parallel_loop3A_99 = tpu.vector_load_idx %arg6[%parallel_loop3A_98] : memref<16384xf32, #tpu.memory_space<vmem>>[vector<16xi32>], vector<16xf32>,
      %parallel_loop3A_100 = arith.constant 9 : i32
      %parallel_loop3A_101 = vector.broadcast %parallel_loop3A_100 : i32 to vector<16xi32>
      %parallel_loop3A_102 = arith.addi %parallel_loop3A_32, %parallel_loop3A_101 : vector<16xi32>
      tpu.vector_store_idx %arg8[%parallel_loop3A_102], %parallel_loop3A_99 {add = true} : memref<16384xf32, #tpu.memory_space<vmem>>[vector<16xi32>], vector<16xf32>,
      %parallel_loop3A_103 = arith.constant 10 : i32
      %parallel_loop3A_104 = vector.broadcast %parallel_loop3A_103 : i32 to vector<16xi32>
      %parallel_loop3A_105 = arith.addi %parallel_loop3A_29, %parallel_loop3A_104 : vector<16xi32>
      %parallel_loop3A_106 = tpu.vector_load_idx %arg6[%parallel_loop3A_105] : memref<16384xf32, #tpu.memory_space<vmem>>[vector<16xi32>], vector<16xf32>,
      %parallel_loop3A_107 = arith.constant 10 : i32
      %parallel_loop3A_108 = vector.broadcast %parallel_loop3A_107 : i32 to vector<16xi32>
      %parallel_loop3A_109 = arith.addi %parallel_loop3A_32, %parallel_loop3A_108 : vector<16xi32>
      tpu.vector_store_idx %arg8[%parallel_loop3A_109], %parallel_loop3A_106 {add = true} : memref<16384xf32, #tpu.memory_space<vmem>>[vector<16xi32>], vector<16xf32>,
      %parallel_loop3A_110 = arith.constant 11 : i32
      %parallel_loop3A_111 = vector.broadcast %parallel_loop3A_110 : i32 to vector<16xi32>
      %parallel_loop3A_112 = arith.addi %parallel_loop3A_29, %parallel_loop3A_111 : vector<16xi32>
      %parallel_loop3A_113 = tpu.vector_load_idx %arg6[%parallel_loop3A_112] : memref<16384xf32, #tpu.memory_space<vmem>>[vector<16xi32>], vector<16xf32>,
      %parallel_loop3A_114 = arith.constant 11 : i32
      %parallel_loop3A_115 = vector.broadcast %parallel_loop3A_114 : i32 to vector<16xi32>
      %parallel_loop3A_116 = arith.addi %parallel_loop3A_32, %parallel_loop3A_115 : vector<16xi32>
      tpu.vector_store_idx %arg8[%parallel_loop3A_116], %parallel_loop3A_113 {add = true} : memref<16384xf32, #tpu.memory_space<vmem>>[vector<16xi32>], vector<16xf32>,
      %parallel_loop3A_117 = arith.constant 12 : i32
      %parallel_loop3A_118 = vector.broadcast %parallel_loop3A_117 : i32 to vector<16xi32>
      %parallel_loop3A_119 = arith.addi %parallel_loop3A_29, %parallel_loop3A_118 : vector<16xi32>
      %parallel_loop3A_120 = tpu.vector_load_idx %arg6[%parallel_loop3A_119] : memref<16384xf32, #tpu.memory_space<vmem>>[vector<16xi32>], vector<16xf32>,
      %parallel_loop3A_121 = arith.constant 12 : i32
      %parallel_loop3A_122 = vector.broadcast %parallel_loop3A_121 : i32 to vector<16xi32>
      %parallel_loop3A_123 = arith.addi %parallel_loop3A_32, %parallel_loop3A_122 : vector<16xi32>
      tpu.vector_store_idx %arg8[%parallel_loop3A_123], %parallel_loop3A_120 {add = true} : memref<16384xf32, #tpu.memory_space<vmem>>[vector<16xi32>], vector<16xf32>,
      %parallel_loop3A_124 = arith.constant 13 : i32
      %parallel_loop3A_125 = vector.broadcast %parallel_loop3A_124 : i32 to vector<16xi32>
      %parallel_loop3A_126 = arith.addi %parallel_loop3A_29, %parallel_loop3A_125 : vector<16xi32>
      %parallel_loop3A_127 = tpu.vector_load_idx %arg6[%parallel_loop3A_126] : memref<16384xf32, #tpu.memory_space<vmem>>[vector<16xi32>], vector<16xf32>,
      %parallel_loop3A_128 = arith.constant 13 : i32
      %parallel_loop3A_129 = vector.broadcast %parallel_loop3A_128 : i32 to vector<16xi32>
      %parallel_loop3A_130 = arith.addi %parallel_loop3A_32, %parallel_loop3A_129 : vector<16xi32>
      tpu.vector_store_idx %arg8[%parallel_loop3A_130], %parallel_loop3A_127 {add = true} : memref<16384xf32, #tpu.memory_space<vmem>>[vector<16xi32>], vector<16xf32>,
      %parallel_loop3A_131 = arith.constant 14 : i32
      %parallel_loop3A_132 = vector.broadcast %parallel_loop3A_131 : i32 to vector<16xi32>
      %parallel_loop3A_133 = arith.addi %parallel_loop3A_29, %parallel_loop3A_132 : vector<16xi32>
      %parallel_loop3A_134 = tpu.vector_load_idx %arg6[%parallel_loop3A_133] : memref<16384xf32, #tpu.memory_space<vmem>>[vector<16xi32>], vector<16xf32>,
      %parallel_loop3A_135 = arith.constant 14 : i32
      %parallel_loop3A_136 = vector.broadcast %parallel_loop3A_135 : i32 to vector<16xi32>
      %parallel_loop3A_137 = arith.addi %parallel_loop3A_32, %parallel_loop3A_136 : vector<16xi32>
      tpu.vector_store_idx %arg8[%parallel_loop3A_137], %parallel_loop3A_134 {add = true} : memref<16384xf32, #tpu.memory_space<vmem>>[vector<16xi32>], vector<16xf32>,
      %parallel_loop3A_138 = arith.constant 15 : i32
      %parallel_loop3A_139 = vector.broadcast %parallel_loop3A_138 : i32 to vector<16xi32>
      %parallel_loop3A_140 = arith.addi %parallel_loop3A_29, %parallel_loop3A_139 : vector<16xi32>
      %parallel_loop3A_141 = tpu.vector_load_idx %arg6[%parallel_loop3A_140] : memref<16384xf32, #tpu.memory_space<vmem>>[vector<16xi32>], vector<16xf32>,
      %parallel_loop3A_142 = arith.constant 15 : i32
      %parallel_loop3A_143 = vector.broadcast %parallel_loop3A_142 : i32 to vector<16xi32>
      %parallel_loop3A_144 = arith.addi %parallel_loop3A_32, %parallel_loop3A_143 : vector<16xi32>
      tpu.vector_store_idx %arg8[%parallel_loop3A_144], %parallel_loop3A_141 {add = true} : memref<16384xf32, #tpu.memory_space<vmem>>[vector<16xi32>], vector<16xf32>,
      %parallel_loop3A_145 = arith.constant 16 : i32
      %parallel_loop3A_146 = vector.broadcast %parallel_loop3A_145 : i32 to vector<16xi32>
      %parallel_loop3A_147 = arith.addi %parallel_loop3A_29, %parallel_loop3A_146 : vector<16xi32>
      %parallel_loop3A_148 = tpu.vector_load_idx %arg6[%parallel_loop3A_147] : memref<16384xf32, #tpu.memory_space<vmem>>[vector<16xi32>], vector<16xf32>,
      %parallel_loop3A_149 = arith.constant 16 : i32
      %parallel_loop3A_150 = vector.broadcast %parallel_loop3A_149 : i32 to vector<16xi32>
      %parallel_loop3A_151 = arith.addi %parallel_loop3A_32, %parallel_loop3A_150 : vector<16xi32>
      tpu.vector_store_idx %arg8[%parallel_loop3A_151], %parallel_loop3A_148 {add = true} : memref<16384xf32, #tpu.memory_space<vmem>>[vector<16xi32>], vector<16xf32>,
      %parallel_loop3A_152 = arith.constant 17 : i32
      %parallel_loop3A_153 = vector.broadcast %parallel_loop3A_152 : i32 to vector<16xi32>
      %parallel_loop3A_154 = arith.addi %parallel_loop3A_29, %parallel_loop3A_153 : vector<16xi32>
      %parallel_loop3A_155 = tpu.vector_load_idx %arg6[%parallel_loop3A_154] : memref<16384xf32, #tpu.memory_space<vmem>>[vector<16xi32>], vector<16xf32>,
      %parallel_loop3A_156 = arith.constant 17 : i32
      %parallel_loop3A_157 = vector.broadcast %parallel_loop3A_156 : i32 to vector<16xi32>
      %parallel_loop3A_158 = arith.addi %parallel_loop3A_32, %parallel_loop3A_157 : vector<16xi32>
      tpu.vector_store_idx %arg8[%parallel_loop3A_158], %parallel_loop3A_155 {add = true} : memref<16384xf32, #tpu.memory_space<vmem>>[vector<16xi32>], vector<16xf32>,
      %parallel_loop3A_159 = arith.constant 18 : i32
      %parallel_loop3A_160 = vector.broadcast %parallel_loop3A_159 : i32 to vector<16xi32>
      %parallel_loop3A_161 = arith.addi %parallel_loop3A_29, %parallel_loop3A_160 : vector<16xi32>
      %parallel_loop3A_162 = tpu.vector_load_idx %arg6[%parallel_loop3A_161] : memref<16384xf32, #tpu.memory_space<vmem>>[vector<16xi32>], vector<16xf32>,
      %parallel_loop3A_163 = arith.constant 18 : i32
      %parallel_loop3A_164 = vector.broadcast %parallel_loop3A_163 : i32 to vector<16xi32>
      %parallel_loop3A_165 = arith.addi %parallel_loop3A_32, %parallel_loop3A_164 : vector<16xi32>
      tpu.vector_store_idx %arg8[%parallel_loop3A_165], %parallel_loop3A_162 {add = true} : memref<16384xf32, #tpu.memory_space<vmem>>[vector<16xi32>], vector<16xf32>,
      %parallel_loop3A_166 = arith.constant 19 : i32
      %parallel_loop3A_167 = vector.broadcast %parallel_loop3A_166 : i32 to vector<16xi32>
      %parallel_loop3A_168 = arith.addi %parallel_loop3A_29, %parallel_loop3A_167 : vector<16xi32>
      %parallel_loop3A_169 = tpu.vector_load_idx %arg6[%parallel_loop3A_168] : memref<16384xf32, #tpu.memory_space<vmem>>[vector<16xi32>], vector<16xf32>,
      %parallel_loop3A_170 = arith.constant 19 : i32
      %parallel_loop3A_171 = vector.broadcast %parallel_loop3A_170 : i32 to vector<16xi32>
      %parallel_loop3A_172 = arith.addi %parallel_loop3A_32, %parallel_loop3A_171 : vector<16xi32>
      tpu.vector_store_idx %arg8[%parallel_loop3A_172], %parallel_loop3A_169 {add = true} : memref<16384xf32, #tpu.memory_space<vmem>>[vector<16xi32>], vector<16xf32>,
      %parallel_loop3A_173 = arith.constant 20 : i32
      %parallel_loop3A_174 = vector.broadcast %parallel_loop3A_173 : i32 to vector<16xi32>
      %parallel_loop3A_175 = arith.addi %parallel_loop3A_29, %parallel_loop3A_174 : vector<16xi32>
      %parallel_loop3A_176 = tpu.vector_load_idx %arg6[%parallel_loop3A_175] : memref<16384xf32, #tpu.memory_space<vmem>>[vector<16xi32>], vector<16xf32>,
      %parallel_loop3A_177 = arith.constant 20 : i32
      %parallel_loop3A_178 = vector.broadcast %parallel_loop3A_177 : i32 to vector<16xi32>
      %parallel_loop3A_179 = arith.addi %parallel_loop3A_32, %parallel_loop3A_178 : vector<16xi32>
      tpu.vector_store_idx %arg8[%parallel_loop3A_179], %parallel_loop3A_176 {add = true} : memref<16384xf32, #tpu.memory_space<vmem>>[vector<16xi32>], vector<16xf32>,
      %parallel_loop3A_180 = arith.constant 21 : i32
      %parallel_loop3A_181 = vector.broadcast %parallel_loop3A_180 : i32 to vector<16xi32>
      %parallel_loop3A_182 = arith.addi %parallel_loop3A_29, %parallel_loop3A_181 : vector<16xi32>
      %parallel_loop3A_183 = tpu.vector_load_idx %arg6[%parallel_loop3A_182] : memref<16384xf32, #tpu.memory_space<vmem>>[vector<16xi32>], vector<16xf32>,
      %parallel_loop3A_184 = arith.constant 21 : i32
      %parallel_loop3A_185 = vector.broadcast %parallel_loop3A_184 : i32 to vector<16xi32>
      %parallel_loop3A_186 = arith.addi %parallel_loop3A_32, %parallel_loop3A_185 : vector<16xi32>
      tpu.vector_store_idx %arg8[%parallel_loop3A_186], %parallel_loop3A_183 {add = true} : memref<16384xf32, #tpu.memory_space<vmem>>[vector<16xi32>], vector<16xf32>,
      %parallel_loop3A_187 = arith.constant 22 : i32
      %parallel_loop3A_188 = vector.broadcast %parallel_loop3A_187 : i32 to vector<16xi32>
      %parallel_loop3A_189 = arith.addi %parallel_loop3A_29, %parallel_loop3A_188 : vector<16xi32>
      %parallel_loop3A_190 = tpu.vector_load_idx %arg6[%parallel_loop3A_189] : memref<16384xf32, #tpu.memory_space<vmem>>[vector<16xi32>], vector<16xf32>,
      %parallel_loop3A_191 = arith.constant 22 : i32
      %parallel_loop3A_192 = vector.broadcast %parallel_loop3A_191 : i32 to vector<16xi32>
      %parallel_loop3A_193 = arith.addi %parallel_loop3A_32, %parallel_loop3A_192 : vector<16xi32>
      tpu.vector_store_idx %arg8[%parallel_loop3A_193], %parallel_loop3A_190 {add = true} : memref<16384xf32, #tpu.memory_space<vmem>>[vector<16xi32>], vector<16xf32>,
      %parallel_loop3A_194 = arith.constant 23 : i32
      %parallel_loop3A_195 = vector.broadcast %parallel_loop3A_194 : i32 to vector<16xi32>
      %parallel_loop3A_196 = arith.addi %parallel_loop3A_29, %parallel_loop3A_195 : vector<16xi32>
      %parallel_loop3A_197 = tpu.vector_load_idx %arg6[%parallel_loop3A_196] : memref<16384xf32, #tpu.memory_space<vmem>>[vector<16xi32>], vector<16xf32>,
      %parallel_loop3A_198 = arith.constant 23 : i32
      %parallel_loop3A_199 = vector.broadcast %parallel_loop3A_198 : i32 to vector<16xi32>
      %parallel_loop3A_200 = arith.addi %parallel_loop3A_32, %parallel_loop3A_199 : vector<16xi32>
      tpu.vector_store_idx %arg8[%parallel_loop3A_200], %parallel_loop3A_197 {add = true} : memref<16384xf32, #tpu.memory_space<vmem>>[vector<16xi32>], vector<16xf32>,
      %parallel_loop3A_201 = arith.constant 24 : i32
      %parallel_loop3A_202 = vector.broadcast %parallel_loop3A_201 : i32 to vector<16xi32>
      %parallel_loop3A_203 = arith.addi %parallel_loop3A_29, %parallel_loop3A_202 : vector<16xi32>
      %parallel_loop3A_204 = tpu.vector_load_idx %arg6[%parallel_loop3A_203] : memref<16384xf32, #tpu.memory_space<vmem>>[vector<16xi32>], vector<16xf32>,
      %parallel_loop3A_205 = arith.constant 24 : i32
      %parallel_loop3A_206 = vector.broadcast %parallel_loop3A_205 : i32 to vector<16xi32>
      %parallel_loop3A_207 = arith.addi %parallel_loop3A_32, %parallel_loop3A_206 : vector<16xi32>
      tpu.vector_store_idx %arg8[%parallel_loop3A_207], %parallel_loop3A_204 {add = true} : memref<16384xf32, #tpu.memory_space<vmem>>[vector<16xi32>], vector<16xf32>,
      %parallel_loop3A_208 = arith.constant 25 : i32
      %parallel_loop3A_209 = vector.broadcast %parallel_loop3A_208 : i32 to vector<16xi32>
      %parallel_loop3A_210 = arith.addi %parallel_loop3A_29, %parallel_loop3A_209 : vector<16xi32>
      %parallel_loop3A_211 = tpu.vector_load_idx %arg6[%parallel_loop3A_210] : memref<16384xf32, #tpu.memory_space<vmem>>[vector<16xi32>], vector<16xf32>,
      %parallel_loop3A_212 = arith.constant 25 : i32
      %parallel_loop3A_213 = vector.broadcast %parallel_loop3A_212 : i32 to vector<16xi32>
      %parallel_loop3A_214 = arith.addi %parallel_loop3A_32, %parallel_loop3A_213 : vector<16xi32>
      tpu.vector_store_idx %arg8[%parallel_loop3A_214], %parallel_loop3A_211 {add = true} : memref<16384xf32, #tpu.memory_space<vmem>>[vector<16xi32>], vector<16xf32>,
      %parallel_loop3A_215 = arith.constant 26 : i32
      %parallel_loop3A_216 = vector.broadcast %parallel_loop3A_215 : i32 to vector<16xi32>
      %parallel_loop3A_217 = arith.addi %parallel_loop3A_29, %parallel_loop3A_216 : vector<16xi32>
      %parallel_loop3A_218 = tpu.vector_load_idx %arg6[%parallel_loop3A_217] : memref<16384xf32, #tpu.memory_space<vmem>>[vector<16xi32>], vector<16xf32>,
      %parallel_loop3A_219 = arith.constant 26 : i32
      %parallel_loop3A_220 = vector.broadcast %parallel_loop3A_219 : i32 to vector<16xi32>
      %parallel_loop3A_221 = arith.addi %parallel_loop3A_32, %parallel_loop3A_220 : vector<16xi32>
      tpu.vector_store_idx %arg8[%parallel_loop3A_221], %parallel_loop3A_218 {add = true} : memref<16384xf32, #tpu.memory_space<vmem>>[vector<16xi32>], vector<16xf32>,
      %parallel_loop3A_222 = arith.constant 27 : i32
      %parallel_loop3A_223 = vector.broadcast %parallel_loop3A_222 : i32 to vector<16xi32>
      %parallel_loop3A_224 = arith.addi %parallel_loop3A_29, %parallel_loop3A_223 : vector<16xi32>
      %parallel_loop3A_225 = tpu.vector_load_idx %arg6[%parallel_loop3A_224] : memref<16384xf32, #tpu.memory_space<vmem>>[vector<16xi32>], vector<16xf32>,
      %parallel_loop3A_226 = arith.constant 27 : i32
      %parallel_loop3A_227 = vector.broadcast %parallel_loop3A_226 : i32 to vector<16xi32>
      %parallel_loop3A_228 = arith.addi %parallel_loop3A_32, %parallel_loop3A_227 : vector<16xi32>
      tpu.vector_store_idx %arg8[%parallel_loop3A_228], %parallel_loop3A_225 {add = true} : memref<16384xf32, #tpu.memory_space<vmem>>[vector<16xi32>], vector<16xf32>,
      %parallel_loop3A_229 = arith.constant 28 : i32
      %parallel_loop3A_230 = vector.broadcast %parallel_loop3A_229 : i32 to vector<16xi32>
      %parallel_loop3A_231 = arith.addi %parallel_loop3A_29, %parallel_loop3A_230 : vector<16xi32>
      %parallel_loop3A_232 = tpu.vector_load_idx %arg6[%parallel_loop3A_231] : memref<16384xf32, #tpu.memory_space<vmem>>[vector<16xi32>], vector<16xf32>,
      %parallel_loop3A_233 = arith.constant 28 : i32
      %parallel_loop3A_234 = vector.broadcast %parallel_loop3A_233 : i32 to vector<16xi32>
      %parallel_loop3A_235 = arith.addi %parallel_loop3A_32, %parallel_loop3A_234 : vector<16xi32>
      tpu.vector_store_idx %arg8[%parallel_loop3A_235], %parallel_loop3A_232 {add = true} : memref<16384xf32, #tpu.memory_space<vmem>>[vector<16xi32>], vector<16xf32>,
      %parallel_loop3A_236 = arith.constant 29 : i32
      %parallel_loop3A_237 = vector.broadcast %parallel_loop3A_236 : i32 to vector<16xi32>
      %parallel_loop3A_238 = arith.addi %parallel_loop3A_29, %parallel_loop3A_237 : vector<16xi32>
      %parallel_loop3A_239 = tpu.vector_load_idx %arg6[%parallel_loop3A_238] : memref<16384xf32, #tpu.memory_space<vmem>>[vector<16xi32>], vector<16xf32>,
      %parallel_loop3A_240 = arith.constant 29 : i32
      %parallel_loop3A_241 = vector.broadcast %parallel_loop3A_240 : i32 to vector<16xi32>
      %parallel_loop3A_242 = arith.addi %parallel_loop3A_32, %parallel_loop3A_241 : vector<16xi32>
      tpu.vector_store_idx %arg8[%parallel_loop3A_242], %parallel_loop3A_239 {add = true} : memref<16384xf32, #tpu.memory_space<vmem>>[vector<16xi32>], vector<16xf32>,
      %parallel_loop3A_243 = arith.constant 30 : i32
      %parallel_loop3A_244 = vector.broadcast %parallel_loop3A_243 : i32 to vector<16xi32>
      %parallel_loop3A_245 = arith.addi %parallel_loop3A_29, %parallel_loop3A_244 : vector<16xi32>
      %parallel_loop3A_246 = tpu.vector_load_idx %arg6[%parallel_loop3A_245] : memref<16384xf32, #tpu.memory_space<vmem>>[vector<16xi32>], vector<16xf32>,
      %parallel_loop3A_247 = arith.constant 30 : i32
      %parallel_loop3A_248 = vector.broadcast %parallel_loop3A_247 : i32 to vector<16xi32>
      %parallel_loop3A_249 = arith.addi %parallel_loop3A_32, %parallel_loop3A_248 : vector<16xi32>
      tpu.vector_store_idx %arg8[%parallel_loop3A_249], %parallel_loop3A_246 {add = true} : memref<16384xf32, #tpu.memory_space<vmem>>[vector<16xi32>], vector<16xf32>,
      %parallel_loop3A_250 = arith.constant 31 : i32
      %parallel_loop3A_251 = vector.broadcast %parallel_loop3A_250 : i32 to vector<16xi32>
      %parallel_loop3A_252 = arith.addi %parallel_loop3A_29, %parallel_loop3A_251 : vector<16xi32>
      %parallel_loop3A_253 = tpu.vector_load_idx %arg6[%parallel_loop3A_252] : memref<16384xf32, #tpu.memory_space<vmem>>[vector<16xi32>], vector<16xf32>,
      %parallel_loop3A_254 = arith.constant 31 : i32
      %parallel_loop3A_255 = vector.broadcast %parallel_loop3A_254 : i32 to vector<16xi32>
      %parallel_loop3A_256 = arith.addi %parallel_loop3A_32, %parallel_loop3A_255 : vector<16xi32>
      tpu.vector_store_idx %arg8[%parallel_loop3A_256], %parallel_loop3A_253 {add = true} : memref<16384xf32, #tpu.memory_space<vmem>>[vector<16xi32>], vector<16xf32>,
      tpu.vector_store_idx %arg9[%parallel_loop3A_22], %broadcast_in_dim3A_14 {add = true} : memref<512xf32, #tpu.memory_space<vmem>>[vector<16xi32>], vector<16xf32>,
    } {sc.loop_unroll_factor = 2 : i64, sc.parallel_access}
    "tpu.region"() ({
      %run_scoped3A = tpu.sem_alloc : memref<!tpu.dma_semaphore, #tpu.memory_space<semaphore_mem>>
      %dma_start3A = arith.constant 0 : i32
      %dma_start3A_18 = tpu.memref_slice %arg4[%add3A, %dma_start3A] : memref<32x16384xf32, #tpu.memory_space<hbm>> -> memref<1x16384xf32, #tpu.memory_space<hbm>>
      %dma_start3A_19 = tpu.memref_squeeze %dma_start3A_18 : memref<1x16384xf32, #tpu.memory_space<hbm>> -> memref<16384xf32, #tpu.memory_space<hbm>>
      %dma_start3A_20 = arith.constant 0 : i32
      %dma_start3A_21 = tpu.memref_slice %arg4[%add3A, %dma_start3A_20] : memref<32x16384xf32, #tpu.memory_space<hbm>> -> memref<1x16384xf32, #tpu.memory_space<hbm>>
      %dma_start3A_22 = tpu.memref_squeeze %dma_start3A_21 : memref<1x16384xf32, #tpu.memory_space<hbm>> -> memref<16384xf32, #tpu.memory_space<hbm>>
      tpu.enqueue_dma source(%arg8 : memref<16384xf32, #tpu.memory_space<vmem>>) target(%dma_start3A_22 : memref<16384xf32, #tpu.memory_space<hbm>>) target_semaphore(%run_scoped3A : memref<!tpu.dma_semaphore, #tpu.memory_space<semaphore_mem>>)
      %dma_wait3A = arith.constant 0 : i32
      %dma_wait3A_23 = tpu.memref_slice %arg4[%add3A, %dma_wait3A] : memref<32x16384xf32, #tpu.memory_space<hbm>> -> memref<1x16384xf32, #tpu.memory_space<hbm>>
      %dma_wait3A_24 = tpu.memref_squeeze %dma_wait3A_23 : memref<1x16384xf32, #tpu.memory_space<hbm>> -> memref<16384xf32, #tpu.memory_space<hbm>>
      %dma_wait3A_25 = arith.constant 0 : i32
      %dma_wait3A_26 = tpu.memref_slice %arg4[%add3A, %dma_wait3A_25] : memref<32x16384xf32, #tpu.memory_space<hbm>> -> memref<1x16384xf32, #tpu.memory_space<hbm>>
      %dma_wait3A_27 = tpu.memref_squeeze %dma_wait3A_26 : memref<1x16384xf32, #tpu.memory_space<hbm>> -> memref<16384xf32, #tpu.memory_space<hbm>>
      tpu.wait_dma2 semaphore(%run_scoped3A : memref<!tpu.dma_semaphore, #tpu.memory_space<semaphore_mem>>) src(%arg8 : memref<16384xf32, #tpu.memory_space<vmem>>) dst(%dma_wait3A_27 : memref<16384xf32, #tpu.memory_space<hbm>>)
      tpu.yield
    }) : () -> ()
    "tpu.region"() ({
      %run_scoped3A = tpu.sem_alloc : memref<!tpu.dma_semaphore, #tpu.memory_space<semaphore_mem>>
      %dma_start3A = arith.constant 0 : i32
      %dma_start3A_18 = tpu.memref_slice %arg5[%add3A, %dma_start3A] : memref<32x512xf32, #tpu.memory_space<hbm>> -> memref<1x512xf32, #tpu.memory_space<hbm>>
      %dma_start3A_19 = tpu.memref_squeeze %dma_start3A_18 : memref<1x512xf32, #tpu.memory_space<hbm>> -> memref<512xf32, #tpu.memory_space<hbm>>
      %dma_start3A_20 = arith.constant 0 : i32
      %dma_start3A_21 = tpu.memref_slice %arg5[%add3A, %dma_start3A_20] : memref<32x512xf32, #tpu.memory_space<hbm>> -> memref<1x512xf32, #tpu.memory_space<hbm>>
      %dma_start3A_22 = tpu.memref_squeeze %dma_start3A_21 : memref<1x512xf32, #tpu.memory_space<hbm>> -> memref<512xf32, #tpu.memory_space<hbm>>
      tpu.enqueue_dma source(%arg9 : memref<512xf32, #tpu.memory_space<vmem>>) target(%dma_start3A_22 : memref<512xf32, #tpu.memory_space<hbm>>) target_semaphore(%run_scoped3A : memref<!tpu.dma_semaphore, #tpu.memory_space<semaphore_mem>>)
      %dma_wait3A = arith.constant 0 : i32
      %dma_wait3A_23 = tpu.memref_slice %arg5[%add3A, %dma_wait3A] : memref<32x512xf32, #tpu.memory_space<hbm>> -> memref<1x512xf32, #tpu.memory_space<hbm>>
      %dma_wait3A_24 = tpu.memref_squeeze %dma_wait3A_23 : memref<1x512xf32, #tpu.memory_space<hbm>> -> memref<512xf32, #tpu.memory_space<hbm>>
      %dma_wait3A_25 = arith.constant 0 : i32
      %dma_wait3A_26 = tpu.memref_slice %arg5[%add3A, %dma_wait3A_25] : memref<32x512xf32, #tpu.memory_space<hbm>> -> memref<1x512xf32, #tpu.memory_space<hbm>>
      %dma_wait3A_27 = tpu.memref_squeeze %dma_wait3A_26 : memref<1x512xf32, #tpu.memory_space<hbm>> -> memref<512xf32, #tpu.memory_space<hbm>>
      tpu.wait_dma2 semaphore(%run_scoped3A : memref<!tpu.dma_semaphore, #tpu.memory_space<semaphore_mem>>) src(%arg9 : memref<512xf32, #tpu.memory_space<vmem>>) dst(%dma_wait3A_27 : memref<512xf32, #tpu.memory_space<hbm>>)
      tpu.yield
    }) : () -> ()
    return
  }
}

#map = affine_map<(d0, d1) -> (0)>
#map1 = affine_map<(d0, d1) -> (0, 0)>
module attributes {stable_mosaic.version = 14 : i64} {
  func.func @_segsum(%arg0: i32, %arg1: i32, %arg2: memref<1048576xf32, #tpu.memory_space<hbm>>, %arg3: memref<16384xi32, #tpu.memory_space<hbm>>, %arg4: memref<32x16384xf32, #tpu.memory_space<hbm>>, %arg5: memref<32x512xf32, #tpu.memory_space<hbm>>, %arg6: memref<16384xf32, #tpu.memory_space<vmem>>, %arg7: memref<512xi32, #tpu.memory_space<vmem>>, %arg8: memref<16384xf32, #tpu.memory_space<vmem>>, %arg9: memref<512xf32, #tpu.memory_space<vmem>>) attributes {dimension_semantics = [#tpu.dimension_semantics<core_parallel>, #tpu.dimension_semantics<subcore_parallel>], iteration_bounds = array<i64: 2, 16>, scalar_prefetch = 0 : i64, scratch_operands = 4 : i64, tpu.core_type = #tpu.core_type<sc_vector_subcore>, window_params = [{transform_indices = #map}, {transform_indices = #map}, {transform_indices = #map1}, {transform_indices = #map1}]} {
    %mul3A = arith.constant 2 : i32
    %mul3A_0 = arith.muli %arg1, %mul3A : i32
    %add3A = arith.addi %mul3A_0, %arg0 : i32
    %mul3A_1 = arith.constant 512 : i32
    %mul3A_2 = arith.muli %add3A, %mul3A_1 : i32
    %add3A_3 = arith.constant 16384 : i32
    %add3A_4 = arith.addi %add3A_3, %mul3A_2 : i32
    %mul3A_5 = arith.constant 32 : i32
    %mul3A_6 = arith.muli %add3A_4, %mul3A_5 : i32
    "tpu.region"() ({
      %run_scoped3A = tpu.sem_alloc : memref<!tpu.dma_semaphore, #tpu.memory_space<semaphore_mem>>
      %dma_start3A = tpu.memref_slice %arg2[%mul3A_6] : memref<1048576xf32, #tpu.memory_space<hbm>> -> memref<16384xf32, #tpu.memory_space<hbm>>
      %dma_start3A_18 = tpu.memref_slice %arg2[%mul3A_6] : memref<1048576xf32, #tpu.memory_space<hbm>> -> memref<16384xf32, #tpu.memory_space<hbm>>
      tpu.enqueue_dma source(%dma_start3A_18 : memref<16384xf32, #tpu.memory_space<hbm>>) target(%arg6 : memref<16384xf32, #tpu.memory_space<vmem>>) target_semaphore(%run_scoped3A : memref<!tpu.dma_semaphore, #tpu.memory_space<semaphore_mem>>)
      %dma_wait3A = tpu.memref_slice %arg2[%mul3A_6] : memref<1048576xf32, #tpu.memory_space<hbm>> -> memref<16384xf32, #tpu.memory_space<hbm>>
      %dma_wait3A_19 = tpu.memref_slice %arg2[%mul3A_6] : memref<1048576xf32, #tpu.memory_space<hbm>> -> memref<16384xf32, #tpu.memory_space<hbm>>
      tpu.wait_dma2 semaphore(%run_scoped3A : memref<!tpu.dma_semaphore, #tpu.memory_space<semaphore_mem>>) src(%dma_wait3A_19 : memref<16384xf32, #tpu.memory_space<hbm>>) dst(%arg6 : memref<16384xf32, #tpu.memory_space<vmem>>)
      tpu.yield
    }) : () -> ()
    "tpu.region"() ({
      %run_scoped3A = tpu.sem_alloc : memref<!tpu.dma_semaphore, #tpu.memory_space<semaphore_mem>>
      %dma_start3A = tpu.memref_slice %arg3[%mul3A_2] : memref<16384xi32, #tpu.memory_space<hbm>> -> memref<512xi32, #tpu.memory_space<hbm>>
      %dma_start3A_18 = tpu.memref_slice %arg3[%mul3A_2] : memref<16384xi32, #tpu.memory_space<hbm>> -> memref<512xi32, #tpu.memory_space<hbm>>
      tpu.enqueue_dma source(%dma_start3A_18 : memref<512xi32, #tpu.memory_space<hbm>>) target(%arg7 : memref<512xi32, #tpu.memory_space<vmem>>) target_semaphore(%run_scoped3A : memref<!tpu.dma_semaphore, #tpu.memory_space<semaphore_mem>>)
      %dma_wait3A = tpu.memref_slice %arg3[%mul3A_2] : memref<16384xi32, #tpu.memory_space<hbm>> -> memref<512xi32, #tpu.memory_space<hbm>>
      %dma_wait3A_19 = tpu.memref_slice %arg3[%mul3A_2] : memref<16384xi32, #tpu.memory_space<hbm>> -> memref<512xi32, #tpu.memory_space<hbm>>
      tpu.wait_dma2 semaphore(%run_scoped3A : memref<!tpu.dma_semaphore, #tpu.memory_space<semaphore_mem>>) src(%dma_wait3A_19 : memref<512xi32, #tpu.memory_space<hbm>>) dst(%arg7 : memref<512xi32, #tpu.memory_space<vmem>>)
      tpu.yield
    }) : () -> ()
    %broadcast_in_dim3A = arith.constant 0.000000e+00 : f32
    %broadcast_in_dim3A_7 = vector.broadcast %broadcast_in_dim3A : f32 to vector<16xf32>
    %parallel_loop3A = arith.constant 0 : i32
    %parallel_loop3A_8 = arith.constant 1024 : i32
    %parallel_loop3A_9 = arith.constant 1 : i32
    scf.for %parallel_loop3A_18 = %parallel_loop3A to %parallel_loop3A_8 step %parallel_loop3A_9  : i32 {
      %parallel_loop3A_19 = arith.constant 16 : i32
      %parallel_loop3A_20 = arith.muli %parallel_loop3A_18, %parallel_loop3A_19 : i32
      %parallel_loop3A_21 = arith.index_cast %parallel_loop3A_20 : i32 to index
      %parallel_loop3A_22 = tpu.vector_load %arg8[%parallel_loop3A_21] {strides = array<i32>} : memref<16384xf32, #tpu.memory_space<vmem>>, vector<16xf32>,
      tpu.vector_store %arg8[%parallel_loop3A_21], %broadcast_in_dim3A_7 {strides = array<i32>} : memref<16384xf32, #tpu.memory_space<vmem>>, vector<16xf32>,
    } {sc.loop_unroll_factor = 8 : i64, sc.parallel_access}
    %parallel_loop3A_10 = arith.constant 0 : i32
    %parallel_loop3A_11 = arith.constant 32 : i32
    %parallel_loop3A_12 = arith.constant 1 : i32
    scf.for %parallel_loop3A_18 = %parallel_loop3A_10 to %parallel_loop3A_11 step %parallel_loop3A_12  : i32 {
      %parallel_loop3A_19 = arith.constant 16 : i32
      %parallel_loop3A_20 = arith.muli %parallel_loop3A_18, %parallel_loop3A_19 : i32
      %parallel_loop3A_21 = arith.index_cast %parallel_loop3A_20 : i32 to index
      %parallel_loop3A_22 = tpu.vector_load %arg9[%parallel_loop3A_21] {strides = array<i32>} : memref<512xf32, #tpu.memory_space<vmem>>, vector<16xf32>,
      tpu.vector_store %arg9[%parallel_loop3A_21], %broadcast_in_dim3A_7 {strides = array<i32>} : memref<512xf32, #tpu.memory_space<vmem>>, vector<16xf32>,
    } {sc.loop_unroll_factor = 8 : i64, sc.parallel_access}
    %iota3A = tpu.iota {dimensions = array<i32: 0>} : vector<16xi32>
    %broadcast_in_dim3A_13 = arith.constant 1.000000e+00 : f32
    %broadcast_in_dim3A_14 = vector.broadcast %broadcast_in_dim3A_13 : f32 to vector<16xf32>
    %parallel_loop3A_15 = arith.constant 0 : i32
    %parallel_loop3A_16 = arith.constant 32 : i32
    %parallel_loop3A_17 = arith.constant 1 : i32
    scf.for %parallel_loop3A_18 = %parallel_loop3A_15 to %parallel_loop3A_16 step %parallel_loop3A_17  : i32 {
      %parallel_loop3A_19 = arith.constant 16 : i32
      %parallel_loop3A_20 = arith.muli %parallel_loop3A_18, %parallel_loop3A_19 : i32
      %parallel_loop3A_21 = arith.index_cast %parallel_loop3A_20 : i32 to index
      %parallel_loop3A_22 = tpu.vector_load %arg7[%parallel_loop3A_21] {strides = array<i32>} : memref<512xi32, #tpu.memory_space<vmem>>, vector<16xi32>,
      %parallel_loop3A_23 = arith.constant 16 : i32
      %parallel_loop3A_24 = arith.muli %parallel_loop3A_18, %parallel_loop3A_23 : i32
      %parallel_loop3A_25 = vector.broadcast %parallel_loop3A_24 : i32 to vector<16xi32>
      %parallel_loop3A_26 = arith.addi %parallel_loop3A_25, %iota3A : vector<16xi32>
      %parallel_loop3A_27 = arith.constant 32 : i32
      %parallel_loop3A_28 = vector.broadcast %parallel_loop3A_27 : i32 to vector<16xi32>
      %parallel_loop3A_29 = arith.muli %parallel_loop3A_26, %parallel_loop3A_28 : vector<16xi32>
      %parallel_loop3A_30 = arith.constant 32 : i32
      %parallel_loop3A_31 = vector.broadcast %parallel_loop3A_30 : i32 to vector<16xi32>
      %parallel_loop3A_32 = arith.muli %parallel_loop3A_22, %parallel_loop3A_31 : vector<16xi32>
      %parallel_loop3A_33 = arith.constant 0 : i32
      %parallel_loop3A_34 = vector.broadcast %parallel_loop3A_33 : i32 to vector<16xi32>
      %parallel_loop3A_35 = arith.addi %parallel_loop3A_29, %parallel_loop3A_34 : vector<16xi32>
      %parallel_loop3A_36 = tpu.vector_load_idx %arg6[%parallel_loop3A_35] : memref<16384xf32, #tpu.memory_space<vmem>>[vector<16xi32>], vector<16xf32>,
      %parallel_loop3A_37 = arith.constant 0 : i32
      %parallel_loop3A_38 = vector.broadcast %parallel_loop3A_37 : i32 to vector<16xi32>
      %parallel_loop3A_39 = arith.addi %parallel_loop3A_32, %parallel_loop3A_38 : vector<16xi32>
      tpu.vector_store_idx %arg8[%parallel_loop3A_39], %parallel_loop3A_36 {add = true} : memref<16384xf32, #tpu.memory_space<vmem>>[vector<16xi32>], vector<16xf32>,
      %parallel_loop3A_40 = arith.constant 1 : i32
      %parallel_loop3A_41 = vector.broadcast %parallel_loop3A_40 : i32 to vector<16xi32>
      %parallel_loop3A_42 = arith.addi %parallel_loop3A_29, %parallel_loop3A_41 : vector<16xi32>
      %parallel_loop3A_43 = tpu.vector_load_idx %arg6[%parallel_loop3A_42] : memref<16384xf32, #tpu.memory_space<vmem>>[vector<16xi32>], vector<16xf32>,
      %parallel_loop3A_44 = arith.constant 1 : i32
      %parallel_loop3A_45 = vector.broadcast %parallel_loop3A_44 : i32 to vector<16xi32>
      %parallel_loop3A_46 = arith.addi %parallel_loop3A_32, %parallel_loop3A_45 : vector<16xi32>
      tpu.vector_store_idx %arg8[%parallel_loop3A_46], %parallel_loop3A_43 {add = true} : memref<16384xf32, #tpu.memory_space<vmem>>[vector<16xi32>], vector<16xf32>,
      %parallel_loop3A_47 = arith.constant 2 : i32
      %parallel_loop3A_48 = vector.broadcast %parallel_loop3A_47 : i32 to vector<16xi32>
      %parallel_loop3A_49 = arith.addi %parallel_loop3A_29, %parallel_loop3A_48 : vector<16xi32>
      %parallel_loop3A_50 = tpu.vector_load_idx %arg6[%parallel_loop3A_49] : memref<16384xf32, #tpu.memory_space<vmem>>[vector<16xi32>], vector<16xf32>,
      %parallel_loop3A_51 = arith.constant 2 : i32
      %parallel_loop3A_52 = vector.broadcast %parallel_loop3A_51 : i32 to vector<16xi32>
      %parallel_loop3A_53 = arith.addi %parallel_loop3A_32, %parallel_loop3A_52 : vector<16xi32>
      tpu.vector_store_idx %arg8[%parallel_loop3A_53], %parallel_loop3A_50 {add = true} : memref<16384xf32, #tpu.memory_space<vmem>>[vector<16xi32>], vector<16xf32>,
      %parallel_loop3A_54 = arith.constant 3 : i32
      %parallel_loop3A_55 = vector.broadcast %parallel_loop3A_54 : i32 to vector<16xi32>
      %parallel_loop3A_56 = arith.addi %parallel_loop3A_29, %parallel_loop3A_55 : vector<16xi32>
      %parallel_loop3A_57 = tpu.vector_load_idx %arg6[%parallel_loop3A_56] : memref<16384xf32, #tpu.memory_space<vmem>>[vector<16xi32>], vector<16xf32>,
      %parallel_loop3A_58 = arith.constant 3 : i32
      %parallel_loop3A_59 = vector.broadcast %parallel_loop3A_58 : i32 to vector<16xi32>
      %parallel_loop3A_60 = arith.addi %parallel_loop3A_32, %parallel_loop3A_59 : vector<16xi32>
      tpu.vector_store_idx %arg8[%parallel_loop3A_60], %parallel_loop3A_57 {add = true} : memref<16384xf32, #tpu.memory_space<vmem>>[vector<16xi32>], vector<16xf32>,
      %parallel_loop3A_61 = arith.constant 4 : i32
      %parallel_loop3A_62 = vector.broadcast %parallel_loop3A_61 : i32 to vector<16xi32>
      %parallel_loop3A_63 = arith.addi %parallel_loop3A_29, %parallel_loop3A_62 : vector<16xi32>
      %parallel_loop3A_64 = tpu.vector_load_idx %arg6[%parallel_loop3A_63] : memref<16384xf32, #tpu.memory_space<vmem>>[vector<16xi32>], vector<16xf32>,
      %parallel_loop3A_65 = arith.constant 4 : i32
      %parallel_loop3A_66 = vector.broadcast %parallel_loop3A_65 : i32 to vector<16xi32>
      %parallel_loop3A_67 = arith.addi %parallel_loop3A_32, %parallel_loop3A_66 : vector<16xi32>
      tpu.vector_store_idx %arg8[%parallel_loop3A_67], %parallel_loop3A_64 {add = true} : memref<16384xf32, #tpu.memory_space<vmem>>[vector<16xi32>], vector<16xf32>,
      %parallel_loop3A_68 = arith.constant 5 : i32
      %parallel_loop3A_69 = vector.broadcast %parallel_loop3A_68 : i32 to vector<16xi32>
      %parallel_loop3A_70 = arith.addi %parallel_loop3A_29, %parallel_loop3A_69 : vector<16xi32>
      %parallel_loop3A_71 = tpu.vector_load_idx %arg6[%parallel_loop3A_70] : memref<16384xf32, #tpu.memory_space<vmem>>[vector<16xi32>], vector<16xf32>,
      %parallel_loop3A_72 = arith.constant 5 : i32
      %parallel_loop3A_73 = vector.broadcast %parallel_loop3A_72 : i32 to vector<16xi32>
      %parallel_loop3A_74 = arith.addi %parallel_loop3A_32, %parallel_loop3A_73 : vector<16xi32>
      tpu.vector_store_idx %arg8[%parallel_loop3A_74], %parallel_loop3A_71 {add = true} : memref<16384xf32, #tpu.memory_space<vmem>>[vector<16xi32>], vector<16xf32>,
      %parallel_loop3A_75 = arith.constant 6 : i32
      %parallel_loop3A_76 = vector.broadcast %parallel_loop3A_75 : i32 to vector<16xi32>
      %parallel_loop3A_77 = arith.addi %parallel_loop3A_29, %parallel_loop3A_76 : vector<16xi32>
      %parallel_loop3A_78 = tpu.vector_load_idx %arg6[%parallel_loop3A_77] : memref<16384xf32, #tpu.memory_space<vmem>>[vector<16xi32>], vector<16xf32>,
      %parallel_loop3A_79 = arith.constant 6 : i32
      %parallel_loop3A_80 = vector.broadcast %parallel_loop3A_79 : i32 to vector<16xi32>
      %parallel_loop3A_81 = arith.addi %parallel_loop3A_32, %parallel_loop3A_80 : vector<16xi32>
      tpu.vector_store_idx %arg8[%parallel_loop3A_81], %parallel_loop3A_78 {add = true} : memref<16384xf32, #tpu.memory_space<vmem>>[vector<16xi32>], vector<16xf32>,
      %parallel_loop3A_82 = arith.constant 7 : i32
      %parallel_loop3A_83 = vector.broadcast %parallel_loop3A_82 : i32 to vector<16xi32>
      %parallel_loop3A_84 = arith.addi %parallel_loop3A_29, %parallel_loop3A_83 : vector<16xi32>
      %parallel_loop3A_85 = tpu.vector_load_idx %arg6[%parallel_loop3A_84] : memref<16384xf32, #tpu.memory_space<vmem>>[vector<16xi32>], vector<16xf32>,
      %parallel_loop3A_86 = arith.constant 7 : i32
      %parallel_loop3A_87 = vector.broadcast %parallel_loop3A_86 : i32 to vector<16xi32>
      %parallel_loop3A_88 = arith.addi %parallel_loop3A_32, %parallel_loop3A_87 : vector<16xi32>
      tpu.vector_store_idx %arg8[%parallel_loop3A_88], %parallel_loop3A_85 {add = true} : memref<16384xf32, #tpu.memory_space<vmem>>[vector<16xi32>], vector<16xf32>,
      %parallel_loop3A_89 = arith.constant 8 : i32
      %parallel_loop3A_90 = vector.broadcast %parallel_loop3A_89 : i32 to vector<16xi32>
      %parallel_loop3A_91 = arith.addi %parallel_loop3A_29, %parallel_loop3A_90 : vector<16xi32>
      %parallel_loop3A_92 = tpu.vector_load_idx %arg6[%parallel_loop3A_91] : memref<16384xf32, #tpu.memory_space<vmem>>[vector<16xi32>], vector<16xf32>,
      %parallel_loop3A_93 = arith.constant 8 : i32
      %parallel_loop3A_94 = vector.broadcast %parallel_loop3A_93 : i32 to vector<16xi32>
      %parallel_loop3A_95 = arith.addi %parallel_loop3A_32, %parallel_loop3A_94 : vector<16xi32>
      tpu.vector_store_idx %arg8[%parallel_loop3A_95], %parallel_loop3A_92 {add = true} : memref<16384xf32, #tpu.memory_space<vmem>>[vector<16xi32>], vector<16xf32>,
      %parallel_loop3A_96 = arith.constant 9 : i32
      %parallel_loop3A_97 = vector.broadcast %parallel_loop3A_96 : i32 to vector<16xi32>
      %parallel_loop3A_98 = arith.addi %parallel_loop3A_29, %parallel_loop3A_97 : vector<16xi32>
      %parallel_loop3A_99 = tpu.vector_load_idx %arg6[%parallel_loop3A_98] : memref<16384xf32, #tpu.memory_space<vmem>>[vector<16xi32>], vector<16xf32>,
      %parallel_loop3A_100 = arith.constant 9 : i32
      %parallel_loop3A_101 = vector.broadcast %parallel_loop3A_100 : i32 to vector<16xi32>
      %parallel_loop3A_102 = arith.addi %parallel_loop3A_32, %parallel_loop3A_101 : vector<16xi32>
      tpu.vector_store_idx %arg8[%parallel_loop3A_102], %parallel_loop3A_99 {add = true} : memref<16384xf32, #tpu.memory_space<vmem>>[vector<16xi32>], vector<16xf32>,
      %parallel_loop3A_103 = arith.constant 10 : i32
      %parallel_loop3A_104 = vector.broadcast %parallel_loop3A_103 : i32 to vector<16xi32>
      %parallel_loop3A_105 = arith.addi %parallel_loop3A_29, %parallel_loop3A_104 : vector<16xi32>
      %parallel_loop3A_106 = tpu.vector_load_idx %arg6[%parallel_loop3A_105] : memref<16384xf32, #tpu.memory_space<vmem>>[vector<16xi32>], vector<16xf32>,
      %parallel_loop3A_107 = arith.constant 10 : i32
      %parallel_loop3A_108 = vector.broadcast %parallel_loop3A_107 : i32 to vector<16xi32>
      %parallel_loop3A_109 = arith.addi %parallel_loop3A_32, %parallel_loop3A_108 : vector<16xi32>
      tpu.vector_store_idx %arg8[%parallel_loop3A_109], %parallel_loop3A_106 {add = true} : memref<16384xf32, #tpu.memory_space<vmem>>[vector<16xi32>], vector<16xf32>,
      %parallel_loop3A_110 = arith.constant 11 : i32
      %parallel_loop3A_111 = vector.broadcast %parallel_loop3A_110 : i32 to vector<16xi32>
      %parallel_loop3A_112 = arith.addi %parallel_loop3A_29, %parallel_loop3A_111 : vector<16xi32>
      %parallel_loop3A_113 = tpu.vector_load_idx %arg6[%parallel_loop3A_112] : memref<16384xf32, #tpu.memory_space<vmem>>[vector<16xi32>], vector<16xf32>,
      %parallel_loop3A_114 = arith.constant 11 : i32
      %parallel_loop3A_115 = vector.broadcast %parallel_loop3A_114 : i32 to vector<16xi32>
      %parallel_loop3A_116 = arith.addi %parallel_loop3A_32, %parallel_loop3A_115 : vector<16xi32>
      tpu.vector_store_idx %arg8[%parallel_loop3A_116], %parallel_loop3A_113 {add = true} : memref<16384xf32, #tpu.memory_space<vmem>>[vector<16xi32>], vector<16xf32>,
      %parallel_loop3A_117 = arith.constant 12 : i32
      %parallel_loop3A_118 = vector.broadcast %parallel_loop3A_117 : i32 to vector<16xi32>
      %parallel_loop3A_119 = arith.addi %parallel_loop3A_29, %parallel_loop3A_118 : vector<16xi32>
      %parallel_loop3A_120 = tpu.vector_load_idx %arg6[%parallel_loop3A_119] : memref<16384xf32, #tpu.memory_space<vmem>>[vector<16xi32>], vector<16xf32>,
      %parallel_loop3A_121 = arith.constant 12 : i32
      %parallel_loop3A_122 = vector.broadcast %parallel_loop3A_121 : i32 to vector<16xi32>
      %parallel_loop3A_123 = arith.addi %parallel_loop3A_32, %parallel_loop3A_122 : vector<16xi32>
      tpu.vector_store_idx %arg8[%parallel_loop3A_123], %parallel_loop3A_120 {add = true} : memref<16384xf32, #tpu.memory_space<vmem>>[vector<16xi32>], vector<16xf32>,
      %parallel_loop3A_124 = arith.constant 13 : i32
      %parallel_loop3A_125 = vector.broadcast %parallel_loop3A_124 : i32 to vector<16xi32>
      %parallel_loop3A_126 = arith.addi %parallel_loop3A_29, %parallel_loop3A_125 : vector<16xi32>
      %parallel_loop3A_127 = tpu.vector_load_idx %arg6[%parallel_loop3A_126] : memref<16384xf32, #tpu.memory_space<vmem>>[vector<16xi32>], vector<16xf32>,
      %parallel_loop3A_128 = arith.constant 13 : i32
      %parallel_loop3A_129 = vector.broadcast %parallel_loop3A_128 : i32 to vector<16xi32>
      %parallel_loop3A_130 = arith.addi %parallel_loop3A_32, %parallel_loop3A_129 : vector<16xi32>
      tpu.vector_store_idx %arg8[%parallel_loop3A_130], %parallel_loop3A_127 {add = true} : memref<16384xf32, #tpu.memory_space<vmem>>[vector<16xi32>], vector<16xf32>,
      %parallel_loop3A_131 = arith.constant 14 : i32
      %parallel_loop3A_132 = vector.broadcast %parallel_loop3A_131 : i32 to vector<16xi32>
      %parallel_loop3A_133 = arith.addi %parallel_loop3A_29, %parallel_loop3A_132 : vector<16xi32>
      %parallel_loop3A_134 = tpu.vector_load_idx %arg6[%parallel_loop3A_133] : memref<16384xf32, #tpu.memory_space<vmem>>[vector<16xi32>], vector<16xf32>,
      %parallel_loop3A_135 = arith.constant 14 : i32
      %parallel_loop3A_136 = vector.broadcast %parallel_loop3A_135 : i32 to vector<16xi32>
      %parallel_loop3A_137 = arith.addi %parallel_loop3A_32, %parallel_loop3A_136 : vector<16xi32>
      tpu.vector_store_idx %arg8[%parallel_loop3A_137], %parallel_loop3A_134 {add = true} : memref<16384xf32, #tpu.memory_space<vmem>>[vector<16xi32>], vector<16xf32>,
      %parallel_loop3A_138 = arith.constant 15 : i32
      %parallel_loop3A_139 = vector.broadcast %parallel_loop3A_138 : i32 to vector<16xi32>
      %parallel_loop3A_140 = arith.addi %parallel_loop3A_29, %parallel_loop3A_139 : vector<16xi32>
      %parallel_loop3A_141 = tpu.vector_load_idx %arg6[%parallel_loop3A_140] : memref<16384xf32, #tpu.memory_space<vmem>>[vector<16xi32>], vector<16xf32>,
      %parallel_loop3A_142 = arith.constant 15 : i32
      %parallel_loop3A_143 = vector.broadcast %parallel_loop3A_142 : i32 to vector<16xi32>
      %parallel_loop3A_144 = arith.addi %parallel_loop3A_32, %parallel_loop3A_143 : vector<16xi32>
      tpu.vector_store_idx %arg8[%parallel_loop3A_144], %parallel_loop3A_141 {add = true} : memref<16384xf32, #tpu.memory_space<vmem>>[vector<16xi32>], vector<16xf32>,
      %parallel_loop3A_145 = arith.constant 16 : i32
      %parallel_loop3A_146 = vector.broadcast %parallel_loop3A_145 : i32 to vector<16xi32>
      %parallel_loop3A_147 = arith.addi %parallel_loop3A_29, %parallel_loop3A_146 : vector<16xi32>
      %parallel_loop3A_148 = tpu.vector_load_idx %arg6[%parallel_loop3A_147] : memref<16384xf32, #tpu.memory_space<vmem>>[vector<16xi32>], vector<16xf32>,
      %parallel_loop3A_149 = arith.constant 16 : i32
      %parallel_loop3A_150 = vector.broadcast %parallel_loop3A_149 : i32 to vector<16xi32>
      %parallel_loop3A_151 = arith.addi %parallel_loop3A_32, %parallel_loop3A_150 : vector<16xi32>
      tpu.vector_store_idx %arg8[%parallel_loop3A_151], %parallel_loop3A_148 {add = true} : memref<16384xf32, #tpu.memory_space<vmem>>[vector<16xi32>], vector<16xf32>,
      %parallel_loop3A_152 = arith.constant 17 : i32
      %parallel_loop3A_153 = vector.broadcast %parallel_loop3A_152 : i32 to vector<16xi32>
      %parallel_loop3A_154 = arith.addi %parallel_loop3A_29, %parallel_loop3A_153 : vector<16xi32>
      %parallel_loop3A_155 = tpu.vector_load_idx %arg6[%parallel_loop3A_154] : memref<16384xf32, #tpu.memory_space<vmem>>[vector<16xi32>], vector<16xf32>,
      %parallel_loop3A_156 = arith.constant 17 : i32
      %parallel_loop3A_157 = vector.broadcast %parallel_loop3A_156 : i32 to vector<16xi32>
      %parallel_loop3A_158 = arith.addi %parallel_loop3A_32, %parallel_loop3A_157 : vector<16xi32>
      tpu.vector_store_idx %arg8[%parallel_loop3A_158], %parallel_loop3A_155 {add = true} : memref<16384xf32, #tpu.memory_space<vmem>>[vector<16xi32>], vector<16xf32>,
      %parallel_loop3A_159 = arith.constant 18 : i32
      %parallel_loop3A_160 = vector.broadcast %parallel_loop3A_159 : i32 to vector<16xi32>
      %parallel_loop3A_161 = arith.addi %parallel_loop3A_29, %parallel_loop3A_160 : vector<16xi32>
      %parallel_loop3A_162 = tpu.vector_load_idx %arg6[%parallel_loop3A_161] : memref<16384xf32, #tpu.memory_space<vmem>>[vector<16xi32>], vector<16xf32>,
      %parallel_loop3A_163 = arith.constant 18 : i32
      %parallel_loop3A_164 = vector.broadcast %parallel_loop3A_163 : i32 to vector<16xi32>
      %parallel_loop3A_165 = arith.addi %parallel_loop3A_32, %parallel_loop3A_164 : vector<16xi32>
      tpu.vector_store_idx %arg8[%parallel_loop3A_165], %parallel_loop3A_162 {add = true} : memref<16384xf32, #tpu.memory_space<vmem>>[vector<16xi32>], vector<16xf32>,
      %parallel_loop3A_166 = arith.constant 19 : i32
      %parallel_loop3A_167 = vector.broadcast %parallel_loop3A_166 : i32 to vector<16xi32>
      %parallel_loop3A_168 = arith.addi %parallel_loop3A_29, %parallel_loop3A_167 : vector<16xi32>
      %parallel_loop3A_169 = tpu.vector_load_idx %arg6[%parallel_loop3A_168] : memref<16384xf32, #tpu.memory_space<vmem>>[vector<16xi32>], vector<16xf32>,
      %parallel_loop3A_170 = arith.constant 19 : i32
      %parallel_loop3A_171 = vector.broadcast %parallel_loop3A_170 : i32 to vector<16xi32>
      %parallel_loop3A_172 = arith.addi %parallel_loop3A_32, %parallel_loop3A_171 : vector<16xi32>
      tpu.vector_store_idx %arg8[%parallel_loop3A_172], %parallel_loop3A_169 {add = true} : memref<16384xf32, #tpu.memory_space<vmem>>[vector<16xi32>], vector<16xf32>,
      %parallel_loop3A_173 = arith.constant 20 : i32
      %parallel_loop3A_174 = vector.broadcast %parallel_loop3A_173 : i32 to vector<16xi32>
      %parallel_loop3A_175 = arith.addi %parallel_loop3A_29, %parallel_loop3A_174 : vector<16xi32>
      %parallel_loop3A_176 = tpu.vector_load_idx %arg6[%parallel_loop3A_175] : memref<16384xf32, #tpu.memory_space<vmem>>[vector<16xi32>], vector<16xf32>,
      %parallel_loop3A_177 = arith.constant 20 : i32
      %parallel_loop3A_178 = vector.broadcast %parallel_loop3A_177 : i32 to vector<16xi32>
      %parallel_loop3A_179 = arith.addi %parallel_loop3A_32, %parallel_loop3A_178 : vector<16xi32>
      tpu.vector_store_idx %arg8[%parallel_loop3A_179], %parallel_loop3A_176 {add = true} : memref<16384xf32, #tpu.memory_space<vmem>>[vector<16xi32>], vector<16xf32>,
      %parallel_loop3A_180 = arith.constant 21 : i32
      %parallel_loop3A_181 = vector.broadcast %parallel_loop3A_180 : i32 to vector<16xi32>
      %parallel_loop3A_182 = arith.addi %parallel_loop3A_29, %parallel_loop3A_181 : vector<16xi32>
      %parallel_loop3A_183 = tpu.vector_load_idx %arg6[%parallel_loop3A_182] : memref<16384xf32, #tpu.memory_space<vmem>>[vector<16xi32>], vector<16xf32>,
      %parallel_loop3A_184 = arith.constant 21 : i32
      %parallel_loop3A_185 = vector.broadcast %parallel_loop3A_184 : i32 to vector<16xi32>
      %parallel_loop3A_186 = arith.addi %parallel_loop3A_32, %parallel_loop3A_185 : vector<16xi32>
      tpu.vector_store_idx %arg8[%parallel_loop3A_186], %parallel_loop3A_183 {add = true} : memref<16384xf32, #tpu.memory_space<vmem>>[vector<16xi32>], vector<16xf32>,
      %parallel_loop3A_187 = arith.constant 22 : i32
      %parallel_loop3A_188 = vector.broadcast %parallel_loop3A_187 : i32 to vector<16xi32>
      %parallel_loop3A_189 = arith.addi %parallel_loop3A_29, %parallel_loop3A_188 : vector<16xi32>
      %parallel_loop3A_190 = tpu.vector_load_idx %arg6[%parallel_loop3A_189] : memref<16384xf32, #tpu.memory_space<vmem>>[vector<16xi32>], vector<16xf32>,
      %parallel_loop3A_191 = arith.constant 22 : i32
      %parallel_loop3A_192 = vector.broadcast %parallel_loop3A_191 : i32 to vector<16xi32>
      %parallel_loop3A_193 = arith.addi %parallel_loop3A_32, %parallel_loop3A_192 : vector<16xi32>
      tpu.vector_store_idx %arg8[%parallel_loop3A_193], %parallel_loop3A_190 {add = true} : memref<16384xf32, #tpu.memory_space<vmem>>[vector<16xi32>], vector<16xf32>,
      %parallel_loop3A_194 = arith.constant 23 : i32
      %parallel_loop3A_195 = vector.broadcast %parallel_loop3A_194 : i32 to vector<16xi32>
      %parallel_loop3A_196 = arith.addi %parallel_loop3A_29, %parallel_loop3A_195 : vector<16xi32>
      %parallel_loop3A_197 = tpu.vector_load_idx %arg6[%parallel_loop3A_196] : memref<16384xf32, #tpu.memory_space<vmem>>[vector<16xi32>], vector<16xf32>,
      %parallel_loop3A_198 = arith.constant 23 : i32
      %parallel_loop3A_199 = vector.broadcast %parallel_loop3A_198 : i32 to vector<16xi32>
      %parallel_loop3A_200 = arith.addi %parallel_loop3A_32, %parallel_loop3A_199 : vector<16xi32>
      tpu.vector_store_idx %arg8[%parallel_loop3A_200], %parallel_loop3A_197 {add = true} : memref<16384xf32, #tpu.memory_space<vmem>>[vector<16xi32>], vector<16xf32>,
      %parallel_loop3A_201 = arith.constant 24 : i32
      %parallel_loop3A_202 = vector.broadcast %parallel_loop3A_201 : i32 to vector<16xi32>
      %parallel_loop3A_203 = arith.addi %parallel_loop3A_29, %parallel_loop3A_202 : vector<16xi32>
      %parallel_loop3A_204 = tpu.vector_load_idx %arg6[%parallel_loop3A_203] : memref<16384xf32, #tpu.memory_space<vmem>>[vector<16xi32>], vector<16xf32>,
      %parallel_loop3A_205 = arith.constant 24 : i32
      %parallel_loop3A_206 = vector.broadcast %parallel_loop3A_205 : i32 to vector<16xi32>
      %parallel_loop3A_207 = arith.addi %parallel_loop3A_32, %parallel_loop3A_206 : vector<16xi32>
      tpu.vector_store_idx %arg8[%parallel_loop3A_207], %parallel_loop3A_204 {add = true} : memref<16384xf32, #tpu.memory_space<vmem>>[vector<16xi32>], vector<16xf32>,
      %parallel_loop3A_208 = arith.constant 25 : i32
      %parallel_loop3A_209 = vector.broadcast %parallel_loop3A_208 : i32 to vector<16xi32>
      %parallel_loop3A_210 = arith.addi %parallel_loop3A_29, %parallel_loop3A_209 : vector<16xi32>
      %parallel_loop3A_211 = tpu.vector_load_idx %arg6[%parallel_loop3A_210] : memref<16384xf32, #tpu.memory_space<vmem>>[vector<16xi32>], vector<16xf32>,
      %parallel_loop3A_212 = arith.constant 25 : i32
      %parallel_loop3A_213 = vector.broadcast %parallel_loop3A_212 : i32 to vector<16xi32>
      %parallel_loop3A_214 = arith.addi %parallel_loop3A_32, %parallel_loop3A_213 : vector<16xi32>
      tpu.vector_store_idx %arg8[%parallel_loop3A_214], %parallel_loop3A_211 {add = true} : memref<16384xf32, #tpu.memory_space<vmem>>[vector<16xi32>], vector<16xf32>,
      %parallel_loop3A_215 = arith.constant 26 : i32
      %parallel_loop3A_216 = vector.broadcast %parallel_loop3A_215 : i32 to vector<16xi32>
      %parallel_loop3A_217 = arith.addi %parallel_loop3A_29, %parallel_loop3A_216 : vector<16xi32>
      %parallel_loop3A_218 = tpu.vector_load_idx %arg6[%parallel_loop3A_217] : memref<16384xf32, #tpu.memory_space<vmem>>[vector<16xi32>], vector<16xf32>,
      %parallel_loop3A_219 = arith.constant 26 : i32
      %parallel_loop3A_220 = vector.broadcast %parallel_loop3A_219 : i32 to vector<16xi32>
      %parallel_loop3A_221 = arith.addi %parallel_loop3A_32, %parallel_loop3A_220 : vector<16xi32>
      tpu.vector_store_idx %arg8[%parallel_loop3A_221], %parallel_loop3A_218 {add = true} : memref<16384xf32, #tpu.memory_space<vmem>>[vector<16xi32>], vector<16xf32>,
      %parallel_loop3A_222 = arith.constant 27 : i32
      %parallel_loop3A_223 = vector.broadcast %parallel_loop3A_222 : i32 to vector<16xi32>
      %parallel_loop3A_224 = arith.addi %parallel_loop3A_29, %parallel_loop3A_223 : vector<16xi32>
      %parallel_loop3A_225 = tpu.vector_load_idx %arg6[%parallel_loop3A_224] : memref<16384xf32, #tpu.memory_space<vmem>>[vector<16xi32>], vector<16xf32>,
      %parallel_loop3A_226 = arith.constant 27 : i32
      %parallel_loop3A_227 = vector.broadcast %parallel_loop3A_226 : i32 to vector<16xi32>
      %parallel_loop3A_228 = arith.addi %parallel_loop3A_32, %parallel_loop3A_227 : vector<16xi32>
      tpu.vector_store_idx %arg8[%parallel_loop3A_228], %parallel_loop3A_225 {add = true} : memref<16384xf32, #tpu.memory_space<vmem>>[vector<16xi32>], vector<16xf32>,
      %parallel_loop3A_229 = arith.constant 28 : i32
      %parallel_loop3A_230 = vector.broadcast %parallel_loop3A_229 : i32 to vector<16xi32>
      %parallel_loop3A_231 = arith.addi %parallel_loop3A_29, %parallel_loop3A_230 : vector<16xi32>
      %parallel_loop3A_232 = tpu.vector_load_idx %arg6[%parallel_loop3A_231] : memref<16384xf32, #tpu.memory_space<vmem>>[vector<16xi32>], vector<16xf32>,
      %parallel_loop3A_233 = arith.constant 28 : i32
      %parallel_loop3A_234 = vector.broadcast %parallel_loop3A_233 : i32 to vector<16xi32>
      %parallel_loop3A_235 = arith.addi %parallel_loop3A_32, %parallel_loop3A_234 : vector<16xi32>
      tpu.vector_store_idx %arg8[%parallel_loop3A_235], %parallel_loop3A_232 {add = true} : memref<16384xf32, #tpu.memory_space<vmem>>[vector<16xi32>], vector<16xf32>,
      %parallel_loop3A_236 = arith.constant 29 : i32
      %parallel_loop3A_237 = vector.broadcast %parallel_loop3A_236 : i32 to vector<16xi32>
      %parallel_loop3A_238 = arith.addi %parallel_loop3A_29, %parallel_loop3A_237 : vector<16xi32>
      %parallel_loop3A_239 = tpu.vector_load_idx %arg6[%parallel_loop3A_238] : memref<16384xf32, #tpu.memory_space<vmem>>[vector<16xi32>], vector<16xf32>,
      %parallel_loop3A_240 = arith.constant 29 : i32
      %parallel_loop3A_241 = vector.broadcast %parallel_loop3A_240 : i32 to vector<16xi32>
      %parallel_loop3A_242 = arith.addi %parallel_loop3A_32, %parallel_loop3A_241 : vector<16xi32>
      tpu.vector_store_idx %arg8[%parallel_loop3A_242], %parallel_loop3A_239 {add = true} : memref<16384xf32, #tpu.memory_space<vmem>>[vector<16xi32>], vector<16xf32>,
      %parallel_loop3A_243 = arith.constant 30 : i32
      %parallel_loop3A_244 = vector.broadcast %parallel_loop3A_243 : i32 to vector<16xi32>
      %parallel_loop3A_245 = arith.addi %parallel_loop3A_29, %parallel_loop3A_244 : vector<16xi32>
      %parallel_loop3A_246 = tpu.vector_load_idx %arg6[%parallel_loop3A_245] : memref<16384xf32, #tpu.memory_space<vmem>>[vector<16xi32>], vector<16xf32>,
      %parallel_loop3A_247 = arith.constant 30 : i32
      %parallel_loop3A_248 = vector.broadcast %parallel_loop3A_247 : i32 to vector<16xi32>
      %parallel_loop3A_249 = arith.addi %parallel_loop3A_32, %parallel_loop3A_248 : vector<16xi32>
      tpu.vector_store_idx %arg8[%parallel_loop3A_249], %parallel_loop3A_246 {add = true} : memref<16384xf32, #tpu.memory_space<vmem>>[vector<16xi32>], vector<16xf32>,
      %parallel_loop3A_250 = arith.constant 31 : i32
      %parallel_loop3A_251 = vector.broadcast %parallel_loop3A_250 : i32 to vector<16xi32>
      %parallel_loop3A_252 = arith.addi %parallel_loop3A_29, %parallel_loop3A_251 : vector<16xi32>
      %parallel_loop3A_253 = tpu.vector_load_idx %arg6[%parallel_loop3A_252] : memref<16384xf32, #tpu.memory_space<vmem>>[vector<16xi32>], vector<16xf32>,
      %parallel_loop3A_254 = arith.constant 31 : i32
      %parallel_loop3A_255 = vector.broadcast %parallel_loop3A_254 : i32 to vector<16xi32>
      %parallel_loop3A_256 = arith.addi %parallel_loop3A_32, %parallel_loop3A_255 : vector<16xi32>
      tpu.vector_store_idx %arg8[%parallel_loop3A_256], %parallel_loop3A_253 {add = true} : memref<16384xf32, #tpu.memory_space<vmem>>[vector<16xi32>], vector<16xf32>,
      tpu.vector_store_idx %arg9[%parallel_loop3A_22], %broadcast_in_dim3A_14 {add = true} : memref<512xf32, #tpu.memory_space<vmem>>[vector<16xi32>], vector<16xf32>,
    } {sc.loop_unroll_factor = 2 : i64, sc.parallel_access}
    "tpu.region"() ({
      %run_scoped3A = tpu.sem_alloc : memref<!tpu.dma_semaphore, #tpu.memory_space<semaphore_mem>>
      %dma_start3A = arith.constant 0 : i32
      %dma_start3A_18 = tpu.memref_slice %arg4[%add3A, %dma_start3A] : memref<32x16384xf32, #tpu.memory_space<hbm>> -> memref<1x16384xf32, #tpu.memory_space<hbm>>
      %dma_start3A_19 = tpu.memref_squeeze %dma_start3A_18 : memref<1x16384xf32, #tpu.memory_space<hbm>> -> memref<16384xf32, #tpu.memory_space<hbm>>
      %dma_start3A_20 = arith.constant 0 : i32
      %dma_start3A_21 = tpu.memref_slice %arg4[%add3A, %dma_start3A_20] : memref<32x16384xf32, #tpu.memory_space<hbm>> -> memref<1x16384xf32, #tpu.memory_space<hbm>>
      %dma_start3A_22 = tpu.memref_squeeze %dma_start3A_21 : memref<1x16384xf32, #tpu.memory_space<hbm>> -> memref<16384xf32, #tpu.memory_space<hbm>>
      tpu.enqueue_dma source(%arg8 : memref<16384xf32, #tpu.memory_space<vmem>>) target(%dma_start3A_22 : memref<16384xf32, #tpu.memory_space<hbm>>) target_semaphore(%run_scoped3A : memref<!tpu.dma_semaphore, #tpu.memory_space<semaphore_mem>>)
      %dma_wait3A = arith.constant 0 : i32
      %dma_wait3A_23 = tpu.memref_slice %arg4[%add3A, %dma_wait3A] : memref<32x16384xf32, #tpu.memory_space<hbm>> -> memref<1x16384xf32, #tpu.memory_space<hbm>>
      %dma_wait3A_24 = tpu.memref_squeeze %dma_wait3A_23 : memref<1x16384xf32, #tpu.memory_space<hbm>> -> memref<16384xf32, #tpu.memory_space<hbm>>
      %dma_wait3A_25 = arith.constant 0 : i32
      %dma_wait3A_26 = tpu.memref_slice %arg4[%add3A, %dma_wait3A_25] : memref<32x16384xf32, #tpu.memory_space<hbm>> -> memref<1x16384xf32, #tpu.memory_space<hbm>>
      %dma_wait3A_27 = tpu.memref_squeeze %dma_wait3A_26 : memref<1x16384xf32, #tpu.memory_space<hbm>> -> memref<16384xf32, #tpu.memory_space<hbm>>
      tpu.wait_dma2 semaphore(%run_scoped3A : memref<!tpu.dma_semaphore, #tpu.memory_space<semaphore_mem>>) src(%arg8 : memref<16384xf32, #tpu.memory_space<vmem>>) dst(%dma_wait3A_27 : memref<16384xf32, #tpu.memory_space<hbm>>)
      tpu.yield
    }) : () -> ()
    "tpu.region"() ({
      %run_scoped3A = tpu.sem_alloc : memref<!tpu.dma_semaphore, #tpu.memory_space<semaphore_mem>>
      %dma_start3A = arith.constant 0 : i32
      %dma_start3A_18 = tpu.memref_slice %arg5[%add3A, %dma_start3A] : memref<32x512xf32, #tpu.memory_space<hbm>> -> memref<1x512xf32, #tpu.memory_space<hbm>>
      %dma_start3A_19 = tpu.memref_squeeze %dma_start3A_18 : memref<1x512xf32, #tpu.memory_space<hbm>> -> memref<512xf32, #tpu.memory_space<hbm>>
      %dma_start3A_20 = arith.constant 0 : i32
      %dma_start3A_21 = tpu.memref_slice %arg5[%add3A, %dma_start3A_20] : memref<32x512xf32, #tpu.memory_space<hbm>> -> memref<1x512xf32, #tpu.memory_space<hbm>>
      %dma_start3A_22 = tpu.memref_squeeze %dma_start3A_21 : memref<1x512xf32, #tpu.memory_space<hbm>> -> memref<512xf32, #tpu.memory_space<hbm>>
      tpu.enqueue_dma source(%arg9 : memref<512xf32, #tpu.memory_space<vmem>>) target(%dma_start3A_22 : memref<512xf32, #tpu.memory_space<hbm>>) target_semaphore(%run_scoped3A : memref<!tpu.dma_semaphore, #tpu.memory_space<semaphore_mem>>)
      %dma_wait3A = arith.constant 0 : i32
      %dma_wait3A_23 = tpu.memref_slice %arg5[%add3A, %dma_wait3A] : memref<32x512xf32, #tpu.memory_space<hbm>> -> memref<1x512xf32, #tpu.memory_space<hbm>>
      %dma_wait3A_24 = tpu.memref_squeeze %dma_wait3A_23 : memref<1x512xf32, #tpu.memory_space<hbm>> -> memref<512xf32, #tpu.memory_space<hbm>>
      %dma_wait3A_25 = arith.constant 0 : i32
      %dma_wait3A_26 = tpu.memref_slice %arg5[%add3A, %dma_wait3A_25] : memref<32x512xf32, #tpu.memory_space<hbm>> -> memref<1x512xf32, #tpu.memory_space<hbm>>
      %dma_wait3A_27 = tpu.memref_squeeze %dma_wait3A_26 : memref<1x512xf32, #tpu.memory_space<hbm>> -> memref<512xf32, #tpu.memory_space<hbm>>
      tpu.wait_dma2 semaphore(%run_scoped3A : memref<!tpu.dma_semaphore, #tpu.memory_space<semaphore_mem>>) src(%arg9 : memref<512xf32, #tpu.memory_space<vmem>>) dst(%dma_wait3A_27 : memref<512xf32, #tpu.memory_space<hbm>>)
      tpu.yield
    }) : () -> ()
    return
  }
}

module attributes {stable_mosaic.version = 14 : i64} {
  func.func @_assign_body(%arg0: i32, %arg1: memref<512x32xf32, #tpu.memory_space<vmem>>, %arg2: memref<32x4096xf32, #tpu.memory_space<vmem>>, %arg3: memref<1x4096xi32, #tpu.memory_space<vmem>>) attributes {dimension_semantics = [#tpu.dimension_semantics<arbitrary>], iteration_bounds = array<i64: 4>, scalar_prefetch = 0 : i64, scratch_operands = 0 : i64, tpu.core_type = #tpu.core_type<tc>, window_params = [{pipeline_mode = #tpu.pipeline_mode<synchronous>, transform_indices = @transform_0, window_bounds = array<i64: 512, 32>}, {transform_indices = @transform_1, window_bounds = array<i64: 32, 4096>}, {transform_indices = @transform_2, window_bounds = array<i64: 1, 4096>}]} {
    %get3A = arith.constant 0 : index
    %get3A_0 = arith.constant 0 : index
    %get3A_1 = vector.load %arg1[%get3A, %get3A_0] : memref<512x32xf32, #tpu.memory_space<vmem>>, vector<512x32xf32>
    %get3A_2 = arith.constant 0 : index
    %get3A_3 = arith.constant 0 : index
    %get3A_4 = vector.load %arg2[%get3A_2, %get3A_3] : memref<32x4096xf32, #tpu.memory_space<vmem>>, vector<32x4096xf32>
    %dot_general3A = arith.constant dense<0.000000e+00> : vector<512x4096xf32>
    %dot_general3A_5 = tpu.matmul %get3A_1, %get3A_4, %dot_general3A {dimension_numbers = #tpu.dot_dimension_numbers<[1], [0], [0], [1], [0, 0, 1, 1], [], []>, precision = #tpu.contract_precision<fp32>, transpose_lhs_hint = false} : vector<512x32xf32>, vector<32x4096xf32>, vector<512x4096xf32> -> vector<512x4096xf32>
    %mul3A = arith.mulf %get3A_1, %get3A_1 : vector<512x32xf32>
    %reduce_sum3A = arith.constant dense<0.000000e+00> : vector<512xf32>
    %reduce_sum3A_6 = vector.multi_reduction <add>, %mul3A, %reduce_sum3A [1] : vector<512x32xf32> to vector<512xf32>
    %broadcast_in_dim3A = vector.shape_cast %reduce_sum3A_6 : vector<512xf32> to vector<512x1xf32>
    %mul3A_7 = arith.constant 2.000000e+00 : f32
    %mul3A_8 = vector.broadcast %mul3A_7 : f32 to vector<512x4096xf32>
    %mul3A_9 = arith.mulf %mul3A_8, %dot_general3A_5 : vector<512x4096xf32>
    %sub3A = vector.broadcast %broadcast_in_dim3A : vector<512x1xf32> to vector<512x4096xf32>
    %sub3A_10 = arith.subf %sub3A, %mul3A_9 : vector<512x4096xf32>
    %reduce_min3A = arith.constant dense<0x7F800000> : vector<4096xf32>
    %reduce_min3A_11 = vector.multi_reduction <minimumf>, %sub3A_10, %reduce_min3A [0] : vector<512x4096xf32> to vector<4096xf32>
    %broadcast_in_dim3A_12 = vector.shape_cast %reduce_min3A_11 : vector<4096xf32> to vector<1x4096xf32>
    %iota3A = tpu.iota {dimensions = array<i32: 0>} : vector<512x4096xi32>
    %eq3A = vector.broadcast %broadcast_in_dim3A_12 : vector<1x4096xf32> to vector<512x4096xf32>
    %eq3A_13 = arith.cmpf oeq, %sub3A_10, %eq3A : vector<512x4096xf32>
    %jit3A = arith.constant 512 : i32
    %broadcast_in_dim3A_14 = vector.broadcast %jit3A : i32 to vector<512x4096xi32>
    %select_n3A = arith.select %eq3A_13, %iota3A, %broadcast_in_dim3A_14 : vector<512x4096xi1>, vector<512x4096xi32>
    %reduce_min3A_15 = arith.constant dense<2147483647> : vector<4096xi32>
    %reduce_min3A_16 = vector.multi_reduction <minsi>, %select_n3A, %reduce_min3A_15 [0] : vector<512x4096xi32> to vector<4096xi32>
    %reshape3A = vector.shape_cast %reduce_min3A_16 : vector<4096xi32> to vector<1x4096xi32>
    %swap3A = arith.constant 0 : index
    %swap3A_17 = arith.constant 0 : index
    %swap3A_18 = vector.load %arg3[%swap3A, %swap3A_17] : memref<1x4096xi32, #tpu.memory_space<vmem>>, vector<1x4096xi32>
    tpu.vector_store %arg3[%swap3A, %swap3A_17], %reshape3A {strides = array<i32>} : memref<1x4096xi32, #tpu.memory_space<vmem>>, vector<1x4096xi32>,
    return
  }
  func.func @transform_0(%arg0: i32) -> (i32, i32) {
    %c0_i32 = arith.constant 0 : i32
    %c0_i32_0 = arith.constant 0 : i32
    %c0_i32_1 = arith.constant 0 : i32
    return %c0_i32, %c0_i32_0 : i32, i32
  }
  func.func @transform_1(%arg0: i32) -> (i32, i32) {
    %add3A = arith.constant 4 : i32
    %add3A_0 = arith.addi %add3A, %arg0 : i32
    %c0_i32 = arith.constant 0 : i32
    %c0_i32_1 = arith.constant 0 : i32
    return %c0_i32, %add3A_0 : i32, i32
  }
  func.func @transform_2(%arg0: i32) -> (i32, i32) {
    %c0_i32 = arith.constant 0 : i32
    %c0_i32_0 = arith.constant 0 : i32
    return %c0_i32, %arg0 : i32, i32
  }
}

module attributes {stable_mosaic.version = 14 : i64} {
  func.func @_assign_body(%arg0: i32, %arg1: memref<512x32xf32, #tpu.memory_space<vmem>>, %arg2: memref<32x4096xf32, #tpu.memory_space<vmem>>, %arg3: memref<1x4096xi32, #tpu.memory_space<vmem>>) attributes {dimension_semantics = [#tpu.dimension_semantics<arbitrary>], iteration_bounds = array<i64: 4>, scalar_prefetch = 0 : i64, scratch_operands = 0 : i64, tpu.core_type = #tpu.core_type<tc>, window_params = [{pipeline_mode = #tpu.pipeline_mode<synchronous>, transform_indices = @transform_0, window_bounds = array<i64: 512, 32>}, {transform_indices = @transform_1, window_bounds = array<i64: 32, 4096>}, {transform_indices = @transform_2, window_bounds = array<i64: 1, 4096>}]} {
    %get3A = arith.constant 0 : index
    %get3A_0 = arith.constant 0 : index
    %get3A_1 = vector.load %arg1[%get3A, %get3A_0] : memref<512x32xf32, #tpu.memory_space<vmem>>, vector<512x32xf32>
    %get3A_2 = arith.constant 0 : index
    %get3A_3 = arith.constant 0 : index
    %get3A_4 = vector.load %arg2[%get3A_2, %get3A_3] : memref<32x4096xf32, #tpu.memory_space<vmem>>, vector<32x4096xf32>
    %dot_general3A = arith.constant dense<0.000000e+00> : vector<512x4096xf32>
    %dot_general3A_5 = tpu.matmul %get3A_1, %get3A_4, %dot_general3A {dimension_numbers = #tpu.dot_dimension_numbers<[1], [0], [0], [1], [0, 0, 1, 1], [], []>, precision = #tpu.contract_precision<fp32>, transpose_lhs_hint = false} : vector<512x32xf32>, vector<32x4096xf32>, vector<512x4096xf32> -> vector<512x4096xf32>
    %mul3A = arith.mulf %get3A_1, %get3A_1 : vector<512x32xf32>
    %reduce_sum3A = arith.constant dense<0.000000e+00> : vector<512xf32>
    %reduce_sum3A_6 = vector.multi_reduction <add>, %mul3A, %reduce_sum3A [1] : vector<512x32xf32> to vector<512xf32>
    %broadcast_in_dim3A = vector.shape_cast %reduce_sum3A_6 : vector<512xf32> to vector<512x1xf32>
    %mul3A_7 = arith.constant 2.000000e+00 : f32
    %mul3A_8 = vector.broadcast %mul3A_7 : f32 to vector<512x4096xf32>
    %mul3A_9 = arith.mulf %mul3A_8, %dot_general3A_5 : vector<512x4096xf32>
    %sub3A = vector.broadcast %broadcast_in_dim3A : vector<512x1xf32> to vector<512x4096xf32>
    %sub3A_10 = arith.subf %sub3A, %mul3A_9 : vector<512x4096xf32>
    %reduce_min3A = arith.constant dense<0x7F800000> : vector<4096xf32>
    %reduce_min3A_11 = vector.multi_reduction <minimumf>, %sub3A_10, %reduce_min3A [0] : vector<512x4096xf32> to vector<4096xf32>
    %broadcast_in_dim3A_12 = vector.shape_cast %reduce_min3A_11 : vector<4096xf32> to vector<1x4096xf32>
    %iota3A = tpu.iota {dimensions = array<i32: 0>} : vector<512x4096xi32>
    %eq3A = vector.broadcast %broadcast_in_dim3A_12 : vector<1x4096xf32> to vector<512x4096xf32>
    %eq3A_13 = arith.cmpf oeq, %sub3A_10, %eq3A : vector<512x4096xf32>
    %jit3A = arith.constant 512 : i32
    %broadcast_in_dim3A_14 = vector.broadcast %jit3A : i32 to vector<512x4096xi32>
    %select_n3A = arith.select %eq3A_13, %iota3A, %broadcast_in_dim3A_14 : vector<512x4096xi1>, vector<512x4096xi32>
    %reduce_min3A_15 = arith.constant dense<2147483647> : vector<4096xi32>
    %reduce_min3A_16 = vector.multi_reduction <minsi>, %select_n3A, %reduce_min3A_15 [0] : vector<512x4096xi32> to vector<4096xi32>
    %reshape3A = vector.shape_cast %reduce_min3A_16 : vector<4096xi32> to vector<1x4096xi32>
    %swap3A = arith.constant 0 : index
    %swap3A_17 = arith.constant 0 : index
    %swap3A_18 = vector.load %arg3[%swap3A, %swap3A_17] : memref<1x4096xi32, #tpu.memory_space<vmem>>, vector<1x4096xi32>
    tpu.vector_store %arg3[%swap3A, %swap3A_17], %reshape3A {strides = array<i32>} : memref<1x4096xi32, #tpu.memory_space<vmem>>, vector<1x4096xi32>,
    return
  }
  func.func @transform_0(%arg0: i32) -> (i32, i32) {
    %c0_i32 = arith.constant 0 : i32
    %c0_i32_0 = arith.constant 0 : i32
    %c0_i32_1 = arith.constant 0 : i32
    return %c0_i32, %c0_i32_0 : i32, i32
  }
  func.func @transform_1(%arg0: i32) -> (i32, i32) {
    %add3A = arith.constant 0 : i32
    %add3A_0 = arith.addi %add3A, %arg0 : i32
    %c0_i32 = arith.constant 0 : i32
    %c0_i32_1 = arith.constant 0 : i32
    return %c0_i32, %add3A_0 : i32, i32
  }
  func.func @transform_2(%arg0: i32) -> (i32, i32) {
    %c0_i32 = arith.constant 0 : i32
    %c0_i32_0 = arith.constant 0 : i32
    return %c0_i32, %arg0 : i32, i32
  }
}

module attributes {stable_mosaic.version = 14 : i64} {
  func.func @_combine_body(%arg0: memref<32x16384xf32, #tpu.memory_space<vmem>>, %arg1: memref<32x16384xf32, #tpu.memory_space<vmem>>, %arg2: memref<32x512xf32, #tpu.memory_space<vmem>>, %arg3: memref<32x512xf32, #tpu.memory_space<vmem>>, %arg4: memref<1x16384xf32, #tpu.memory_space<vmem>>, %arg5: memref<1x512xi32, #tpu.memory_space<vmem>>) attributes {dimension_semantics = [], scalar_prefetch = 0 : i64, scratch_operands = 0 : i64, tpu.core_type = #tpu.core_type<tc>} {
    %get3A = arith.constant 0 : index
    %get3A_0 = arith.constant 0 : index
    %get3A_1 = vector.load %arg0[%get3A, %get3A_0] : memref<32x16384xf32, #tpu.memory_space<vmem>>, vector<32x16384xf32>
    %reduce_sum3A = arith.constant dense<0.000000e+00> : vector<16384xf32>
    %reduce_sum3A_2 = vector.multi_reduction <add>, %get3A_1, %reduce_sum3A [0] : vector<32x16384xf32> to vector<16384xf32>
    %broadcast_in_dim3A = vector.shape_cast %reduce_sum3A_2 : vector<16384xf32> to vector<1x16384xf32>
    %get3A_3 = arith.constant 0 : index
    %get3A_4 = arith.constant 0 : index
    %get3A_5 = vector.load %arg1[%get3A_3, %get3A_4] : memref<32x16384xf32, #tpu.memory_space<vmem>>, vector<32x16384xf32>
    %reduce_sum3A_6 = arith.constant dense<0.000000e+00> : vector<16384xf32>
    %reduce_sum3A_7 = vector.multi_reduction <add>, %get3A_5, %reduce_sum3A_6 [0] : vector<32x16384xf32> to vector<16384xf32>
    %broadcast_in_dim3A_8 = vector.shape_cast %reduce_sum3A_7 : vector<16384xf32> to vector<1x16384xf32>
    %add3A = arith.addf %broadcast_in_dim3A, %broadcast_in_dim3A_8 : vector<1x16384xf32>
    %swap3A = arith.constant 0 : index
    %swap3A_9 = arith.constant 0 : index
    %swap3A_10 = vector.load %arg4[%swap3A, %swap3A_9] : memref<1x16384xf32, #tpu.memory_space<vmem>>, vector<1x16384xf32>
    tpu.vector_store %arg4[%swap3A, %swap3A_9], %add3A {strides = array<i32>} : memref<1x16384xf32, #tpu.memory_space<vmem>>, vector<1x16384xf32>,
    %get3A_11 = arith.constant 0 : index
    %get3A_12 = arith.constant 0 : index
    %get3A_13 = vector.load %arg2[%get3A_11, %get3A_12] : memref<32x512xf32, #tpu.memory_space<vmem>>, vector<32x512xf32>
    %reduce_sum3A_14 = arith.constant dense<0.000000e+00> : vector<512xf32>
    %reduce_sum3A_15 = vector.multi_reduction <add>, %get3A_13, %reduce_sum3A_14 [0] : vector<32x512xf32> to vector<512xf32>
    %broadcast_in_dim3A_16 = vector.shape_cast %reduce_sum3A_15 : vector<512xf32> to vector<1x512xf32>
    %get3A_17 = arith.constant 0 : index
    %get3A_18 = arith.constant 0 : index
    %get3A_19 = vector.load %arg3[%get3A_17, %get3A_18] : memref<32x512xf32, #tpu.memory_space<vmem>>, vector<32x512xf32>
    %reduce_sum3A_20 = arith.constant dense<0.000000e+00> : vector<512xf32>
    %reduce_sum3A_21 = vector.multi_reduction <add>, %get3A_19, %reduce_sum3A_20 [0] : vector<32x512xf32> to vector<512xf32>
    %broadcast_in_dim3A_22 = vector.shape_cast %reduce_sum3A_21 : vector<512xf32> to vector<1x512xf32>
    %add3A_23 = arith.addf %broadcast_in_dim3A_16, %broadcast_in_dim3A_22 : vector<1x512xf32>
    %convert_element_type3A = arith.fptosi %add3A_23 : vector<1x512xf32> to vector<1x512xi32>
    %swap3A_24 = arith.constant 0 : index
    %swap3A_25 = arith.constant 0 : index
    %swap3A_26 = vector.load %arg5[%swap3A_24, %swap3A_25] : memref<1x512xi32, #tpu.memory_space<vmem>>, vector<1x512xi32>
    tpu.vector_store %arg5[%swap3A_24, %swap3A_25], %convert_element_type3A {strides = array<i32>} : memref<1x512xi32, #tpu.memory_space<vmem>>, vector<1x512xi32>,
    return
  }
}

</mosaic_0001>

<sc_bundles>
// kernel: kernel.10.cloned.1.call-start
scs
__scs_entry_jumppad:
0x0: {  	(pc) =	sbr.rel $0x88, $3  }
0x1: {  	(tag) =	ssettag $0x0;
	lr =	simm.s32 $0x1  }
0x2: {  	[smem:$0x3F9F] =	sst lr;
	_ =	strace $0xD0000000  }
0x3: {  	_ = 	snop  }
0x4: {  	_ = 	snop  }
0x5: {  	_ = 	snop  }
0x6: {  	_ = 	snop  }
0x7: {  	_ = 	snop  }
__scs_overlays_trampoline_lowered:
0x8: {  	[smem:$0x3FAE] =	sst s0  }
0x9: {  	[smem:$0x3FAF] =	sst s1  }
0xa: {  	[smem:$0x3FB0] =	sst s2  }
0xb: {  	[smem:$0x3FB1] =	sst s3  }
0xc: {  	[smem:$0x3FB2] =	sst s4  }
0xd: {  	[smem:$0x3FB3] =	sst s5  }
0xe: {  	[smem:$0x3FB4] =	sst s6  }
0xf: {  	[smem:$0x3FB5] =	sst s7  }
0x10: {  	[smem:$0x3FB6] =	sst s8  }
0x11: {  	[smem:$0x3FB7] =	sst s9;
	s0 =	simm.s32 @!p0 $0x0  }
0x12: {  	s1 =	sld [smem:$0x3F9D];
	s0 =	simm.s32 @p0 $0x1  }
0x13: {  	[smem:$0x3FB8] =	sst s0;
	s0 =	simm.s32 @!p1 $0x0  }
0x14: {  	s2 =	sld [smem:$0x3F9C];
	s0 =	simm.s32 @p1 $0x1  }
0x15: {  	[smem:$0x3FB9] =	sst s0;
	s0 =	simm.s32 @!p2 $0x0  }
0x16: {  	s3 =	sld [smem:$0x3FDB];
	s0 =	simm.s32 @p2 $0x1  }
0x17: {  	s4 =	simm.s32 $0x1BF5;
	[smem:$0x3FBB] =	sst s0  }
0x18: {  	s0 =	sld [smem:$0x3F9E];
	_ =	swait.ge [sflag:s4], $0x0  }
0x19: {  	s7 =	sld [smem:$0x3F9F]  }
0x1a: {  	s8 =	sadd.s32 $0xFFFFE003, lr  }
0x1b: {  	s9 =	sadd.s32 $0xFFFFFEF7, lr;
	s5 =	simm.s32 $0xFFFFFFFF;
	p2 =	slt.u32 s8, $0xFFFFF086  }
0x1c: {  	p1 =	slt.u32 s9, $0xF7A;
	s5 =	simm.s32 @!p2 $0x0  }
0x1d: {  	s5 =	simm.s32 @p1 $0x1;
	p0 =	seq.s32 s7, s2  }
0x1e: {  	s7 =	smul.u32 @!p0 $0xF7A, s2;
	p2 =	seq.s32 @!p0 s5, $0x0  }
0x1f: {  	s9 =	smul.u32 $0xF7A, s1;
	s8 =	simm.s32 @!p0 $0x1BF5;
	p2 =	por !p2, p0  }
0x20: {  	[sflag:s8] =	ssyncset.s32 @!p0 $0xFFFFF086;
	s6 =	sadd.s32 @!p0 s3, s7;
	s7 =	simm.s32 @!p0 $0x108  }
0x21: {  	s3 =	sadd.s32 s3, s9;
	s6 =	sadd.s32 @!p0 $0x88, s6;
	s7 =	simm.s32 @p2 $0x1082  }
0x22: {  	[simem:s7], [sflag:s8] =	dma.local @!p0 [hbm:s6], $0xF7A  }
0x23: {  	s9 =	sor.u32 $0xD0000000, s2;
	s6 =	simm.s32 $0x108;
	_ =	swait.ge @!p0 [sflag:s8], $0x0  }
0x24: {  	s3 =	sadd.s32 $0x88, s3;
	s6 =	simm.s32 @!p1 $0x1082;
	[sflag:s4] =	ssyncset.s32 $0xFFFFF086  }
0x25: {  	[simem:s6], [sflag:s4] =	dma.local [hbm:s3], $0xF7A  }
0x26: {  	[smem:$0x3F9F] =	sst s1;
	(tag) =	ssettag s2;
	_ =	strace s9  }
0x27: {  	s1 =	sld [smem:$0x3FAF]  }
0x28: {  	s2 =	sld [smem:$0x3FB0]  }
0x29: {  	s4 =	sld [smem:$0x3FB2]  }
0x2a: {  	p0 =	seq.s32 s5, $0x0;
	s5 =	sld [smem:$0x3FB3]  }
0x2b: {  	s6 =	sld [smem:$0x3FB4]  }
0x2c: {  	s7 =	sld [smem:$0x3FB5]  }
0x2d: {  	s3 =	simm.s32 $0x108;
	s8 =	sld [smem:$0x3FB6]  }
0x2e: {  	s3 =	simm.s32 @!p0 $0x1082;
	s9 =	sld [smem:$0x3FB7]  }
0x2f: {  	lr =	sadd.s32 s0, s3;
	s0 =	sld [smem:$0x3FAE]  }
0x30: {  	s3 =	sld [smem:$0x3FB1]  }
0x31: {  	[smem:$0x3FBA] =	sst s10  }
0x32: {  	s10 =	sld [smem:$0x3FB8];
	_ =	sdelay $0x3  }
0x33: {  	p0 =	seq.s32 s10, $0x1;
	s10 =	sld [smem:$0x3FBA];
	_ =	sdelay $0x3  }
0x34: {  	[smem:$0x3FBA] =	sst s10  }
0x35: {  	s10 =	sld [smem:$0x3FB9];
	_ =	sdelay $0x3  }
0x36: {  	p1 =	seq.s32 s10, $0x1;
	s10 =	sld [smem:$0x3FBA];
	_ =	sdelay $0x3  }
0x37: {  	[smem:$0x3FBA] =	sst s10  }
0x38: {  	s10 =	sld [smem:$0x3FBB]  }
0x39: {  	_ = 	snop;
	(pc) =	sbr.ind lr, $3  }
0x3a: {  	_ = 	snop  }
0x3b: {  	_ = 	snop  }
0x3c: {  	p2 =	seq.s32 s10, $0x1;
	s10 =	sld [smem:$0x3FBA]  }
0x3d: {  	_ =	shalt  }
0x3e: {  	_ =	shalt  }
0x3f: {  	_ =	shalt  }
0x40: {  	_ =	shalt  }
0x41: {  	_ =	shalt  }
0x42: {  	_ =	shalt  }
0x43: {  	_ =	shalt  }
0x44: {  	_ =	shalt  }
0x45: {  	_ =	shalt  }
0x46: {  	_ =	shalt  }
0x47: {  	_ =	shalt  }
0x48: {  	_ =	shalt  }
0x49: {  	_ =	shalt  }
0x4a: {  	_ =	shalt  }
0x4b: {  	_ =	shalt  }
0x4c: {  	_ =	shalt  }
0x4d: {  	_ =	shalt  }
0x4e: {  	_ =	shalt  }
0x4f: {  	_ =	shalt  }
0x50: {  	_ =	shalt  }
0x51: {  	_ =	shalt  }
0x52: {  	_ =	shalt  }
0x53: {  	_ =	shalt  }
0x54: {  	_ =	shalt  }
0x55: {  	_ =	shalt  }
0x56: {  	_ =	shalt  }
0x57: {  	_ =	shalt  }
0x58: {  	_ =	shalt  }
0x59: {  	_ =	shalt  }
0x5a: {  	_ =	shalt  }
0x5b: {  	_ =	shalt  }
0x5c: {  	_ =	shalt  }
0x5d: {  	_ =	shalt  }
0x5e: {  	_ =	shalt  }
0x5f: {  	_ =	shalt  }
0x60: {  	_ =	shalt  }
0x61: {  	_ =	shalt  }
0x62: {  	_ =	shalt  }
0x63: {  	_ =	shalt  }
0x64: {  	_ =	shalt  }
0x65: {  	_ =	shalt  }
0x66: {  	_ =	shalt  }
0x67: {  	_ =	shalt  }
0x68: {  	_ =	shalt  }
0x69: {  	_ =	shalt  }
0x6a: {  	_ =	shalt  }
0x6b: {  	_ =	shalt  }
0x6c: {  	_ =	shalt  }
0x6d: {  	_ =	shalt  }
0x6e: {  	_ =	shalt  }
0x6f: {  	_ =	shalt  }
0x70: {  	_ =	shalt  }
0x71: {  	_ =	shalt  }
0x72: {  	_ =	shalt  }
0x73: {  	_ =	shalt  }
0x74: {  	_ =	shalt  }
0x75: {  	_ =	shalt  }
0x76: {  	_ =	shalt  }
0x77: {  	_ =	shalt  }
0x78: {  	_ =	shalt  }
0x79: {  	_ =	shalt  }
0x7a: {  	_ =	shalt  }
0x7b: {  	_ =	shalt  }
0x7c: {  	_ =	shalt  }
0x7d: {  	_ =	shalt  }
0x7e: {  	_ =	shalt  }
0x7f: {  	_ =	shalt  }
0x80: {  	_ =	shalt  }
0x81: {  	_ =	shalt  }
0x82: {  	_ =	shalt  }
0x83: {  	_ =	shalt  }
0x84: {  	_ =	shalt  }
0x85: {  	_ =	shalt  }
0x86: {  	_ =	shalt  }
0x87: {  	_ =	shalt  }
.Lfunc_end0:
.L_simem_size_0:
called_computation.1_lowered:
.L_overlay_start_0:
0x88: {  	s2 =	sld [smem:$0x3FD9]  }
0x89: {  	s3 =	sld [smem:$0x3FFE];
	_ =	sdelay $0x1  }
0x8a: {  	s1 =	srdreg.scid  }
0x8b: {  	s0 =	sand.u32 $0x1, s1  }
0x8c: {  	s17 =	sshll.u32 s0, $0xA;
	s2 =	sadd.s32 s3, s2  }
0x8d: {  	s2 =	sadd.s32 s2, s17  }
0x8e: {  	[smem:$0x3FC6] =	sst s2  }
0x8f: {  	_ = 	snop  }
0x90: {  	(tm) =	ssettm $0x1  }
0x91: {  	s18 =	sld [smem:$0x3FFB];
	_ =	sdelay $0x3  }
0x92: {  	_ =	strace s18  }
0x93: {  	s2 =	sld [smem:$0x3FFC];
	_ =	sdelay $0x3  }
0x94: {  	_ =	strace s2  }
0x95: {  	s2 =	sld [smem:$0x3FFD];
	_ =	sdelay $0x3  }
0x96: {  	_ =	strace s2  }
0x97: {  	_ =	strace $0x8FFFFFFF  }
0x98: {  	s19 =	sld [smem:$0x3FDB];
	_ =	sdelay $0x1  }
0x99: {  	s20 =	simm.s32 $_scs_section_size  }
0x9a: {  	s4 =	simm.s32 $_size__tile_overlayer_lowered;
	s5 =	simm.s32 $_tile_overlayer_lowered  }
0x9b: {  	s6 =	simm.s32 $0x1BFF;
	s21 =	sshll.u32 s5, $0x1;
	s3 =	sadd.s32 s20, s19  }
0x9c: {  	s22 =	simm.s32 $0x0;
	s4 =	sshll.u32 s4, $0x1;
	s5 =	sadd.s32 s21, s3  }
0x9d: {  	[timem:s22], [sflag:s6] =	dma.local [hbm:s5], s4  }
0x9e: {  	_ =	swait.ge [sflag:s6], s4  }
0x9f: {  	s4 =	ssub.s32 $0x0, s4;
	[sflag:s6] =	ssyncset.done $0x0  }
0xa0: {  	[sflag:s6] =	ssyncadd.s32 s4;
	_ =	sdelay $0x1  }
0xa1: {  	s23 =	simm.s32 $0x1B8B  }
0xa2: {  	_ =	swait.ge [sflag:s23], $0x1  }
0xa3: {  	[sflag:s23] =	ssyncset.done $0x0  }
0xa4: {  	[sflag:s23] =	ssyncadd.s32 $0xFFFFFFFF  }
0xa5: {  	s4 =	sld [smem:$0x0]  }
0xa6: {  	s5 =	sand.u32 $0xFFFFFFFE, s1  }
0xa7: {  	p0 =	sne.s32 s1, s5  }
0xa8: {  	s5 =	sshll.u32 @p0 s5, $0xE  }
0xa9: {  	s5 =	sadd.s32 @p0 $0x11B8D, s5;
	s6 =	sshll.u32 @p0 s4, $0x11  }
0xaa: {  	s5 =	sor.u32 @p0 s6, s5  }
0xab: {  	[sflag:s5] =	ssyncadd.remote.s32 @p0 $0x1;
	_ =	sdelay $0x1  }
0xac: {  	s5 =	simm.s32 @p0 $0x1B8D  }
0xad: {  	_ =	swait.eq @p0 [sflag:s5], $0x1  }
0xae: {  	[sflag:s5] =	ssyncadd.s32 @p0 $0xFFFFFFFF  }
0xaf: {  	s6 =	sshll.u32 @!p0 s1, $0xE  }
0xb0: {  	s6 =	sor.u32 @!p0 $0x4000, s6;
	s5 =	simm.s32 @!p0 $0x1B8D  }
0xb1: {  	s4 =	sshll.u32 @!p0 s4, $0x11;
	s6 =	sadd.s32 @!p0 $0x11B8D, s6;
	_ =	swait.eq @!p0 [sflag:s5], $0x1  }
0xb2: {  	s4 =	sor.u32 @!p0 s4, s6;
	[sflag:s5] =	ssyncadd.s32 @!p0 $0xFFFFFFFF  }
0xb3: {  	s25 =	simm.s32 $0x1B8E;
	s24 =	sld [smem:$0x3FFE];
	[sflag:s4] =	ssyncadd.remote.s32 @!p0 $0x1  }
0xb4: {  	s26 =	simm.s32 $execute0_lowered;
	[smem:$0x3FD2] =	sst s25  }
0xb5: {  	s5 =	sshll.u32 s26, $0x1;
	_ =	strace $0x80000049;
	[dreg:$0x1] =	wrdreg $0xFFFFFFFF  }
0xb6: {  	s28 =	simm.s32 $_size_execute0_lowered;
	s3 =	sadd.s32 s3, s5;
	[dreg:$0x0] =	wrdreg $0x0  }
0xb7: {  	s5 =	sshll.u32 s28, $0x1;
	[dreg:$0x2] =	wrdreg s3  }
0xb8: {  	[dreg:$0x3] =	wrdreg s5  }
0xb9: {  	[dreg:$0x4] =	wrdreg $0xC0  }
0xba: {  	_ =	task [dreg:s22], $0x5FFFF  }
0xbb: {  	[dreg:$0x1] =	wrdreg $0xFFFFFFFF  }
0xbc: {  	[dreg:$0x0] =	wrdreg $0x60  }
0xbd: {  	[dreg:$0x2] =	wrdreg s24  }
0xbe: {  	[dreg:$0x3] =	wrdreg $0xA  }
0xbf: {  	_ =	task.clear_ibuf [dreg:s22], $0x4FFFF;
	_ =	strace $0x90000049  }
0xc0: {  	s29 =	simm.s32 $0xA;
	_ =	strace $0x8000004B  }
0xc1: {  	_ =	swait.ge [sflag:s29], $0x1  }
0xc2: {  	[sflag:s29] =	ssyncadd.s32 $0xFFFFFFFF  }
0xc3: {  	_ =	strace $0x9000004B  }
0xc4: {  	_ =	sfence  }
0xc5: {  	s30 =	sld [smem:$0x0];
	_ =	sdelay $0x2  }
0xc6: {  	s31 =	sshll.u32 s1, $0xD;
	s1 =	sshrl.u32 s1, $0x2  }
0xc7: {  	s4 =	sand.u32 $0x4000, s31;
	s1 =	sadd.s32 s1, s30  }
0xc8: {  	s0 =	sor.u32 s4, s0;
	s1 =	sshll.u32 s1, $0x11  }
0xc9: {  	s0 =	sor.u32 s1, s0  }
0xca: {  	s0 =	sadd.s32 $0x8F2B, s0  }
0xcb: {  	[sflag:s0] =	ssyncadd.remote.s32 $0x1  }
0xcc: {  	_ =	sfence.sel $0xFFFF  }
0xcd: {  	[dreg:$0x0] =	wrdreg $0xFFFFFFFF;
	(pc) =	sbr.abs _section_cstart, $3  }
0xce: {  	[dreg:$0x1] =	wrdreg $0xFFFFFFFF  }
0xcf: {  	_ =	task.clear_ibuf [dreg:s22], $0x2FFFF;
	_ =	strace $0x9FFFFFFF  }
0xd0: {  	(tm) =	ssettm $0x7FFFFFFF  }
0xd1: {  	_ =	shalt  }
tec
execute0_lowered:
.L_overlay_start_1:
0x0: {  	(tag) =	ssettag $0x1  }
0x1: {  	s1 =	srdreg.scid  }
0x2: {  	s0 =	stileid.u32;
	s3 =	rddreg [dreg:$0x0];
	s2 =	simm.s32 $0x0  }
0x3: {  	s11 =	simm.s32 $0x8200;
	s12 =	simm.s32 $0x80;
	s13 =	simm.s32 $0x400  }
0x4: {  	s14 =	simm.s32 $0x0;
	s4 =	sand.u32 $0x1, s1;
	s1 =	rddreg [dreg:$0x1]  }
0x5: {  	s5 =	sshll.u32 s0, $0x1;
	[smem:$0x7FF] =	sst s2;
	s8 =	sshrl.u32 s0, $0x2  }
0x6: {  	s5 =	sor.u32 s4, s5;
	_ =	strace $0x8000004A;
	s9 =	sshll.u32 s8, $0x11  }
0x7: {  	s6 =	sshll.u32 s5, $0xB;
	s7 =	sshll.u32 s5, $0x6;
	s5 =	sshll.u32 s5, $0x7  }
0x8: {  	s8 =	sshll.u32 s8, $0xC;
	s4 =	ssub.s32 $0x2, s4;
	s5 =	sand.u32 $0x380, s5  }
0x9: {  	s31 =	sshrl.u32 s4, $0x1;
	s6 =	sadd.s32 s6, s3;
	s9 =	sor.u32 s9, s5  }
0xa: {  	s7 =	sadd.s32 s7, s3;
	s5 =	sor.u32 s8, s5;
	s30 =	sshrl.u32 s9, $0x3  }
0xb: {  	s5 =	sshrl.u32 s5, $0x3;
	s9 =	ssub.s32 s4, s31;
	s4 =	sadd.s32 $0x32600, s7  }
0xc: {  	s8 =	sadd.s32 s30, s3;
	s10 =	sadd.s32 s5, s3;
	s3 =	sadd.s32 $0x11E00, s6  }
0xd: {  	v1 =	vlaneseq.u32;
	s7 =	smax.u32 s9, $0x1;
	s9 =	simm.s32 $0x4000;
	s5 =	sadd.s32 $0x32E00, s8  }
0xe: {  	v0 =	vimm.f32 $0.0e+00;
	v21 =	vimm.f32 $1.000000000e+00;
	v20 =	vmul.u32 $0x20, v1;
	s6 =	sadd.s32 $0x42E00, s10;
	s8 =	simm.s32 $0x1;
	s10 =	simm.s32 $0x4200  }
.LBB2_1:
0xf: {  	[tilespmem:s2], [sflag:$0x1] =	stream.linear.gather [hbm4b:s3+s2], $0x4000, $0x38;
	[tilespmem:$0x8400] =	vst v63  }
0x10: {  	_ =	swait.ge [sflag:s8], $0x4000  }
0x11: {  	[sflag:s8] =	ssyncset.done $0x0  }
0x12: {  	[sflag:s8] =	ssyncadd.s32 $0xFFFFC000  }
0x13: {  	[tilespmem:s9], [sflag:$0x1] =	stream.linear.gather [hbm4b:s4+s2], $0x200, $0x38;
	[tilespmem:$0x8400] =	vst v63  }
0x14: {  	_ =	swait.ge [sflag:s8], $0x200  }
0x15: {  	[sflag:s8] =	ssyncset.done $0x0  }
0x16: {  	s16 =	simm.s32 $0x4240;
	[sflag:s8] =	ssyncadd.s32 $0xFFFFFE00  }
0x17: {  	[tilespmem:s16+$0xFFFFFFC0] =	vst v0  }
0x18: {  	[tilespmem:s16+$0x30] =	vst v0  }
0x19: {  	[tilespmem:s16+$0x20] =	vst v0  }
0x1a: {  	[tilespmem:s16+$0x10] =	vst v0  }
0x1b: {  	[tilespmem:s16+$0x0] =	vst v0  }
0x1c: {  	[tilespmem:s16+$0xFFFFFFF0] =	vst v0  }
0x1d: {  	s17 =	simm.s32 $0x0;
	[tilespmem:s16+$0xFFFFFFE0] =	vst v0  }
.LBB2_2:
0x1e: {  	s17 =	sadd.s32 $0x8, s17;
	[tilespmem:s16+$0xFFFFFFD0] =	vst v0;
	s16 =	sadd.s32 $0x80, s16;
	s15 =	simm.s32 $0x8240  }
0x1f: {  	[tilespmem:s16+$0xFFFFFFC0] =	vst v0;
	p0 =	slt.u32 s17, $0x3F8  }
0x20: {  	[tilespmem:s16+$0x30] =	vst v0  }
.Ltmp0:
0x21: {  	[tilespmem:s16+$0x20] =	vst v0;
	(pc) =	sbr.rel @p0 .LBB2_2-.Ltmp0, $4  }
0x22: {  	[tilespmem:s16+$0x10] =	vst v0  }
0x23: {  	[tilespmem:s16+$0x0] =	vst v0  }
0x24: {  	[tilespmem:s16+$0xFFFFFFF0] =	vst v0  }
0x25: {  	[tilespmem:s16+$0xFFFFFFE0] =	vst v0  }
0x26: {  	[tilespmem:s16+$0xFFFFFFD0] =	vst v0  }
0x27: {  	[tilespmem:s15+$0xFFFFFFC0] =	vst v0  }
0x28: {  	[tilespmem:s15+$0x30] =	vst v0  }
0x29: {  	[tilespmem:s15+$0x20] =	vst v0  }
0x2a: {  	[tilespmem:s15+$0x10] =	vst v0  }
0x2b: {  	[tilespmem:s15+$0x0] =	vst v0  }
0x2c: {  	[tilespmem:s15+$0xFFFFFFF0] =	vst v0  }
0x2d: {  	s18 =	simm.s32 $0x0;
	s16 =	simm.s32 $0x4010;
	s17 =	simm.s32 $0x10;
	[tilespmem:s15+$0xFFFFFFE0] =	vst v0  }
.LBB2_4:
0x2e: {  	s18 =	sadd.s32 $0x8, s18;
	[tilespmem:s15+$0xFFFFFFD0] =	vst v0;
	s15 =	sadd.s32 $0x80, s15  }
0x2f: {  	[tilespmem:s15+$0xFFFFFFC0] =	vst v0;
	p0 =	slt.u32 s18, $0x18  }
0x30: {  	[tilespmem:s15+$0x30] =	vst v0  }
.Ltmp1:
0x31: {  	[tilespmem:s15+$0x20] =	vst v0;
	(pc) =	sbr.rel @p0 .LBB2_4-.Ltmp1, $4  }
0x32: {  	[tilespmem:s15+$0x10] =	vst v0  }
0x33: {  	[tilespmem:s15+$0x0] =	vst v0  }
0x34: {  	[tilespmem:s15+$0xFFFFFFF0] =	vst v0  }
0x35: {  	[tilespmem:s15+$0xFFFFFFE0] =	vst v0  }
0x36: {  	s18 =	simm.s32 $0x0  }
0x37: {  	v1 =	vmov s18  }
0x38: {  	[tilespmem:s15+$0xFFFFFFD0] =	vst v0;
	v1 =	vshll.u32 v1, $0x5  }
0x39: {  	v9 =	vld [tilespmem:s16+$0xFFFFFFF0];
	v11 =	vor.u32 v20, v1;
	_ =	sdelay $0x1  }
0x3a: {  	v1 =	vmov s17  }
0x3b: {  	v1 =	vshll.u32 v1, $0x5  }
0x3c: {  	v22 =	vld [tilespmem:s16+$0x0];
	v8 =	vor.u32 v20, v1  }
0x3d: {  	v10 =	vshll.u32 v9, $0x5;
	v1 =	vld.idx.msk [tilespmem:v11+s2+$0x0], $0xffff  }
0x3e: {  	v2 =	vor.u32 $0x1, v11;
	_ =	sdelay $0x2  }
0x3f: {  	v15 =	vshll.u32 v22, $0x5;
	v3 =	vld.idx.msk [tilespmem:v8+s2+$0x0], $0xffff  }
0x40: {  	v4 =	vor.u32 $0x1, v8;
	[tilespmem:v10+s10+$0x0] =	vst.idx.add.f32.msk $0xffff, v1  }
0x41: {  	v1 =	vld.idx.msk [tilespmem:v2+s2+$0x0], $0xffff;
	v2 =	vor.u32 $0x1, v10  }
0x42: {  	v5 =	vor.u32 $0x2, v11;
	_ =	sdelay $0x1  }
0x43: {  	[tilespmem:v15+s10+$0x0] =	vst.idx.add.f32.msk $0xffff, v3  }
0x44: {  	v3 =	vor.u32 $0x1, v15;
	v4 =	vld.idx.msk [tilespmem:v4+s2+$0x0], $0xffff  }
0x45: {  	v6 =	vor.u32 $0x2, v8;
	[tilespmem:v2+s10+$0x0] =	vst.idx.add.f32.msk $0xffff, v1  }
0x46: {  	v2 =	vor.u32 $0x2, v10;
	v1 =	vld.idx.msk [tilespmem:v5+s2+$0x0], $0xffff  }
0x47: {  	v5 =	vor.u32 $0x3, v11;
	_ =	sdelay $0x1  }
0x48: {  	[tilespmem:v3+s10+$0x0] =	vst.idx.add.f32.msk $0xffff, v4  }
0x49: {  	v3 =	vor.u32 $0x2, v15;
	v4 =	vld.idx.msk [tilespmem:v6+s2+$0x0], $0xffff  }
0x4a: {  	v6 =	vor.u32 $0x3, v8;
	[tilespmem:v2+s10+$0x0] =	vst.idx.add.f32.msk $0xffff, v1  }
0x4b: {  	v2 =	vor.u32 $0x3, v10;
	v1 =	vld.idx.msk [tilespmem:v5+s2+$0x0], $0xffff  }
0x4c: {  	v5 =	vor.u32 $0x4, v11;
	_ =	sdelay $0x1  }
0x4d: {  	[tilespmem:v3+s10+$0x0] =	vst.idx.add.f32.msk $0xffff, v4  }
0x4e: {  	v3 =	vor.u32 $0x3, v15;
	v4 =	vld.idx.msk [tilespmem:v6+s2+$0x0], $0xffff  }
0x4f: {  	v6 =	vor.u32 $0x4, v8;
	[tilespmem:v2+s10+$0x0] =	vst.idx.add.f32.msk $0xffff, v1  }
0x50: {  	v2 =	vor.u32 $0x4, v10;
	v1 =	vld.idx.msk [tilespmem:v5+s2+$0x0], $0xffff  }
0x51: {  	v5 =	vor.u32 $0x5, v11;
	_ =	sdelay $0x1  }
0x52: {  	[tilespmem:v3+s10+$0x0] =	vst.idx.add.f32.msk $0xffff, v4  }
0x53: {  	v3 =	vor.u32 $0x4, v15;
	v4 =	vld.idx.msk [tilespmem:v6+s2+$0x0], $0xffff  }
0x54: {  	v6 =	vor.u32 $0x5, v8;
	[tilespmem:v2+s10+$0x0] =	vst.idx.add.f32.msk $0xffff, v1  }
0x55: {  	v2 =	vor.u32 $0x5, v10;
	v1 =	vld.idx.msk [tilespmem:v5+s2+$0x0], $0xffff  }
0x56: {  	v5 =	vor.u32 $0x6, v11;
	_ =	sdelay $0x1  }
0x57: {  	[tilespmem:v3+s10+$0x0] =	vst.idx.add.f32.msk $0xffff, v4  }
0x58: {  	v3 =	vor.u32 $0x5, v15;
	v4 =	vld.idx.msk [tilespmem:v6+s2+$0x0], $0xffff  }
0x59: {  	v6 =	vor.u32 $0x6, v8;
	[tilespmem:v2+s10+$0x0] =	vst.idx.add.f32.msk $0xffff, v1  }
0x5a: {  	v2 =	vor.u32 $0x6, v10;
	v1 =	vld.idx.msk [tilespmem:v5+s2+$0x0], $0xffff  }
0x5b: {  	v5 =	vor.u32 $0x7, v11;
	_ =	sdelay $0x1  }
0x5c: {  	[tilespmem:v3+s10+$0x0] =	vst.idx.add.f32.msk $0xffff, v4  }
0x5d: {  	v3 =	vor.u32 $0x6, v15;
	v4 =	vld.idx.msk [tilespmem:v6+s2+$0x0], $0xffff  }
0x5e: {  	v6 =	vor.u32 $0x7, v8;
	[tilespmem:v2+s10+$0x0] =	vst.idx.add.f32.msk $0xffff, v1  }
0x5f: {  	v2 =	vor.u32 $0x7, v10;
	v1 =	vld.idx.msk [tilespmem:v5+s2+$0x0], $0xffff  }
0x60: {  	v5 =	vor.u32 $0x8, v11;
	_ =	sdelay $0x1  }
0x61: {  	[tilespmem:v3+s10+$0x0] =	vst.idx.add.f32.msk $0xffff, v4  }
0x62: {  	v3 =	vor.u32 $0x7, v15;
	v4 =	vld.idx.msk [tilespmem:v6+s2+$0x0], $0xffff  }
0x63: {  	v6 =	vor.u32 $0x8, v8;
	[tilespmem:v2+s10+$0x0] =	vst.idx.add.f32.msk $0xffff, v1  }
0x64: {  	v2 =	vor.u32 $0x8, v10;
	v1 =	vld.idx.msk [tilespmem:v5+s2+$0x0], $0xffff  }
0x65: {  	v5 =	vor.u32 $0x9, v11;
	_ =	sdelay $0x1  }
0x66: {  	[tilespmem:v3+s10+$0x0] =	vst.idx.add.f32.msk $0xffff, v4  }
0x67: {  	v3 =	vor.u32 $0x8, v15;
	v4 =	vld.idx.msk [tilespmem:v6+s2+$0x0], $0xffff  }
0x68: {  	v6 =	vor.u32 $0x9, v8;
	[tilespmem:v2+s10+$0x0] =	vst.idx.add.f32.msk $0xffff, v1  }
0x69: {  	v2 =	vor.u32 $0x9, v10;
	v1 =	vld.idx.msk [tilespmem:v5+s2+$0x0], $0xffff  }
0x6a: {  	v5 =	vor.u32 $0xA, v11;
	_ =	sdelay $0x1  }
0x6b: {  	[tilespmem:v3+s10+$0x0] =	vst.idx.add.f32.msk $0xffff, v4  }
0x6c: {  	v3 =	vor.u32 $0x9, v15;
	v4 =	vld.idx.msk [tilespmem:v6+s2+$0x0], $0xffff  }
0x6d: {  	v6 =	vor.u32 $0xA, v8;
	[tilespmem:v2+s10+$0x0] =	vst.idx.add.f32.msk $0xffff, v1  }
0x6e: {  	v2 =	vor.u32 $0xA, v10;
	v1 =	vld.idx.msk [tilespmem:v5+s2+$0x0], $0xffff  }
0x6f: {  	v5 =	vor.u32 $0xB, v11;
	_ =	sdelay $0x1  }
0x70: {  	[tilespmem:v3+s10+$0x0] =	vst.idx.add.f32.msk $0xffff, v4  }
0x71: {  	v3 =	vor.u32 $0xA, v15;
	v4 =	vld.idx.msk [tilespmem:v6+s2+$0x0], $0xffff  }
0x72: {  	v6 =	vor.u32 $0xB, v8;
	[tilespmem:v2+s10+$0x0] =	vst.idx.add.f32.msk $0xffff, v1  }
0x73: {  	v2 =	vor.u32 $0xB, v10;
	v1 =	vld.idx.msk [tilespmem:v5+s2+$0x0], $0xffff  }
0x74: {  	v5 =	vor.u32 $0xC, v11;
	_ =	sdelay $0x1  }
0x75: {  	[tilespmem:v3+s10+$0x0] =	vst.idx.add.f32.msk $0xffff, v4  }
0x76: {  	v3 =	vor.u32 $0xB, v15;
	v4 =	vld.idx.msk [tilespmem:v6+s2+$0x0], $0xffff  }
0x77: {  	v6 =	vor.u32 $0xC, v8;
	[tilespmem:v2+s10+$0x0] =	vst.idx.add.f32.msk $0xffff, v1  }
0x78: {  	v2 =	vor.u32 $0xC, v10;
	v1 =	vld.idx.msk [tilespmem:v5+s2+$0x0], $0xffff  }
0x79: {  	v5 =	vor.u32 $0xD, v11;
	_ =	sdelay $0x1  }
0x7a: {  	[tilespmem:v3+s10+$0x0] =	vst.idx.add.f32.msk $0xffff, v4  }
0x7b: {  	v3 =	vor.u32 $0xC, v15;
	v4 =	vld.idx.msk [tilespmem:v6+s2+$0x0], $0xffff  }
0x7c: {  	v6 =	vor.u32 $0xD, v8;
	[tilespmem:v2+s10+$0x0] =	vst.idx.add.f32.msk $0xffff, v1  }
0x7d: {  	v2 =	vor.u32 $0xD, v10;
	v1 =	vld.idx.msk [tilespmem:v5+s2+$0x0], $0xffff  }
0x7e: {  	v5 =	vor.u32 $0xE, v11;
	_ =	sdelay $0x1  }
0x7f: {  	[tilespmem:v3+s10+$0x0] =	vst.idx.add.f32.msk $0xffff, v4  }
0x80: {  	v3 =	vor.u32 $0xD, v15;
	v4 =	vld.idx.msk [tilespmem:v6+s2+$0x0], $0xffff  }
0x81: {  	v6 =	vor.u32 $0xE, v8;
	[tilespmem:v2+s10+$0x0] =	vst.idx.add.f32.msk $0xffff, v1  }
0x82: {  	v2 =	vor.u32 $0xE, v10;
	v1 =	vld.idx.msk [tilespmem:v5+s2+$0x0], $0xffff  }
0x83: {  	v5 =	vor.u32 $0xF, v11;
	_ =	sdelay $0x1  }
0x84: {  	[tilespmem:v3+s10+$0x0] =	vst.idx.add.f32.msk $0xffff, v4  }
0x85: {  	v3 =	vor.u32 $0xE, v15;
	v4 =	vld.idx.msk [tilespmem:v6+s2+$0x0], $0xffff  }
0x86: {  	v6 =	vor.u32 $0xF, v8;
	[tilespmem:v2+s10+$0x0] =	vst.idx.add.f32.msk $0xffff, v1  }
0x87: {  	v2 =	vor.u32 $0xF, v10;
	v1 =	vld.idx.msk [tilespmem:v5+s2+$0x0], $0xffff  }
0x88: {  	v5 =	vor.u32 $0x10, v11;
	_ =	sdelay $0x1  }
0x89: {  	[tilespmem:v3+s10+$0x0] =	vst.idx.add.f32.msk $0xffff, v4  }
0x8a: {  	v3 =	vor.u32 $0xF, v15;
	v4 =	vld.idx.msk [tilespmem:v6+s2+$0x0], $0xffff  }
0x8b: {  	v6 =	vor.u32 $0x10, v8;
	[tilespmem:v2+s10+$0x0] =	vst.idx.add.f32.msk $0xffff, v1  }
0x8c: {  	v2 =	vor.u32 $0x10, v10;
	v1 =	vld.idx.msk [tilespmem:v5+s2+$0x0], $0xffff  }
0x8d: {  	v5 =	vor.u32 $0x11, v11;
	_ =	sdelay $0x1  }
0x8e: {  	[tilespmem:v3+s10+$0x0] =	vst.idx.add.f32.msk $0xffff, v4  }
0x8f: {  	v3 =	vor.u32 $0x10, v15;
	v4 =	vld.idx.msk [tilespmem:v6+s2+$0x0], $0xffff  }
0x90: {  	v6 =	vor.u32 $0x11, v8;
	[tilespmem:v2+s10+$0x0] =	vst.idx.add.f32.msk $0xffff, v1  }
0x91: {  	v2 =	vor.u32 $0x11, v10;
	v1 =	vld.idx.msk [tilespmem:v5+s2+$0x0], $0xffff  }
0x92: {  	s15 =	simm.s32 $0x4030;
	v5 =	vor.u32 $0x12, v11  }
0x93: {  	s30 =	simm.s32 $0x20;
	v23 =	vld [tilespmem:s15+$0xFFFFFFF0]  }
0x94: {  	[tilespmem:v3+s10+$0x0] =	vst.idx.add.f32.msk $0xffff, v4;
	v4 =	vmov s30  }
0x95: {  	v7 =	vor.u32 $0x11, v15;
	v3 =	vld.idx.msk [tilespmem:v6+s2+$0x0], $0xffff;
	v4 =	vshll.u32 v4, $0x5  }
0x96: {  	s31 =	simm.s32 $0x30;
	v6 =	vor.u32 v20, v4;
	[tilespmem:v2+s10+$0x0] =	vst.idx.add.f32.msk $0xffff, v1  }
0x97: {  	v1 =	vmov s31;
	v4 =	vld.idx.msk [tilespmem:v5+s2+$0x0], $0xffff;
	v5 =	vor.u32 $0x12, v10  }
0x98: {  	v12 =	vor.u32 $0x13, v11;
	v1 =	vshll.u32 v1, $0x5  }
0x99: {  	v24 =	vld [tilespmem:s15+$0x0];
	v2 =	vor.u32 v20, v1  }
0x9a: {  	v13 =	vor.u32 $0x12, v8;
	[tilespmem:v7+s10+$0x0] =	vst.idx.add.f32.msk $0xffff, v3  }
0x9b: {  	v7 =	vshll.u32 v23, $0x5;
	v3 =	vld.idx.msk [tilespmem:v6+s2+$0x0], $0xffff  }
0x9c: {  	[tilespmem:v5+s10+$0x0] =	vst.idx.add.f32.msk $0xffff, v4;
	v4 =	vor.u32 $0x1, v6  }
0x9d: {  	v5 =	vld.idx.msk [tilespmem:v12+s2+$0x0], $0xffff;
	v12 =	vor.u32 $0x13, v10  }
0x9e: {  	v1 =	vshll.u32 v24, $0x5;
	v14 =	vld.idx.msk [tilespmem:v2+s2+$0x0], $0xffff  }
0x9f: {  	v16 =	vor.u32 $0x14, v11;
	v13 =	vld.idx.msk [tilespmem:v13+s2+$0x0], $0xffff  }
0xa0: {  	v17 =	vor.u32 $0x1, v2;
	[tilespmem:v7+s10+$0x0] =	vst.idx.add.f32.msk $0xffff, v3  }
0xa1: {  	v3 =	vor.u32 $0x12, v15;
	v4 =	vld.idx.msk [tilespmem:v4+s2+$0x0], $0xffff  }
0xa2: {  	v18 =	vor.u32 $0x1, v7;
	[tilespmem:v12+s10+$0x0] =	vst.idx.add.f32.msk $0xffff, v5  }
0xa3: {  	v5 =	vor.u32 $0x2, v6;
	[tilespmem:v1+s10+$0x0] =	vst.idx.add.f32.msk $0xffff, v14  }
0xa4: {  	v14 =	vor.u32 $0x14, v10;
	v12 =	vld.idx.msk [tilespmem:v16+s2+$0x0], $0xffff  }
0xa5: {  	v19 =	vor.u32 $0x1, v1;
	v16 =	vld.idx.msk [tilespmem:v17+s2+$0x0], $0xffff  }
0xa6: {  	v17 =	vor.u32 $0x15, v11;
	[tilespmem:v3+s10+$0x0] =	vst.idx.add.f32.msk $0xffff, v13  }
0xa7: {  	v3 =	vor.u32 $0x2, v2;
	[tilespmem:v18+s10+$0x0] =	vst.idx.add.f32.msk $0xffff, v4  }
0xa8: {  	v4 =	vor.u32 $0x13, v8;
	v5 =	vld.idx.msk [tilespmem:v5+s2+$0x0], $0xffff  }
0xa9: {  	v13 =	vor.u32 $0x2, v7;
	[tilespmem:v14+s10+$0x0] =	vst.idx.add.f32.msk $0xffff, v12  }
0xaa: {  	v12 =	vor.u32 $0x3, v6;
	[tilespmem:v19+s10+$0x0] =	vst.idx.add.f32.msk $0xffff, v16  }
0xab: {  	v16 =	vor.u32 $0x15, v10;
	v14 =	vld.idx.msk [tilespmem:v17+s2+$0x0], $0xffff  }
0xac: {  	v18 =	vor.u32 $0x2, v1;
	v3 =	vld.idx.msk [tilespmem:v3+s2+$0x0], $0xffff  }
0xad: {  	v17 =	vor.u32 $0x16, v11;
	v4 =	vld.idx.msk [tilespmem:v4+s2+$0x0], $0xffff  }
0xae: {  	v19 =	vor.u32 $0x3, v2;
	[tilespmem:v13+s10+$0x0] =	vst.idx.add.f32.msk $0xffff, v5  }
0xaf: {  	v5 =	vor.u32 $0x13, v15;
	v12 =	vld.idx.msk [tilespmem:v12+s2+$0x0], $0xffff  }
0xb0: {  	v13 =	vor.u32 $0x3, v7;
	[tilespmem:v16+s10+$0x0] =	vst.idx.add.f32.msk $0xffff, v14  }
0xb1: {  	v14 =	vor.u32 $0x4, v6;
	[tilespmem:v18+s10+$0x0] =	vst.idx.add.f32.msk $0xffff, v3  }
0xb2: {  	v3 =	vor.u32 $0x16, v10;
	v16 =	vld.idx.msk [tilespmem:v17+s2+$0x0], $0xffff  }
0xb3: {  	v17 =	vld.idx.msk [tilespmem:v19+s2+$0x0], $0xffff;
	v19 =	vor.u32 $0x3, v1  }
0xb4: {  	v18 =	vor.u32 $0x17, v11;
	[tilespmem:v5+s10+$0x0] =	vst.idx.add.f32.msk $0xffff, v4  }
0xb5: {  	v4 =	vor.u32 $0x4, v2;
	[tilespmem:v13+s10+$0x0] =	vst.idx.add.f32.msk $0xffff, v12  }
0xb6: {  	v5 =	vor.u32 $0x14, v8;
	v12 =	vld.idx.msk [tilespmem:v14+s2+$0x0], $0xffff  }
0xb7: {  	v13 =	vor.u32 $0x4, v7;
	[tilespmem:v3+s10+$0x0] =	vst.idx.add.f32.msk $0xffff, v16  }
0xb8: {  	v3 =	vor.u32 $0x5, v6;
	[tilespmem:v19+s10+$0x0] =	vst.idx.add.f32.msk $0xffff, v17  }
0xb9: {  	v16 =	vor.u32 $0x17, v10;
	v14 =	vld.idx.msk [tilespmem:v18+s2+$0x0], $0xffff  }
0xba: {  	v17 =	vor.u32 $0x18, v11;
	v4 =	vld.idx.msk [tilespmem:v4+s2+$0x0], $0xffff  }
0xbb: {  	v18 =	vor.u32 $0x4, v1;
	v5 =	vld.idx.msk [tilespmem:v5+s2+$0x0], $0xffff  }
0xbc: {  	v19 =	vor.u32 $0x5, v2;
	[tilespmem:v13+s10+$0x0] =	vst.idx.add.f32.msk $0xffff, v12  }
0xbd: {  	v12 =	vor.u32 $0x14, v15;
	v3 =	vld.idx.msk [tilespmem:v3+s2+$0x0], $0xffff  }
0xbe: {  	v13 =	vor.u32 $0x5, v7;
	[tilespmem:v16+s10+$0x0] =	vst.idx.add.f32.msk $0xffff, v14  }
0xbf: {  	v14 =	vor.u32 $0x6, v6;
	v16 =	vld.idx.msk [tilespmem:v17+s2+$0x0], $0xffff  }
0xc0: {  	[tilespmem:v18+s10+$0x0] =	vst.idx.add.f32.msk $0xffff, v4;
	v4 =	vor.u32 $0x18, v10  }
0xc1: {  	v18 =	vor.u32 $0x19, v11;
	v17 =	vld.idx.msk [tilespmem:v19+s2+$0x0], $0xffff  }
0xc2: {  	v19 =	vor.u32 $0x5, v1;
	[tilespmem:v12+s10+$0x0] =	vst.idx.add.f32.msk $0xffff, v5  }
0xc3: {  	v5 =	vor.u32 $0x6, v2;
	[tilespmem:v13+s10+$0x0] =	vst.idx.add.f32.msk $0xffff, v3  }
0xc4: {  	v3 =	vor.u32 $0x15, v8;
	v12 =	vld.idx.msk [tilespmem:v14+s2+$0x0], $0xffff  }
0xc5: {  	v13 =	vor.u32 $0x6, v7;
	[tilespmem:v4+s10+$0x0] =	vst.idx.add.f32.msk $0xffff, v16  }
0xc6: {  	v4 =	vor.u32 $0x7, v6;
	v14 =	vld.idx.msk [tilespmem:v18+s2+$0x0], $0xffff  }
0xc7: {  	v16 =	vor.u32 $0x19, v10;
	[tilespmem:v19+s10+$0x0] =	vst.idx.add.f32.msk $0xffff, v17  }
0xc8: {  	v17 =	vor.u32 $0x1A, v11;
	v5 =	vld.idx.msk [tilespmem:v5+s2+$0x0], $0xffff  }
0xc9: {  	v18 =	vor.u32 $0x6, v1;
	v3 =	vld.idx.msk [tilespmem:v3+s2+$0x0], $0xffff  }
0xca: {  	v19 =	vor.u32 $0x7, v2;
	[tilespmem:v13+s10+$0x0] =	vst.idx.add.f32.msk $0xffff, v12  }
0xcb: {  	v12 =	vor.u32 $0x15, v15;
	v4 =	vld.idx.msk [tilespmem:v4+s2+$0x0], $0xffff  }
0xcc: {  	v13 =	vor.u32 $0x7, v7;
	[tilespmem:v16+s10+$0x0] =	vst.idx.add.f32.msk $0xffff, v14  }
0xcd: {  	v14 =	vor.u32 $0x8, v6;
	v16 =	vld.idx.msk [tilespmem:v17+s2+$0x0], $0xffff  }
0xce: {  	[tilespmem:v18+s10+$0x0] =	vst.idx.add.f32.msk $0xffff, v5;
	v5 =	vor.u32 $0x1A, v10  }
0xcf: {  	v18 =	vor.u32 $0x1B, v11;
	v17 =	vld.idx.msk [tilespmem:v19+s2+$0x0], $0xffff  }
0xd0: {  	v19 =	vor.u32 $0x7, v1;
	[tilespmem:v12+s10+$0x0] =	vst.idx.add.f32.msk $0xffff, v3  }
0xd1: {  	v3 =	vor.u32 $0x8, v2;
	[tilespmem:v13+s10+$0x0] =	vst.idx.add.f32.msk $0xffff, v4  }
0xd2: {  	v4 =	vor.u32 $0x16, v8;
	v12 =	vld.idx.msk [tilespmem:v14+s2+$0x0], $0xffff  }
0xd3: {  	v13 =	vor.u32 $0x8, v7;
	[tilespmem:v5+s10+$0x0] =	vst.idx.add.f32.msk $0xffff, v16  }
0xd4: {  	v5 =	vor.u32 $0x9, v6;
	v14 =	vld.idx.msk [tilespmem:v18+s2+$0x0], $0xffff  }
0xd5: {  	v16 =	vor.u32 $0x1B, v10;
	[tilespmem:v19+s10+$0x0] =	vst.idx.add.f32.msk $0xffff, v17  }
0xd6: {  	v17 =	vor.u32 $0x1C, v11;
	v3 =	vld.idx.msk [tilespmem:v3+s2+$0x0], $0xffff  }
0xd7: {  	v18 =	vor.u32 $0x8, v1;
	v4 =	vld.idx.msk [tilespmem:v4+s2+$0x0], $0xffff  }
0xd8: {  	v19 =	vor.u32 $0x9, v2;
	[tilespmem:v13+s10+$0x0] =	vst.idx.add.f32.msk $0xffff, v12  }
0xd9: {  	v12 =	vor.u32 $0x16, v15;
	v5 =	vld.idx.msk [tilespmem:v5+s2+$0x0], $0xffff  }
0xda: {  	v13 =	vor.u32 $0x9, v7;
	[tilespmem:v16+s10+$0x0] =	vst.idx.add.f32.msk $0xffff, v14  }
0xdb: {  	v14 =	vor.u32 $0xA, v6;
	v16 =	vld.idx.msk [tilespmem:v17+s2+$0x0], $0xffff  }
0xdc: {  	[tilespmem:v18+s10+$0x0] =	vst.idx.add.f32.msk $0xffff, v3;
	v3 =	vor.u32 $0x1C, v10  }
0xdd: {  	v18 =	vor.u32 $0x1D, v11;
	v17 =	vld.idx.msk [tilespmem:v19+s2+$0x0], $0xffff  }
0xde: {  	v19 =	vor.u32 $0x9, v1;
	[tilespmem:v12+s10+$0x0] =	vst.idx.add.f32.msk $0xffff, v4  }
0xdf: {  	v4 =	vor.u32 $0xA, v2;
	[tilespmem:v13+s10+$0x0] =	vst.idx.add.f32.msk $0xffff, v5  }
0xe0: {  	v5 =	vor.u32 $0x17, v8;
	v12 =	vld.idx.msk [tilespmem:v14+s2+$0x0], $0xffff  }
0xe1: {  	v13 =	vor.u32 $0xA, v7;
	[tilespmem:v3+s10+$0x0] =	vst.idx.add.f32.msk $0xffff, v16  }
0xe2: {  	v3 =	vor.u32 $0xB, v6;
	v14 =	vld.idx.msk [tilespmem:v18+s2+$0x0], $0xffff  }
0xe3: {  	v16 =	vor.u32 $0x1D, v10;
	[tilespmem:v19+s10+$0x0] =	vst.idx.add.f32.msk $0xffff, v17  }
0xe4: {  	v17 =	vor.u32 $0x1E, v11;
	v4 =	vld.idx.msk [tilespmem:v4+s2+$0x0], $0xffff  }
0xe5: {  	v18 =	vor.u32 $0xA, v1;
	v5 =	vld.idx.msk [tilespmem:v5+s2+$0x0], $0xffff  }
0xe6: {  	v19 =	vor.u32 $0xB, v2;
	[tilespmem:v13+s10+$0x0] =	vst.idx.add.f32.msk $0xffff, v12  }
0xe7: {  	v12 =	vor.u32 $0x17, v15;
	v3 =	vld.idx.msk [tilespmem:v3+s2+$0x0], $0xffff  }
0xe8: {  	v13 =	vor.u32 $0xB, v7;
	[tilespmem:v16+s10+$0x0] =	vst.idx.add.f32.msk $0xffff, v14  }
0xe9: {  	v14 =	vor.u32 $0xC, v6;
	v16 =	vld.idx.msk [tilespmem:v17+s2+$0x0], $0xffff  }
0xea: {  	[tilespmem:v18+s10+$0x0] =	vst.idx.add.f32.msk $0xffff, v4;
	v4 =	vor.u32 $0x1E, v10  }
0xeb: {  	v11 =	vor.u32 $0x1F, v11;
	v17 =	vld.idx.msk [tilespmem:v19+s2+$0x0], $0xffff  }
0xec: {  	v18 =	vor.u32 $0xB, v1;
	[tilespmem:v12+s10+$0x0] =	vst.idx.add.f32.msk $0xffff, v5  }
0xed: {  	v5 =	vor.u32 $0xC, v2;
	[tilespmem:v13+s10+$0x0] =	vst.idx.add.f32.msk $0xffff, v3  }
0xee: {  	v3 =	vor.u32 $0x18, v8;
	v12 =	vld.idx.msk [tilespmem:v14+s2+$0x0], $0xffff  }
0xef: {  	v13 =	vor.u32 $0xC, v7;
	[tilespmem:v4+s10+$0x0] =	vst.idx.add.f32.msk $0xffff, v16  }
0xf0: {  	v4 =	vor.u32 $0xD, v6;
	v11 =	vld.idx.msk [tilespmem:v11+s2+$0x0], $0xffff  }
0xf1: {  	v10 =	vor.u32 $0x1F, v10;
	[tilespmem:v18+s10+$0x0] =	vst.idx.add.f32.msk $0xffff, v17  }
0xf2: {  	v5 =	vld.idx.msk [tilespmem:v5+s2+$0x0], $0xffff  }
0xf3: {  	v14 =	vor.u32 $0xC, v1;
	v3 =	vld.idx.msk [tilespmem:v3+s2+$0x0], $0xffff  }
0xf4: {  	v16 =	vor.u32 $0xD, v2;
	[tilespmem:v13+s10+$0x0] =	vst.idx.add.f32.msk $0xffff, v12  }
0xf5: {  	v12 =	vor.u32 $0x18, v15;
	v4 =	vld.idx.msk [tilespmem:v4+s2+$0x0], $0xffff  }
0xf6: {  	v13 =	vor.u32 $0x19, v8;
	[tilespmem:v10+s10+$0x0] =	vst.idx.add.f32.msk $0xffff, v11  }
0xf7: {  	v10 =	vor.u32 $0xD, v7;
	[tilespmem:v9+s11+$0x0] =	vst.idx.add.f32.msk $0xffff, v21  }
0xf8: {  	v9 =	vor.u32 $0xE, v6;
	[tilespmem:v14+s10+$0x0] =	vst.idx.add.f32.msk $0xffff, v5  }
0xf9: {  	v5 =	vor.u32 $0xD, v1;
	v11 =	vld.idx.msk [tilespmem:v16+s2+$0x0], $0xffff  }
0xfa: {  	v14 =	vor.u32 $0xE, v2;
	[tilespmem:v12+s10+$0x0] =	vst.idx.add.f32.msk $0xffff, v3  }
0xfb: {  	v3 =	vor.u32 $0x19, v15;
	v12 =	vld.idx.msk [tilespmem:v13+s2+$0x0], $0xffff  }
0xfc: {  	v13 =	vor.u32 $0x1A, v8;
	[tilespmem:v10+s10+$0x0] =	vst.idx.add.f32.msk $0xffff, v4  }
0xfd: {  	v4 =	vld.idx.msk [tilespmem:v9+s2+$0x0], $0xffff;
	v9 =	vor.u32 $0xE, v7  }
0xfe: {  	v10 =	vor.u32 $0xF, v6;
	[tilespmem:v5+s10+$0x0] =	vst.idx.add.f32.msk $0xffff, v11  }
0xff: {  	v5 =	vor.u32 $0xE, v1;
	v11 =	vld.idx.msk [tilespmem:v14+s2+$0x0], $0xffff  }
0x100: {  	v14 =	vor.u32 $0xF, v2;
	[tilespmem:v3+s10+$0x0] =	vst.idx.add.f32.msk $0xffff, v12  }
0x101: {  	v3 =	vor.u32 $0x1A, v15;
	v13 =	vld.idx.msk [tilespmem:v13+s2+$0x0], $0xffff  }
0x102: {  	v12 =	vor.u32 $0x1B, v8;
	[tilespmem:v9+s10+$0x0] =	vst.idx.add.f32.msk $0xffff, v4  }
0x103: {  	v28 =	vor.u32 $0x1D, v8;
	v26 =	vor.u32 $0x1E, v8;
	v27 =	vor.u32 $0x1C, v15;
	v4 =	vld.idx.msk [tilespmem:v10+s2+$0x0], $0xffff  }
0x104: {  	v25 =	vor.u32 $0x1D, v15;
	v37 =	vor.u32 $0x12, v2;
	v9 =	vor.u32 $0xF, v7;
	[tilespmem:v5+s10+$0x0] =	vst.idx.add.f32.msk $0xffff, v11  }
0x105: {  	v19 =	vor.u32 $0x1F, v8;
	v17 =	vor.u32 $0x1C, v8;
	v10 =	vor.u32 $0x10, v6;
	v8 =	vld.idx.msk [tilespmem:v14+s2+$0x0], $0xffff  }
0x106: {  	v41 =	vor.u32 $0x11, v1;
	v0 =	vor.u32 $0x13, v1;
	v5 =	vor.u32 $0xF, v1;
	[tilespmem:v3+s10+$0x0] =	vst.idx.add.f32.msk $0xffff, v13  }
0x107: {  	v33 =	vor.u32 $0x12, v1;
	v11 =	vor.u32 $0x10, v2;
	v3 =	vld.idx.msk [tilespmem:v12+s2+$0x0], $0xffff;
	[tilespmem:$0x1FFE0] =	vst v0;
	v0 =	vor.u32 $0x14, v2  }
0x108: {  	v38 =	vor.u32 $0x13, v2;
	v62 =	vor.u32 $0x14, v1;
	v16 =	vor.u32 $0x1B, v15;
	[tilespmem:$0x1FFF0] =	vst v0  }
0x109: {  	v35 =	vor.u32 $0x15, v2;
	v60 =	vor.u32 $0x15, v1;
	v61 =	vor.u32 $0x16, v2;
	[tilespmem:v9+s10+$0x0] =	vst.idx.add.f32.msk $0xffff, v4  }
0x10a: {  	v42 =	vor.u32 $0x16, v1;
	v55 =	vor.u32 $0x17, v2;
	v9 =	vor.u32 $0x10, v7;
	v4 =	vld.idx.msk [tilespmem:v10+s2+$0x0], $0xffff  }
0x10b: {  	v49 =	vor.u32 $0x17, v1;
	v34 =	vor.u32 $0x18, v2;
	v10 =	vor.u32 $0x11, v6;
	[tilespmem:v5+s10+$0x0] =	vst.idx.add.f32.msk $0xffff, v8  }
0x10c: {  	v36 =	vor.u32 $0x18, v1;
	v45 =	vor.u32 $0x19, v2;
	v13 =	vor.u32 $0x10, v1;
	v5 =	vld.idx.msk [tilespmem:v11+s2+$0x0], $0xffff  }
0x10d: {  	v31 =	vor.u32 $0x19, v1;
	v32 =	vor.u32 $0x1A, v2;
	v14 =	vor.u32 $0x11, v2;
	[tilespmem:v16+s10+$0x0] =	vst.idx.add.f32.msk $0xffff, v3  }
0x10e: {  	v29 =	vor.u32 $0x1A, v1;
	v30 =	vor.u32 $0x1B, v2;
	v44 =	vor.u32 $0x1C, v1;
	v3 =	vld.idx.msk [tilespmem:v17+s2+$0x0], $0xffff  }
0x10f: {  	v43 =	vor.u32 $0x1D, v2;
	v40 =	vor.u32 $0x1D, v1;
	v39 =	vor.u32 $0x1E, v2;
	[tilespmem:v9+s10+$0x0] =	vst.idx.add.f32.msk $0xffff, v4  }
0x110: {  	v18 =	vor.u32 $0x1E, v15;
	v15 =	vor.u32 $0x1F, v15;
	v12 =	vor.u32 $0x1F, v2;
	v4 =	vld.idx.msk [tilespmem:v10+s2+$0x0], $0xffff  }
0x111: {  	v8 =	vor.u32 $0x11, v7;
	v11 =	vor.u32 $0x1E, v1;
	v16 =	vor.u32 $0x1B, v1;
	[tilespmem:v13+s10+$0x0] =	vst.idx.add.f32.msk $0xffff, v5  }
0x112: {  	s16 =	simm.s32 $0x2;
	s17 =	simm.s32 $0x50;
	v17 =	vor.u32 $0x1C, v2;
	v10 =	vor.u32 $0x1F, v1;
	v5 =	vor.u32 $0x12, v6;
	v2 =	vld.idx.msk [tilespmem:v14+s2+$0x0], $0xffff  }
.LBB2_6:
0x113: {  	[tilespmem:$0x1FD60] =	vst v42  }
0x114: {  	[tilespmem:$0x1FE20] =	vst v18  }
0x115: {  	[tilespmem:$0x1FDF0] =	vst v36  }
0x116: {  	[tilespmem:$0x1FFA0] =	vst v24  }
0x117: {  	[tilespmem:v27+s10+$0x0] =	vst.idx.add.f32.msk $0xffff, v3  }
0x118: {  	[tilespmem:$0x1FED0] =	vst v29;
	v1 =	vmov s17;
	s15 =	sadd.s32 $0x20, s15;
	v9 =	vld.idx.msk [tilespmem:v28+s2+$0x0], $0xffff  }
0x119: {  	[tilespmem:$0x1FEA0] =	vst v12;
	v1 =	vshll.u32 v1, $0x5;
	v0 =	vld [tilespmem:s15+$0x0]  }
0x11a: {  	v1 =	vor.u32 v20, v1;
	[tilespmem:v8+s10+$0x0] =	vst.idx.add.f32.msk $0xffff, v4  }
0x11b: {  	s18 =	sadd.s32 $0xFFFFFFF0, s17;
	[tilespmem:v41+s10+$0x0] =	vst.idx.add.f32.msk $0xffff, v2  }
0x11c: {  	[tilespmem:$0x1FF70] =	vst v17;
	v3 =	vmov s18;
	v5 =	vld.idx.msk [tilespmem:v5+s2+$0x0], $0xffff  }
0x11d: {  	[tilespmem:$0x1FF50] =	vst v16;
	v3 =	vshll.u32 v3, $0x5;
	v50 =	vld [tilespmem:s15+$0xFFFFFFF0]  }
0x11e: {  	[tilespmem:$0x1FF20] =	vst v10;
	v54 =	vor.u32 v20, v3;
	v12 =	vor.u32 $0x9, v1;
	v47 =	vld.idx.msk [tilespmem:v37+s2+$0x0], $0xffff  }
0x11f: {  	v8 =	vor.u32 $0x12, v7;
	[tilespmem:$0x1FD50] =	vst v12;
	v12 =	vld.idx.msk [tilespmem:v1+s2+$0x0], $0xffff  }
0x120: {  	v42 =	vshll.u32 v0, $0x5;
	[tilespmem:v25+s10+$0x0] =	vst.idx.add.f32.msk $0xffff, v9  }
0x121: {  	v10 =	vor.u32 $0x13, v6;
	[tilespmem:$0x1FFB0] =	vst v0;
	v0 =	vld.idx.msk [tilespmem:v26+s2+$0x0], $0xffff  }
0x122: {  	[tilespmem:$0x1FE80] =	vst v32  }
0x123: {  	[tilespmem:$0x1FE60] =	vst v31;
	v14 =	vld.idx.msk [tilespmem:v54+s2+$0x0], $0xffff;
	v58 =	vshll.u32 v50, $0x5  }
0x124: {  	[tilespmem:v8+s10+$0x0] =	vst.idx.add.f32.msk $0xffff, v5  }
0x125: {  	v5 =	vor.u32 $0x1, v54;
	[tilespmem:v42+s10+$0x0] =	vst.idx.add.f32.msk $0xffff, v12  }
0x126: {  	v46 =	vor.u32 $0x13, v7;
	v41 =	vld.idx.msk [tilespmem:v10+s2+$0x0], $0xffff;
	[tilespmem:$0x1FE10] =	vst v0;
	v0 =	vor.u32 $0xB, v42  }
0x127: {  	[tilespmem:$0x1FDA0] =	vst v0  }
0x128: {  	v48 =	vor.u32 $0x14, v6;
	v0 =	vor.u32 $0xC, v42;
	[tilespmem:v58+s10+$0x0] =	vst.idx.add.f32.msk $0xffff, v14  }
0x129: {  	v4 =	vor.u32 $0x1, v1;
	[tilespmem:$0x1FDD0] =	vst v0;
	v0 =	vor.u32 $0xD, v42  }
0x12a: {  	v5 =	vld.idx.msk [tilespmem:v5+s2+$0x0], $0xffff;
	[tilespmem:$0x1FE40] =	vst v0  }
0x12b: {  	v9 =	vor.u32 $0x1, v58;
	v0 =	vor.u32 $0xE, v42;
	[tilespmem:v46+s10+$0x0] =	vst.idx.add.f32.msk $0xffff, v41  }
0x12c: {  	v57 =	vor.u32 $0x2, v54;
	[tilespmem:$0x1FEB0] =	vst v0;
	v0 =	vor.u32 $0xF, v42  }
0x12d: {  	v29 =	vmov v40;
	v53 =	vor.u32 $0x14, v7;
	v40 =	vld.idx.msk [tilespmem:v48+s2+$0x0], $0xffff;
	[tilespmem:$0x1FF30] =	vst v0;
	v0 =	vor.u32 $0x10, v42  }
0x12e: {  	v31 =	vmov v44;
	v44 =	vor.u32 $0x1, v42;
	[tilespmem:$0x1FFC0] =	vst v0;
	v0 =	vld.idx.msk [tilespmem:v4+s2+$0x0], $0xffff  }
0x12f: {  	v32 =	vmov v43;
	v43 =	vor.u32 $0x2, v1;
	v12 =	vor.u32 $0x12, v42;
	[tilespmem:v33+s10+$0x0] =	vst.idx.add.f32.msk $0xffff, v47  }
0x130: {  	v28 =	vmov v20;
	v20 =	vor.u32 $0x15, v6;
	v24 =	vmov v12;
	[tilespmem:v9+s10+$0x0] =	vst.idx.add.f32.msk $0xffff, v5  }
0x131: {  	[tilespmem:$0x1FE00] =	vst v24;
	v4 =	vmov v23;
	v23 =	vld.idx.msk [tilespmem:v57+s2+$0x0], $0xffff  }
0x132: {  	v24 =	vor.u32 $0x2, v58;
	[tilespmem:v53+s10+$0x0] =	vst.idx.add.f32.msk $0xffff, v40  }
0x133: {  	v25 =	vor.u32 $0x3, v54;
	v26 =	vor.u32 $0x1A, v42;
	[tilespmem:v44+s10+$0x0] =	vst.idx.add.f32.msk $0xffff, v0  }
0x134: {  	v16 =	vor.u32 $0x2, v42;
	[tilespmem:$0x1FEE0] =	vst v26;
	v33 =	vmov v45;
	v0 =	vor.u32 $0x1B, v1;
	v45 =	vld.idx.msk [tilespmem:v43+s2+$0x0], $0xffff  }
0x135: {  	v36 =	vmovc v35;
	v35 =	vmov v62;
	v62 =	vor.u32 $0x3, v1;
	v20 =	vld.idx.msk [tilespmem:v20+s2+$0x0], $0xffff;
	[tilespmem:$0x1FF00] =	vst v0;
	v0 =	vor.u32 $0x1B, v42  }
0x136: {  	v27 =	vld.idx.msk [tilespmem:v38+s2+$0x0], $0xffff;
	[tilespmem:$0x1FF60] =	vst v0  }
0x137: {  	v26 =	vor.u32 $0x1C, v1;
	v0 =	vor.u32 $0x15, v7;
	[tilespmem:v24+s10+$0x0] =	vst.idx.add.f32.msk $0xffff, v23  }
0x138: {  	[tilespmem:$0x1FF80] =	vst v26;
	v26 =	vor.u32 $0x16, v6;
	v23 =	vld.idx.msk [tilespmem:v25+s2+$0x0], $0xffff  }
0x139: {  	v2 =	vor.u32 $0xA, v1;
	v24 =	vor.u32 $0x3, v58;
	[tilespmem:v16+s10+$0x0] =	vst.idx.add.f32.msk $0xffff, v45  }
0x13a: {  	[tilespmem:$0x1FD70] =	vst v2;
	v2 =	vor.u32 $0xB, v1;
	v25 =	vld.idx.msk [tilespmem:v62+s2+$0x0], $0xffff  }
0x13b: {  	[tilespmem:$0x1FD80] =	vst v2;
	v62 =	vld [tilespmem:$0x1FFE0]  }
0x13c: {  	v2 =	vor.u32 $0xC, v1;
	[tilespmem:v0+s10+$0x0] =	vst.idx.add.f32.msk $0xffff, v20;
	v0 =	vor.u32 $0x4, v54  }
0x13d: {  	[tilespmem:$0x1FDB0] =	vst v2;
	v16 =	vor.u32 $0x16, v7;
	v20 =	vld.idx.msk [tilespmem:v26+s2+$0x0], $0xffff  }
0x13e: {  	v2 =	vor.u32 $0xD, v1;
	[tilespmem:v24+s10+$0x0] =	vst.idx.add.f32.msk $0xffff, v23  }
0x13f: {  	[tilespmem:$0x1FDE0] =	vst v2;
	v2 =	vor.u32 $0xE, v1;
	v26 =	vor.u32 $0x17, v6;
	v24 =	vld [tilespmem:$0x1FFF0]  }
0x140: {  	v17 =	vor.u32 $0x3, v42;
	[tilespmem:$0x1FE50] =	vst v2;
	v2 =	vor.u32 $0xF, v1  }
0x141: {  	v13 =	vor.u32 $0x4, v1;
	[tilespmem:$0x1FEC0] =	vst v2;
	v0 =	vld.idx.msk [tilespmem:v0+s2+$0x0], $0xffff  }
0x142: {  	v18 =	vor.u32 $0x13, v42;
	[tilespmem:v16+s10+$0x0] =	vst.idx.add.f32.msk $0xffff, v20  }
0x143: {  	v2 =	vor.u32 $0x10, v1;
	[tilespmem:v62+s10+$0x0] =	vst.idx.add.f32.msk $0xffff, v27;
	v27 =	vmovc v31;
	v31 =	vmov v18;
	v18 =	vor.u32 $0x4, v58  }
0x144: {  	[tilespmem:$0x1FF40] =	vst v2;
	v16 =	vor.u32 $0x5, v54;
	v20 =	vld.idx.msk [tilespmem:v26+s2+$0x0], $0xffff  }
0x145: {  	v2 =	vor.u32 $0x11, v1;
	[tilespmem:v17+s10+$0x0] =	vst.idx.add.f32.msk $0xffff, v25;
	v17 =	vor.u32 $0x17, v7  }
0x146: {  	[tilespmem:$0x1FFD0] =	vst v2;
	v2 =	vor.u32 $0x12, v1;
	v23 =	vor.u32 $0x18, v6;
	v13 =	vld.idx.msk [tilespmem:v13+s2+$0x0], $0xffff  }
0x147: {  	[tilespmem:$0x1FE30] =	vst v11;
	v37 =	vmov v2;
	v2 =	vor.u32 $0x4, v42;
	v24 =	vld.idx.msk [tilespmem:v24+s2+$0x0], $0xffff  }
0x148: {  	v11 =	vor.u32 $0x5, v1;
	[tilespmem:v18+s10+$0x0] =	vst.idx.add.f32.msk $0xffff, v0  }
0x149: {  	v0 =	vld.idx.msk [tilespmem:v16+s2+$0x0], $0xffff  }
0x14a: {  	v16 =	vor.u32 $0x5, v58;
	[tilespmem:v17+s10+$0x0] =	vst.idx.add.f32.msk $0xffff, v20  }
0x14b: {  	v17 =	vor.u32 $0x6, v54;
	v18 =	vld.idx.msk [tilespmem:v23+s2+$0x0], $0xffff  }
0x14c: {  	[tilespmem:v2+s10+$0x0] =	vst.idx.add.f32.msk $0xffff, v13;
	v2 =	vor.u32 $0x18, v7  }
0x14d: {  	[tilespmem:$0x1FF10] =	vst v15;
	v13 =	vor.u32 $0x19, v6;
	v11 =	vld.idx.msk [tilespmem:v11+s2+$0x0], $0xffff  }
0x14e: {  	v15 =	vor.u32 $0x5, v42;
	[tilespmem:v35+s10+$0x0] =	vst.idx.add.f32.msk $0xffff, v24  }
0x14f: {  	v3 =	vmov v60;
	v60 =	vor.u32 $0x6, v1;
	[tilespmem:v16+s10+$0x0] =	vst.idx.add.f32.msk $0xffff, v0  }
0x150: {  	v0 =	vld.idx.msk [tilespmem:v17+s2+$0x0], $0xffff  }
0x151: {  	v16 =	vor.u32 $0x6, v58;
	[tilespmem:v2+s10+$0x0] =	vst.idx.add.f32.msk $0xffff, v18  }
0x152: {  	v2 =	vor.u32 $0x7, v54;
	v13 =	vld.idx.msk [tilespmem:v13+s2+$0x0], $0xffff  }
0x153: {  	[tilespmem:v15+s10+$0x0] =	vst.idx.add.f32.msk $0xffff, v11;
	v11 =	vor.u32 $0x19, v7  }
0x154: {  	v17 =	vor.u32 $0x1A, v6;
	v15 =	vld.idx.msk [tilespmem:v60+s2+$0x0], $0xffff  }
0x155: {  	[tilespmem:$0x1FDC0] =	vst v34;
	v34 =	vmov v61;
	v61 =	vor.u32 $0x6, v42;
	v18 =	vld.idx.msk [tilespmem:v36+s2+$0x0], $0xffff  }
0x156: {  	v56 =	vor.u32 $0x7, v1;
	[tilespmem:v16+s10+$0x0] =	vst.idx.add.f32.msk $0xffff, v0  }
0x157: {  	v0 =	vld.idx.msk [tilespmem:v2+s2+$0x0], $0xffff  }
0x158: {  	[tilespmem:v11+s10+$0x0] =	vst.idx.add.f32.msk $0xffff, v13  }
0x159: {  	v2 =	vor.u32 $0x7, v58;
	v13 =	vld.idx.msk [tilespmem:v17+s2+$0x0], $0xffff  }
0x15a: {  	v11 =	vor.u32 $0x8, v54;
	[tilespmem:v61+s10+$0x0] =	vst.idx.add.f32.msk $0xffff, v15  }
0x15b: {  	v15 =	vor.u32 $0x1A, v7;
	v16 =	vld.idx.msk [tilespmem:v56+s2+$0x0], $0xffff  }
0x15c: {  	v17 =	vor.u32 $0x1B, v6;
	[tilespmem:v3+s10+$0x0] =	vst.idx.add.f32.msk $0xffff, v18  }
0x15d: {  	[tilespmem:$0x1FD90] =	vst v49;
	v10 =	vor.u32 $0x7, v42;
	v3 =	vld [tilespmem:$0x1FD50]  }
0x15e: {  	v51 =	vor.u32 $0x8, v1;
	[tilespmem:v2+s10+$0x0] =	vst.idx.add.f32.msk $0xffff, v0  }
0x15f: {  	[tilespmem:$0x1FE90] =	vst v19;
	v0 =	vld.idx.msk [tilespmem:v11+s2+$0x0], $0xffff  }
0x160: {  	v2 =	vor.u32 $0x8, v58;
	[tilespmem:v15+s10+$0x0] =	vst.idx.add.f32.msk $0xffff, v13  }
0x161: {  	[tilespmem:$0x1FF90] =	vst v22;
	v19 =	vor.u32 $0x14, v1;
	v11 =	vor.u32 $0x9, v54;
	v13 =	vld.idx.msk [tilespmem:v17+s2+$0x0], $0xffff  }
0x162: {  	v22 =	vor.u32 $0x15, v1;
	v52 =	vor.u32 $0x18, v1;
	[tilespmem:v10+s10+$0x0] =	vst.idx.add.f32.msk $0xffff, v16;
	v10 =	vor.u32 $0x1B, v7  }
0x163: {  	[tilespmem:$0x1FEF0] =	vst v30;
	v30 =	vmovc v39;
	v39 =	vor.u32 $0x1E, v1;
	v59 =	vor.u32 $0x8, v42;
	v49 =	vor.u32 $0xA, v42;
	v15 =	vld.idx.msk [tilespmem:v51+s2+$0x0], $0xffff  }
0x164: {  	v21 =	vor.u32 $0x14, v42;
	v63 =	vor.u32 $0x15, v42;
	v8 =	vmovc v55;
	v55 =	vor.u32 $0x9, v42;
	v17 =	vld.idx.msk [tilespmem:v34+s2+$0x0], $0xffff  }
0x165: {  	v12 =	vor.u32 $0x16, v42;
	v5 =	vor.u32 $0x19, v42;
	v16 =	vor.u32 $0x1C, v6;
	[tilespmem:v2+s10+$0x0] =	vst.idx.add.f32.msk $0xffff, v0  }
0x166: {  	v14 =	vor.u32 $0x16, v1;
	v41 =	vor.u32 $0x11, v42;
	v46 =	vor.u32 $0x13, v1;
	[tilespmem:$0x1FE70] =	vst v5;
	v0 =	vld.idx.msk [tilespmem:v11+s2+$0x0], $0xffff  }
0x167: {  	v48 =	vor.u32 $0x19, v1;
	v47 =	vor.u32 $0x18, v42;
	v9 =	vor.u32 $0x17, v1;
	[tilespmem:v10+s10+$0x0] =	vst.idx.add.f32.msk $0xffff, v13  }
0x168: {  	v57 =	vor.u32 $0x17, v42;
	v5 =	vor.u32 $0x1A, v1;
	v2 =	vor.u32 $0x9, v58;
	[tilespmem:v59+s10+$0x0] =	vst.idx.add.f32.msk $0xffff, v15  }
0x169: {  	v40 =	vor.u32 $0x1D, v42;
	v53 =	vor.u32 $0x1E, v42;
	v10 =	vor.u32 $0xA, v54;
	v15 =	vld [tilespmem:$0x1FD60]  }
0x16a: {  	v44 =	vor.u32 $0x1C, v42;
	v43 =	vor.u32 $0x1D, v1;
	v38 =	vmovc v46;
	v13 =	vor.u32 $0x1C, v7;
	v11 =	vld.idx.msk [tilespmem:v16+s2+$0x0], $0xffff  }
0x16b: {  	v46 =	vor.u32 $0x1F, v1;
	v1 =	vor.u32 $0x1F, v42;
	v42 =	vmovc v12;
	v12 =	vld [tilespmem:$0x1FD70];
	v61 =	vmovc v14;
	v14 =	vor.u32 $0x1D, v6  }
0x16c: {  	v3 =	vld.idx.msk [tilespmem:v3+s2+$0x0], $0xffff  }
0x16d: {  	[tilespmem:v2+s10+$0x0] =	vst.idx.add.f32.msk $0xffff, v0  }
0x16e: {  	v0 =	vld.idx.msk [tilespmem:v10+s2+$0x0], $0xffff  }
0x16f: {  	[tilespmem:v13+s10+$0x0] =	vst.idx.add.f32.msk $0xffff, v11  }
0x170: {  	v11 =	vld.idx.msk [tilespmem:v14+s2+$0x0], $0xffff  }
0x171: {  	[tilespmem:v15+s10+$0x0] =	vst.idx.add.f32.msk $0xffff, v17  }
0x172: {  	[tilespmem:v55+s10+$0x0] =	vst.idx.add.f32.msk $0xffff, v3  }
0x173: {  	v2 =	vor.u32 $0xA, v58;
	v14 =	vld.idx.msk [tilespmem:v8+s2+$0x0], $0xffff  }
0x174: {  	v10 =	vor.u32 $0xB, v54;
	v8 =	vld [tilespmem:$0x1FD80]  }
0x175: {  	v3 =	vor.u32 $0x1D, v7  }
0x176: {  	v12 =	vld.idx.msk [tilespmem:v12+s2+$0x0], $0xffff;
	_ =	sdelay $0x1  }
0x177: {  	[tilespmem:v2+s10+$0x0] =	vst.idx.add.f32.msk $0xffff, v0  }
0x178: {  	v0 =	vld.idx.msk [tilespmem:v10+s2+$0x0], $0xffff  }
0x179: {  	[tilespmem:v3+s10+$0x0] =	vst.idx.add.f32.msk $0xffff, v11  }
0x17a: {  	[tilespmem:v49+s10+$0x0] =	vst.idx.add.f32.msk $0xffff, v12  }
0x17b: {  	v11 =	vld.idx.msk [tilespmem:v8+s2+$0x0], $0xffff  }
0x17c: {  	v8 =	vld [tilespmem:$0x1FD90];
	_ =	sdelay $0x4  }
0x17d: {  	v13 =	vor.u32 $0x1E, v6;
	_ =	sdelay $0x2  }
0x17e: {  	v2 =	vor.u32 $0xB, v58;
	[tilespmem:v8+s10+$0x0] =	vst.idx.add.f32.msk $0xffff, v14  }
0x17f: {  	v3 =	vor.u32 $0xC, v54;
	v8 =	vld [tilespmem:$0x1FDA0]  }
0x180: {  	v55 =	vmov v9;
	v10 =	vor.u32 $0x1E, v7;
	v9 =	vld.idx.msk [tilespmem:v13+s2+$0x0], $0xffff  }
0x181: {  	v12 =	vor.u32 $0x1F, v6;
	_ =	sdelay $0x1  }
0x182: {  	[tilespmem:v2+s10+$0x0] =	vst.idx.add.f32.msk $0xffff, v0  }
0x183: {  	v6 =	vmov v54;
	v2 =	vor.u32 $0xC, v58;
	v0 =	vld.idx.msk [tilespmem:v3+s2+$0x0], $0xffff  }
0x184: {  	v3 =	vor.u32 $0xD, v6;
	[tilespmem:v10+s10+$0x0] =	vst.idx.add.f32.msk $0xffff, v9  }
0x185: {  	v9 =	vld.idx.msk [tilespmem:v12+s2+$0x0], $0xffff  }
0x186: {  	[tilespmem:v8+s10+$0x0] =	vst.idx.add.f32.msk $0xffff, v11;
	v8 =	vor.u32 $0x1F, v7  }
0x187: {  	v10 =	vld [tilespmem:$0x1FDB0]  }
0x188: {  	[tilespmem:v2+s10+$0x0] =	vst.idx.add.f32.msk $0xffff, v0  }
0x189: {  	v0 =	vld.idx.msk [tilespmem:v3+s2+$0x0], $0xffff  }
0x18a: {  	v11 =	vld [tilespmem:$0x1FDC0]  }
0x18b: {  	v62 =	vmov v21;
	v21 =	vimm.f32 $1.000000000e+00;
	[tilespmem:v8+s10+$0x0] =	vst.idx.add.f32.msk $0xffff, v9  }
0x18c: {  	[tilespmem:v4+s11+$0x0] =	vst.idx.add.f32.msk $0xffff, v21  }
0x18d: {  	v4 =	vld [tilespmem:$0x1FDD0];
	_ =	sdelay $0x2  }
0x18e: {  	v10 =	vld.idx.msk [tilespmem:v10+s2+$0x0], $0xffff;
	_ =	sdelay $0x3  }
0x18f: {  	v11 =	vld.idx.msk [tilespmem:v11+s2+$0x0], $0xffff  }
0x190: {  	[tilespmem:v4+s10+$0x0] =	vst.idx.add.f32.msk $0xffff, v10  }
0x191: {  	v4 =	vld [tilespmem:$0x1FDE0];
	_ =	sdelay $0x7  }
0x192: {  	v8 =	vld.idx.msk [tilespmem:v4+s2+$0x0], $0xffff  }
0x193: {  	v4 =	vld [tilespmem:$0x1FDF0];
	_ =	sdelay $0x3  }
0x194: {  	v7 =	vmov v58  }
0x195: {  	v2 =	vor.u32 $0xD, v7  }
0x196: {  	v3 =	vor.u32 $0xE, v6;
	_ =	sdelay $0x1  }
0x197: {  	[tilespmem:v4+s10+$0x0] =	vst.idx.add.f32.msk $0xffff, v11  }
0x198: {  	v4 =	vld [tilespmem:$0x1FE20]  }
0x199: {  	[tilespmem:v2+s10+$0x0] =	vst.idx.add.f32.msk $0xffff, v0  }
0x19a: {  	v0 =	vld.idx.msk [tilespmem:v3+s2+$0x0], $0xffff  }
0x19b: {  	v3 =	vld [tilespmem:$0x1FE10];
	_ =	sdelay $0x3  }
0x19c: {  	v9 =	vld.idx.msk [tilespmem:v33+s2+$0x0], $0xffff  }
0x19d: {  	[tilespmem:v4+s10+$0x0] =	vst.idx.add.f32.msk $0xffff, v3  }
0x19e: {  	v4 =	vld [tilespmem:$0x1FE40];
	_ =	sdelay $0x7  }
0x19f: {  	[tilespmem:v4+s10+$0x0] =	vst.idx.add.f32.msk $0xffff, v8  }
0x1a0: {  	v4 =	vld [tilespmem:$0x1FE50];
	_ =	sdelay $0x7  }
0x1a1: {  	v8 =	vld.idx.msk [tilespmem:v4+s2+$0x0], $0xffff  }
0x1a2: {  	v4 =	vld [tilespmem:$0x1FE60];
	_ =	sdelay $0x1  }
0x1a3: {  	v3 =	vld [tilespmem:$0x1FE30];
	_ =	sdelay $0x3  }
0x1a4: {  	v2 =	vor.u32 $0xE, v7  }
0x1a5: {  	v18 =	vmov v3;
	v3 =	vor.u32 $0xF, v6  }
0x1a6: {  	[tilespmem:v4+s10+$0x0] =	vst.idx.add.f32.msk $0xffff, v9  }
0x1a7: {  	v4 =	vld [tilespmem:$0x1FE70];
	_ =	sdelay $0x1  }
0x1a8: {  	[tilespmem:v2+s10+$0x0] =	vst.idx.add.f32.msk $0xffff, v0  }
0x1a9: {  	v0 =	vld.idx.msk [tilespmem:v3+s2+$0x0], $0xffff  }
0x1aa: {  	v3 =	vld [tilespmem:$0x1FE90]  }
0x1ab: {  	[tilespmem:$0x1FFE0] =	vst v31;
	v31 =	vmov v4;
	v4 =	vld [tilespmem:$0x1FE80]  }
0x1ac: {  	v9 =	vld [tilespmem:$0x1FEB0];
	_ =	sdelay $0x5  }
0x1ad: {  	v3 =	vld.idx.msk [tilespmem:v3+s2+$0x0], $0xffff  }
0x1ae: {  	v4 =	vld.idx.msk [tilespmem:v4+s2+$0x0], $0xffff  }
0x1af: {  	[tilespmem:v9+s10+$0x0] =	vst.idx.add.f32.msk $0xffff, v8  }
0x1b0: {  	v8 =	vld [tilespmem:$0x1FEC0]  }
0x1b1: {  	v9 =	vld [tilespmem:$0x1FED0];
	_ =	sdelay $0x2  }
0x1b2: {  	v20 =	vmov v28;
	v28 =	vmov v32;
	v32 =	vmov v5;
	v5 =	vld [tilespmem:$0x1FEA0];
	_ =	sdelay $0x3  }
0x1b3: {  	v2 =	vor.u32 $0xF, v7;
	v8 =	vld.idx.msk [tilespmem:v8+s2+$0x0], $0xffff  }
0x1b4: {  	v25 =	vmovc v29;
	v29 =	vmov v19;
	v19 =	vmov v5;
	v5 =	vor.u32 $0x10, v6;
	[tilespmem:v9+s10+$0x0] =	vst.idx.add.f32.msk $0xffff, v4  }
0x1b5: {  	v4 =	vld [tilespmem:$0x1FEE0];
	_ =	sdelay $0x2  }
0x1b6: {  	[tilespmem:v2+s10+$0x0] =	vst.idx.add.f32.msk $0xffff, v0  }
0x1b7: {  	v0 =	vld.idx.msk [tilespmem:v5+s2+$0x0], $0xffff  }
0x1b8: {  	[tilespmem:$0x1FFF0] =	vst v29;
	v29 =	vmov v4;
	v4 =	vld [tilespmem:$0x1FEF0]  }
0x1b9: {  	v5 =	vld [tilespmem:$0x1FF10];
	_ =	sdelay $0x6  }
0x1ba: {  	v4 =	vld.idx.msk [tilespmem:v4+s2+$0x0], $0xffff  }
0x1bb: {  	[tilespmem:v5+s10+$0x0] =	vst.idx.add.f32.msk $0xffff, v3  }
0x1bc: {  	v3 =	vld [tilespmem:$0x1FF20];
	_ =	sdelay $0x4  }
0x1bd: {  	v15 =	vmov v3;
	v3 =	vld [tilespmem:$0x1FF30];
	_ =	sdelay $0x7  }
0x1be: {  	[tilespmem:v3+s10+$0x0] =	vst.idx.add.f32.msk $0xffff, v8  }
0x1bf: {  	v3 =	vld [tilespmem:$0x1FF40];
	_ =	sdelay $0x2  }
0x1c0: {  	v9 =	vld [tilespmem:$0x1FF00];
	_ =	sdelay $0x4  }
0x1c1: {  	v26 =	vmov v30;
	v30 =	vmov v9;
	v9 =	vld.idx.msk [tilespmem:v3+s2+$0x0], $0xffff  }
0x1c2: {  	v3 =	vld [tilespmem:$0x1FF50];
	_ =	sdelay $0x7  }
0x1c3: {  	v2 =	vor.u32 $0x10, v7;
	[tilespmem:v3+s10+$0x0] =	vst.idx.add.f32.msk $0xffff, v4  }
0x1c4: {  	v3 =	vld [tilespmem:$0x1FF60];
	_ =	sdelay $0x3  }
0x1c5: {  	[tilespmem:v2+s10+$0x0] =	vst.idx.add.f32.msk $0xffff, v0  }
0x1c6: {  	v16 =	vmov v3;
	v3 =	vld [tilespmem:$0x1FF70]  }
0x1c7: {  	v0 =	vld [tilespmem:$0x1FF90];
	_ =	sdelay $0x6  }
0x1c8: {  	v3 =	vld.idx.msk [tilespmem:v3+s2+$0x0], $0xffff  }
0x1c9: {  	[tilespmem:v0+s11+$0x0] =	vst.idx.add.f32.msk $0xffff, v21  }
0x1ca: {  	v0 =	vld [tilespmem:$0x1FFA0];
	_ =	sdelay $0x4  }
0x1cb: {  	v35 =	vmov v22;
	v22 =	vmov v0;
	v0 =	vld [tilespmem:$0x1FFB0];
	_ =	sdelay $0x4  }
0x1cc: {  	v24 =	vmov v0;
	v0 =	vld [tilespmem:$0x1FFC0];
	_ =	sdelay $0x7  }
0x1cd: {  	[tilespmem:v0+s10+$0x0] =	vst.idx.add.f32.msk $0xffff, v9  }
0x1ce: {  	v0 =	vld [tilespmem:$0x1FFD0];
	_ =	sdelay $0x1  }
0x1cf: {  	s16 =	sadd.s32 $0x2, s16;
	v10 =	vmov v1;
	v1 =	vor.u32 $0x11, v6;
	v4 =	vld [tilespmem:$0x1FF80]  }
0x1d0: {  	p0 =	slt.u32 s16, $0x1E  }
.Ltmp2:
0x1d1: {  	_ = 	snop;
	(pc) =	sbr.rel @p0 .LBB2_6-.Ltmp2, $4  }
0x1d2: {  	_ = 	snop  }
0x1d3: {  	v45 =	vmov v48;
	v33 =	vld [tilespmem:$0x1FE00]  }
0x1d4: {  	v23 =	vmovc v50;
	v60 =	vmovc v63;
	v36 =	vmov v47;
	v34 =	vmov v52;
	v17 =	vmov v4;
	v4 =	vld.idx.msk [tilespmem:v1+s2+$0x0], $0xffff  }
0x1d5: {  	s17 =	sadd.s32 $0x20, s17;
	v49 =	vmovc v57;
	v12 =	vmovc v46;
	v11 =	vmov v53;
	v5 =	vor.u32 $0x12, v6;
	v8 =	vor.u32 $0x11, v7;
	v2 =	vld.idx.msk [tilespmem:v0+s2+$0x0], $0xffff  }
0x1d6: {  	_ =	sdelay $0x3  }
0x1d7: {  	[tilespmem:v8+s10+$0x0] =	vst.idx.add.f32.msk $0xffff, v4  }
0x1d8: {  	v1 =	vor.u32 $0x12, v7;
	v0 =	vld.idx.msk [tilespmem:v5+s2+$0x0], $0xffff  }
0x1d9: {  	v50 =	vor.u32 $0x13, v6;
	_ =	sdelay $0x1  }
0x1da: {  	[tilespmem:v41+s10+$0x0] =	vst.idx.add.f32.msk $0xffff, v2  }
0x1db: {  	v2 =	vld.idx.msk [tilespmem:v37+s2+$0x0], $0xffff  }
0x1dc: {  	[tilespmem:v1+s10+$0x0] =	vst.idx.add.f32.msk $0xffff, v0  }
0x1dd: {  	v1 =	vor.u32 $0x13, v7;
	v0 =	vld.idx.msk [tilespmem:v50+s2+$0x0], $0xffff;
	_ =	sdelay $0x3  }
0x1de: {  	[tilespmem:v33+s10+$0x0] =	vst.idx.add.f32.msk $0xffff, v2  }
0x1df: {  	[tilespmem:v1+s10+$0x0] =	vst.idx.add.f32.msk $0xffff, v0  }
0x1e0: {  	v53 =	vld [tilespmem:$0x1FFE0];
	_ =	sdelay $0x2  }
0x1e1: {  	v2 =	vld.idx.msk [tilespmem:v38+s2+$0x0], $0xffff;
	_ =	sdelay $0x4  }
0x1e2: {  	v51 =	vor.u32 $0x14, v6;
	[tilespmem:v53+s10+$0x0] =	vst.idx.add.f32.msk $0xffff, v2  }
0x1e3: {  	v2 =	vld [tilespmem:$0x1FFF0];
	_ =	sdelay $0x3  }
0x1e4: {  	v1 =	vor.u32 $0x14, v7;
	v0 =	vld.idx.msk [tilespmem:v51+s2+$0x0], $0xffff  }
0x1e5: {  	v52 =	vor.u32 $0x15, v6;
	_ =	sdelay $0x2  }
0x1e6: {  	v2 =	vld.idx.msk [tilespmem:v2+s2+$0x0], $0xffff  }
0x1e7: {  	[tilespmem:v1+s10+$0x0] =	vst.idx.add.f32.msk $0xffff, v0  }
0x1e8: {  	v1 =	vor.u32 $0x15, v7;
	v0 =	vld.idx.msk [tilespmem:v52+s2+$0x0], $0xffff  }
0x1e9: {  	v54 =	vor.u32 $0x16, v6;
	_ =	sdelay $0x1  }
0x1ea: {  	[tilespmem:v62+s10+$0x0] =	vst.idx.add.f32.msk $0xffff, v2  }
0x1eb: {  	v2 =	vld.idx.msk [tilespmem:v35+s2+$0x0], $0xffff  }
0x1ec: {  	[tilespmem:v1+s10+$0x0] =	vst.idx.add.f32.msk $0xffff, v0  }
0x1ed: {  	v1 =	vor.u32 $0x16, v7;
	v0 =	vld.idx.msk [tilespmem:v54+s2+$0x0], $0xffff  }
0x1ee: {  	v56 =	vor.u32 $0x17, v6;
	_ =	sdelay $0x1  }
0x1ef: {  	[tilespmem:v60+s10+$0x0] =	vst.idx.add.f32.msk $0xffff, v2  }
0x1f0: {  	v2 =	vld.idx.msk [tilespmem:v61+s2+$0x0], $0xffff  }
0x1f1: {  	[tilespmem:v1+s10+$0x0] =	vst.idx.add.f32.msk $0xffff, v0  }
0x1f2: {  	v1 =	vor.u32 $0x17, v7;
	v0 =	vld.idx.msk [tilespmem:v56+s2+$0x0], $0xffff  }
0x1f3: {  	v57 =	vor.u32 $0x18, v6;
	_ =	sdelay $0x1  }
0x1f4: {  	[tilespmem:v42+s10+$0x0] =	vst.idx.add.f32.msk $0xffff, v2  }
0x1f5: {  	v2 =	vld.idx.msk [tilespmem:v55+s2+$0x0], $0xffff  }
0x1f6: {  	[tilespmem:v1+s10+$0x0] =	vst.idx.add.f32.msk $0xffff, v0  }
0x1f7: {  	v1 =	vor.u32 $0x18, v7;
	v0 =	vld.idx.msk [tilespmem:v57+s2+$0x0], $0xffff  }
0x1f8: {  	v58 =	vor.u32 $0x19, v6;
	_ =	sdelay $0x1  }
0x1f9: {  	[tilespmem:v49+s10+$0x0] =	vst.idx.add.f32.msk $0xffff, v2  }
0x1fa: {  	v2 =	vld.idx.msk [tilespmem:v34+s2+$0x0], $0xffff  }
0x1fb: {  	[tilespmem:v1+s10+$0x0] =	vst.idx.add.f32.msk $0xffff, v0  }
0x1fc: {  	v1 =	vor.u32 $0x19, v7;
	v0 =	vld.idx.msk [tilespmem:v58+s2+$0x0], $0xffff  }
0x1fd: {  	v59 =	vor.u32 $0x1A, v6;
	_ =	sdelay $0x1  }
0x1fe: {  	[tilespmem:v36+s10+$0x0] =	vst.idx.add.f32.msk $0xffff, v2  }
0x1ff: {  	v2 =	vld.idx.msk [tilespmem:v45+s2+$0x0], $0xffff  }
0x200: {  	[tilespmem:v1+s10+$0x0] =	vst.idx.add.f32.msk $0xffff, v0  }
0x201: {  	v1 =	vor.u32 $0x1A, v7;
	v0 =	vld.idx.msk [tilespmem:v59+s2+$0x0], $0xffff  }
0x202: {  	v60 =	vor.u32 $0x1B, v6;
	_ =	sdelay $0x1  }
0x203: {  	[tilespmem:v31+s10+$0x0] =	vst.idx.add.f32.msk $0xffff, v2  }
0x204: {  	v2 =	vld.idx.msk [tilespmem:v32+s2+$0x0], $0xffff  }
0x205: {  	[tilespmem:v1+s10+$0x0] =	vst.idx.add.f32.msk $0xffff, v0  }
0x206: {  	v1 =	vor.u32 $0x1B, v7;
	v0 =	vld.idx.msk [tilespmem:v60+s2+$0x0], $0xffff  }
0x207: {  	v61 =	vor.u32 $0x1C, v6;
	_ =	sdelay $0x1  }
0x208: {  	[tilespmem:v29+s10+$0x0] =	vst.idx.add.f32.msk $0xffff, v2  }
0x209: {  	v2 =	vld.idx.msk [tilespmem:v30+s2+$0x0], $0xffff  }
0x20a: {  	[tilespmem:v1+s10+$0x0] =	vst.idx.add.f32.msk $0xffff, v0  }
0x20b: {  	v1 =	vor.u32 $0x1C, v7;
	v0 =	vld.idx.msk [tilespmem:v61+s2+$0x0], $0xffff  }
0x20c: {  	[tilespmem:v27+s10+$0x0] =	vst.idx.add.f32.msk $0xffff, v3;
	v62 =	vor.u32 $0x1D, v6  }
0x20d: {  	v63 =	vld.idx.msk [tilespmem:v28+s2+$0x0], $0xffff  }
0x20e: {  	[tilespmem:v16+s10+$0x0] =	vst.idx.add.f32.msk $0xffff, v2  }
0x20f: {  	v2 =	vld.idx.msk [tilespmem:v17+s2+$0x0], $0xffff  }
0x210: {  	[tilespmem:v1+s10+$0x0] =	vst.idx.add.f32.msk $0xffff, v0  }
0x211: {  	v1 =	vor.u32 $0x1D, v7;
	v0 =	vld.idx.msk [tilespmem:v62+s2+$0x0], $0xffff  }
0x212: {  	v3 =	vor.u32 $0x1E, v6;
	[tilespmem:v25+s10+$0x0] =	vst.idx.add.f32.msk $0xffff, v63  }
0x213: {  	v4 =	vld.idx.msk [tilespmem:v26+s2+$0x0], $0xffff  }
0x214: {  	[tilespmem:v44+s10+$0x0] =	vst.idx.add.f32.msk $0xffff, v2  }
0x215: {  	v2 =	vld.idx.msk [tilespmem:v43+s2+$0x0], $0xffff  }
0x216: {  	[tilespmem:v1+s10+$0x0] =	vst.idx.add.f32.msk $0xffff, v0  }
0x217: {  	v1 =	vor.u32 $0x1E, v7;
	v0 =	vld.idx.msk [tilespmem:v3+s2+$0x0], $0xffff  }
0x218: {  	v3 =	vor.u32 $0x1F, v6  }
0x219: {  	[tilespmem:v18+s10+$0x0] =	vst.idx.add.f32.msk $0xffff, v4  }
0x21a: {  	[tilespmem:v40+s10+$0x0] =	vst.idx.add.f32.msk $0xffff, v2  }
0x21b: {  	v2 =	vld.idx.msk [tilespmem:v39+s2+$0x0], $0xffff  }
0x21c: {  	[tilespmem:v1+s10+$0x0] =	vst.idx.add.f32.msk $0xffff, v0  }
0x21d: {  	v1 =	vor.u32 $0x1F, v7;
	v0 =	vld.idx.msk [tilespmem:v3+s2+$0x0], $0xffff  }
0x21e: {  	v3 =	vld.idx.msk [tilespmem:v19+s2+$0x0], $0xffff;
	_ =	sdelay $0x1  }
0x21f: {  	[tilespmem:v11+s10+$0x0] =	vst.idx.add.f32.msk $0xffff, v2  }
0x220: {  	v2 =	vld.idx.msk [tilespmem:v12+s2+$0x0], $0xffff  }
0x221: {  	[tilespmem:v1+s10+$0x0] =	vst.idx.add.f32.msk $0xffff, v0  }
0x222: {  	[tilespmem:v15+s10+$0x0] =	vst.idx.add.f32.msk $0xffff, v3  }
0x223: {  	[tilespmem:v23+s11+$0x0] =	vst.idx.add.f32.msk $0xffff, v21  }
0x224: {  	[tilespmem:v22+s11+$0x0] =	vst.idx.add.f32.msk $0xffff, v21  }
0x225: {  	[tilespmem:v10+s10+$0x0] =	vst.idx.add.f32.msk $0xffff, v2  }
0x226: {  	[tilespmem:v24+s11+$0x0] =	vst.idx.add.f32.msk $0xffff, v21  }
0x227: {  	[hbm4b:s5+s12] =	stream.strided.scatter [tilespmem:s10], [sflag:$0x1], $0x4000, s13, s12, $0x38;
	[tilespmem:$0x8400] =	vst v63  }
0x228: {  	s14 =	sadd.s32 $0x1, s14;
	_ =	swait.ge [sflag:s8], $0x4000  }
0x229: {  	p0 =	sne.s32 s14, s7;
	[sflag:s8] =	ssyncset.done $0x0  }
.Ltmp3:
0x22a: {  	[sflag:s8] =	ssyncadd.s32 $0xFFFFC000;
	(pc) =	sbr.rel @p0 .LBB2_1-.Ltmp3, $4  }
0x22b: {  	[hbm4b:s6+s12] =	stream.strided.scatter [tilespmem:s11], [sflag:$0x1], $0x200, s13, s12, $0x38;
	[tilespmem:$0x8400] =	vst v63  }
0x22c: {  	_ =	swait.ge [sflag:s8], $0x200  }
0x22d: {  	[sflag:s8] =	ssyncset.done $0x0  }
0x22e: {  	v0 =	vimm.f32 $0.0e+00;
	[sflag:s8] =	ssyncadd.s32 $0xFFFFFE00  }
0x22f: {  	_ =	sfence.sel $0x180000  }
0x230: {  	[bflag:$0x0] =	sbarrier.arrive $0xFFFF  }
0x231: {  	p0 =	sne.s32 s0, $0x0;
	_ =	strace $0x9000004A  }
0x232: {  	s0 =	sadd.s32 @!p0 $0x100000, s1;
	[bflag:$0x2] =	sbarrier.arrive $0xFFFF  }
0x233: {  	[sflag:s0] =	ssyncadd.tile.s32 @!p0 $0x1;
	_ =	shalt  }
.Lfunc_end2:
_tile_overlayer_lowered:
.L_overlay_start_2:
0x234: {  	(tag) =	ssettag $0x2  }
0x235: {  	s0 =	rddreg [dreg:$0x0];
	s2 =	stileid.u32  }
0x236: {  	s1 =	rddreg [dreg:$0x1];
	p0 =	sne.s32 s2, $0x0  }
0x237: {  	s3 =	rddreg [dreg:$0x2];
	[bflag:$0x3] =	sbarrier.arrive $0xFFFF;
	s2 =	simm.s32 @!p0 $0x1C01  }
0x238: {  	[timem:s3], [sflag:s2] =	dma.local @!p0 [hbm:s0], s1  }
0x239: {  	s0 =	simm.s32 @!p0 $0x1  }
0x23a: {  	_ =	swait.ge @!p0 [sflag:s0], s1  }
0x23b: {  	s1 =	ssub.s32 @!p0 $0x0, s1;
	[sflag:s0] =	ssyncset.done @!p0 $0x0  }
0x23c: {  	[sflag:s0] =	ssyncadd.s32 @!p0 s1  }
0x23d: {  	[bflag:$0x3] =	sbarrier.arrive $0xFFFF  }
0x23e: {  	_ =	shalt  }

// kernel: kernel.7.cloned.1.call-start
scs
__scs_entry_jumppad:
0x0: {  	(pc) =	sbr.rel $0x88, $3  }
0x1: {  	(tag) =	ssettag $0x0;
	lr =	simm.s32 $0x1  }
0x2: {  	[smem:$0x3F9F] =	sst lr;
	_ =	strace $0xD0000000  }
0x3: {  	_ = 	snop  }
0x4: {  	_ = 	snop  }
0x5: {  	_ = 	snop  }
0x6: {  	_ = 	snop  }
0x7: {  	_ = 	snop  }
__scs_overlays_trampoline_lowered:
0x8: {  	[smem:$0x3FAE] =	sst s0  }
0x9: {  	[smem:$0x3FAF] =	sst s1  }
0xa: {  	[smem:$0x3FB0] =	sst s2  }
0xb: {  	[smem:$0x3FB1] =	sst s3  }
0xc: {  	[smem:$0x3FB2] =	sst s4  }
0xd: {  	[smem:$0x3FB3] =	sst s5  }
0xe: {  	[smem:$0x3FB4] =	sst s6  }
0xf: {  	[smem:$0x3FB5] =	sst s7  }
0x10: {  	[smem:$0x3FB6] =	sst s8  }
0x11: {  	[smem:$0x3FB7] =	sst s9;
	s0 =	simm.s32 @!p0 $0x0  }
0x12: {  	s1 =	sld [smem:$0x3F9D];
	s0 =	simm.s32 @p0 $0x1  }
0x13: {  	[smem:$0x3FB8] =	sst s0;
	s0 =	simm.s32 @!p1 $0x0  }
0x14: {  	s2 =	sld [smem:$0x3F9C];
	s0 =	simm.s32 @p1 $0x1  }
0x15: {  	[smem:$0x3FB9] =	sst s0;
	s0 =	simm.s32 @!p2 $0x0  }
0x16: {  	s3 =	sld [smem:$0x3FDB];
	s0 =	simm.s32 @p2 $0x1  }
0x17: {  	s4 =	simm.s32 $0x1BF5;
	[smem:$0x3FBB] =	sst s0  }
0x18: {  	s0 =	sld [smem:$0x3F9E];
	_ =	swait.ge [sflag:s4], $0x0  }
0x19: {  	s7 =	sld [smem:$0x3F9F]  }
0x1a: {  	s8 =	sadd.s32 $0xFFFFE003, lr  }
0x1b: {  	s9 =	sadd.s32 $0xFFFFFEF7, lr;
	s5 =	simm.s32 $0xFFFFFFFF;
	p2 =	slt.u32 s8, $0xFFFFF086  }
0x1c: {  	p1 =	slt.u32 s9, $0xF7A;
	s5 =	simm.s32 @!p2 $0x0  }
0x1d: {  	s5 =	simm.s32 @p1 $0x1;
	p0 =	seq.s32 s7, s2  }
0x1e: {  	s7 =	smul.u32 @!p0 $0xF7A, s2;
	p2 =	seq.s32 @!p0 s5, $0x0  }
0x1f: {  	s9 =	smul.u32 $0xF7A, s1;
	s8 =	simm.s32 @!p0 $0x1BF5;
	p2 =	por !p2, p0  }
0x20: {  	[sflag:s8] =	ssyncset.s32 @!p0 $0xFFFFF086;
	s6 =	sadd.s32 @!p0 s3, s7;
	s7 =	simm.s32 @!p0 $0x108  }
0x21: {  	s3 =	sadd.s32 s3, s9;
	s6 =	sadd.s32 @!p0 $0x88, s6;
	s7 =	simm.s32 @p2 $0x1082  }
0x22: {  	[simem:s7], [sflag:s8] =	dma.local @!p0 [hbm:s6], $0xF7A  }
0x23: {  	s9 =	sor.u32 $0xD0000000, s2;
	s6 =	simm.s32 $0x108;
	_ =	swait.ge @!p0 [sflag:s8], $0x0  }
0x24: {  	s3 =	sadd.s32 $0x88, s3;
	s6 =	simm.s32 @!p1 $0x1082;
	[sflag:s4] =	ssyncset.s32 $0xFFFFF086  }
0x25: {  	[simem:s6], [sflag:s4] =	dma.local [hbm:s3], $0xF7A  }
0x26: {  	[smem:$0x3F9F] =	sst s1;
	(tag) =	ssettag s2;
	_ =	strace s9  }
0x27: {  	s1 =	sld [smem:$0x3FAF]  }
0x28: {  	s2 =	sld [smem:$0x3FB0]  }
0x29: {  	s4 =	sld [smem:$0x3FB2]  }
0x2a: {  	p0 =	seq.s32 s5, $0x0;
	s5 =	sld [smem:$0x3FB3]  }
0x2b: {  	s6 =	sld [smem:$0x3FB4]  }
0x2c: {  	s7 =	sld [smem:$0x3FB5]  }
0x2d: {  	s3 =	simm.s32 $0x108;
	s8 =	sld [smem:$0x3FB6]  }
0x2e: {  	s3 =	simm.s32 @!p0 $0x1082;
	s9 =	sld [smem:$0x3FB7]  }
0x2f: {  	lr =	sadd.s32 s0, s3;
	s0 =	sld [smem:$0x3FAE]  }
0x30: {  	s3 =	sld [smem:$0x3FB1]  }
0x31: {  	[smem:$0x3FBA] =	sst s10  }
0x32: {  	s10 =	sld [smem:$0x3FB8];
	_ =	sdelay $0x3  }
0x33: {  	p0 =	seq.s32 s10, $0x1;
	s10 =	sld [smem:$0x3FBA];
	_ =	sdelay $0x3  }
0x34: {  	[smem:$0x3FBA] =	sst s10  }
0x35: {  	s10 =	sld [smem:$0x3FB9];
	_ =	sdelay $0x3  }
0x36: {  	p1 =	seq.s32 s10, $0x1;
	s10 =	sld [smem:$0x3FBA];
	_ =	sdelay $0x3  }
0x37: {  	[smem:$0x3FBA] =	sst s10  }
0x38: {  	s10 =	sld [smem:$0x3FBB]  }
0x39: {  	_ = 	snop;
	(pc) =	sbr.ind lr, $3  }
0x3a: {  	_ = 	snop  }
0x3b: {  	_ = 	snop  }
0x3c: {  	p2 =	seq.s32 s10, $0x1;
	s10 =	sld [smem:$0x3FBA]  }
0x3d: {  	_ =	shalt  }
0x3e: {  	_ =	shalt  }
0x3f: {  	_ =	shalt  }
0x40: {  	_ =	shalt  }
0x41: {  	_ =	shalt  }
0x42: {  	_ =	shalt  }
0x43: {  	_ =	shalt  }
0x44: {  	_ =	shalt  }
0x45: {  	_ =	shalt  }
0x46: {  	_ =	shalt  }
0x47: {  	_ =	shalt  }
0x48: {  	_ =	shalt  }
0x49: {  	_ =	shalt  }
0x4a: {  	_ =	shalt  }
0x4b: {  	_ =	shalt  }
0x4c: {  	_ =	shalt  }
0x4d: {  	_ =	shalt  }
0x4e: {  	_ =	shalt  }
0x4f: {  	_ =	shalt  }
0x50: {  	_ =	shalt  }
0x51: {  	_ =	shalt  }
0x52: {  	_ =	shalt  }
0x53: {  	_ =	shalt  }
0x54: {  	_ =	shalt  }
0x55: {  	_ =	shalt  }
0x56: {  	_ =	shalt  }
0x57: {  	_ =	shalt  }
0x58: {  	_ =	shalt  }
0x59: {  	_ =	shalt  }
0x5a: {  	_ =	shalt  }
0x5b: {  	_ =	shalt  }
0x5c: {  	_ =	shalt  }
0x5d: {  	_ =	shalt  }
0x5e: {  	_ =	shalt  }
0x5f: {  	_ =	shalt  }
0x60: {  	_ =	shalt  }
0x61: {  	_ =	shalt  }
0x62: {  	_ =	shalt  }
0x63: {  	_ =	shalt  }
0x64: {  	_ =	shalt  }
0x65: {  	_ =	shalt  }
0x66: {  	_ =	shalt  }
0x67: {  	_ =	shalt  }
0x68: {  	_ =	shalt  }
0x69: {  	_ =	shalt  }
0x6a: {  	_ =	shalt  }
0x6b: {  	_ =	shalt  }
0x6c: {  	_ =	shalt  }
0x6d: {  	_ =	shalt  }
0x6e: {  	_ =	shalt  }
0x6f: {  	_ =	shalt  }
0x70: {  	_ =	shalt  }
0x71: {  	_ =	shalt  }
0x72: {  	_ =	shalt  }
0x73: {  	_ =	shalt  }
0x74: {  	_ =	shalt  }
0x75: {  	_ =	shalt  }
0x76: {  	_ =	shalt  }
0x77: {  	_ =	shalt  }
0x78: {  	_ =	shalt  }
0x79: {  	_ =	shalt  }
0x7a: {  	_ =	shalt  }
0x7b: {  	_ =	shalt  }
0x7c: {  	_ =	shalt  }
0x7d: {  	_ =	shalt  }
0x7e: {  	_ =	shalt  }
0x7f: {  	_ =	shalt  }
0x80: {  	_ =	shalt  }
0x81: {  	_ =	shalt  }
0x82: {  	_ =	shalt  }
0x83: {  	_ =	shalt  }
0x84: {  	_ =	shalt  }
0x85: {  	_ =	shalt  }
0x86: {  	_ =	shalt  }
0x87: {  	_ =	shalt  }
.Lfunc_end0:
.L_simem_size_0:
called_computation_lowered:
.L_overlay_start_0:
0x88: {  	s2 =	sld [smem:$0x3FD9]  }
0x89: {  	s3 =	sld [smem:$0x3FFE];
	_ =	sdelay $0x1  }
0x8a: {  	s1 =	srdreg.scid  }
0x8b: {  	s0 =	sand.u32 $0x1, s1  }
0x8c: {  	s14 =	sshll.u32 s0, $0xA;
	s2 =	sadd.s32 s3, s2  }
0x8d: {  	s2 =	sadd.s32 s2, s14  }
0x8e: {  	[smem:$0x3FC6] =	sst s2  }
0x8f: {  	_ = 	snop  }
0x90: {  	s2 =	sld [smem:$0x3FD0];
	_ =	sdelay $0x2  }
0x91: {  	s15 =	simm.s32 $0xB;
	s4 =	simm.s32 $0x10  }
0x92: {  	[smem:s4], [sflag:s15] =	dma.local [hbm:s2], $0x1  }
0x93: {  	_ =	swait.eq [sflag:s15], $0x1  }
0x94: {  	[sflag:s15] =	ssyncset.done $0x0  }
0x95: {  	[sflag:s15] =	ssyncadd.s32 $0xFFFFFFFF  }
0x96: {  	s16 =	sld [smem:$0x10];
	(tm) =	ssettm $0x1  }
0x97: {  	s17 =	sld [smem:$0x3FFB];
	_ =	sdelay $0x3  }
0x98: {  	_ =	strace s17  }
0x99: {  	s3 =	sld [smem:$0x3FFC];
	_ =	sdelay $0x3  }
0x9a: {  	_ =	strace s3  }
0x9b: {  	s3 =	sld [smem:$0x3FFD];
	_ =	sdelay $0x3  }
0x9c: {  	_ =	strace s3  }
0x9d: {  	_ =	strace $0x8FFFFFFF  }
0x9e: {  	s18 =	sld [smem:$0x3FDB];
	_ =	sdelay $0x1  }
0x9f: {  	s19 =	simm.s32 $_scs_section_size  }
0xa0: {  	s5 =	simm.s32 $_size__tile_overlayer_lowered;
	s6 =	simm.s32 $_tile_overlayer_lowered  }
0xa1: {  	s22 =	simm.s32 $0x1BFF;
	s21 =	sshll.u32 s6, $0x1;
	s3 =	sadd.s32 s19, s18  }
0xa2: {  	s7 =	simm.s32 $0x0;
	s20 =	sshll.u32 s5, $0x1;
	s5 =	sadd.s32 s21, s3  }
0xa3: {  	[timem:s7], [sflag:s22] =	dma.local [hbm:s5], s20  }
0xa4: {  	_ =	swait.ge [sflag:s22], s20  }
0xa5: {  	s4 =	ssub.s32 $0x0, s20;
	[sflag:s22] =	ssyncset.done $0x0  }
0xa6: {  	[sflag:s22] =	ssyncadd.s32 s4;
	_ =	sdelay $0x1  }
0xa7: {  	s23 =	simm.s32 $0x1B8B  }
0xa8: {  	_ =	swait.ge [sflag:s23], $0x1  }
0xa9: {  	[sflag:s23] =	ssyncset.done $0x0  }
0xaa: {  	s25 =	simm.s32 $0x1B8E;
	s24 =	sld [smem:$0x3FFE];
	[sflag:s23] =	ssyncadd.s32 $0xFFFFFFFF  }
0xab: {  	s26 =	simm.s32 $execute0_lowered;
	[smem:$0x3FD2] =	sst s25  }
0xac: {  	s5 =	sshll.u32 s26, $0x1;
	_ =	strace $0x80000046;
	[dreg:$0x1] =	wrdreg $0xFFFFFFFF  }
0xad: {  	s28 =	simm.s32 $_size_execute0_lowered;
	s3 =	sadd.s32 s3, s5;
	[dreg:$0x0] =	wrdreg $0x0  }
0xae: {  	s5 =	sshll.u32 s28, $0x1;
	[dreg:$0x2] =	wrdreg s3  }
0xaf: {  	[dreg:$0x3] =	wrdreg s5  }
0xb0: {  	[dreg:$0x4] =	wrdreg $0xC0  }
0xb1: {  	_ =	task [dreg:s7], $0x5FFFF  }
0xb2: {  	[dreg:$0x1] =	wrdreg $0xFFFFFFFF  }
0xb3: {  	[dreg:$0x0] =	wrdreg $0x60  }
0xb4: {  	[dreg:$0x2] =	wrdreg s24  }
0xb5: {  	[dreg:$0x3] =	wrdreg s16  }
0xb6: {  	[dreg:$0x4] =	wrdreg $0x9  }
0xb7: {  	_ =	task.clear_ibuf [dreg:s7], $0x5FFFF;
	_ =	strace $0x90000046  }
0xb8: {  	s29 =	simm.s32 $0x9;
	_ =	strace $0x80000048  }
0xb9: {  	_ =	swait.ge [sflag:s29], $0x1  }
0xba: {  	[sflag:s29] =	ssyncadd.s32 $0xFFFFFFFF  }
0xbb: {  	_ =	strace $0x90000048  }
0xbc: {  	_ =	sfence  }
0xbd: {  	s30 =	sld [smem:$0x0];
	_ =	sdelay $0x2  }
0xbe: {  	s31 =	sshll.u32 s1, $0xD;
	s1 =	sshrl.u32 s1, $0x2  }
0xbf: {  	s3 =	sand.u32 $0x4000, s31;
	s1 =	sadd.s32 s1, s30  }
0xc0: {  	s0 =	sor.u32 s3, s0;
	s1 =	sshll.u32 s1, $0x11  }
0xc1: {  	s0 =	sor.u32 s1, s0  }
0xc2: {  	s0 =	sadd.s32 $0x8F2B, s0  }
0xc3: {  	[sflag:s0] =	ssyncadd.remote.s32 $0x1  }
0xc4: {  	_ =	sfence.sel $0xFFFF  }
0xc5: {  	[dreg:$0x0] =	wrdreg $0xFFFFFFFF;
	(pc) =	sbr.abs _section_cstart, $3  }
0xc6: {  	[dreg:$0x1] =	wrdreg $0xFFFFFFFF  }
0xc7: {  	_ =	task.clear_ibuf [dreg:s7], $0x2FFFF;
	_ =	strace $0x9FFFFFFF  }
0xc8: {  	(tm) =	ssettm $0x7FFFFFFF  }
0xc9: {  	_ =	shalt  }
tec
execute0_lowered:
.L_overlay_start_1:
0x0: {  	(tag) =	ssettag $0x1  }
0x1: {  	s3 =	rddreg [dreg:$0x0]  }
0x2: {  	s4 =	rddreg [dreg:$0x1]  }
0x3: {  	s0 =	rddreg [dreg:$0x2];
	s5 =	srdreg.scid  }
0x4: {  	s1 =	stileid.u32;
	s2 =	simm.s32 $0x0;
	s11 =	simm.s32 $0x8200  }
0x5: {  	s12 =	simm.s32 $0x80;
	s13 =	simm.s32 $0x400;
	s14 =	simm.s32 $0x0  }
0x6: {  	s5 =	sand.u32 $0x1, s5;
	s6 =	sshll.u32 s1, $0x1;
	[smem:$0x7FF] =	sst s2  }
0x7: {  	s7 =	sshrl.u32 s1, $0x2;
	s6 =	sor.u32 s5, s6;
	_ =	strace $0x80000047  }
0x8: {  	s10 =	sshll.u32 s7, $0x11;
	s7 =	sshll.u32 s7, $0xC;
	s5 =	ssub.s32 $0x2, s5  }
0x9: {  	s8 =	sshll.u32 s6, $0x7;
	s9 =	sshll.u32 s6, $0xB;
	s30 =	sshrl.u32 s5, $0x1  }
0xa: {  	s31 =	sshll.u32 s6, $0x6;
	s8 =	sand.u32 $0x380, s8;
	s9 =	sadd.s32 s9, s3  }
0xb: {  	s4 =	sadd.s32 s4, s31;
	s10 =	sor.u32 s10, s8;
	s7 =	sor.u32 s7, s8  }
0xc: {  	s8 =	simm.s32 $0x1;
	s10 =	sshrl.u32 s10, $0x3;
	s7 =	sshrl.u32 s7, $0x3  }
0xd: {  	s29 =	sadd.s32 s10, s3;
	s7 =	sadd.s32 s7, s3;
	s10 =	ssub.s32 s5, s30  }
0xe: {  	v1 =	vlaneseq.u32;
	s3 =	sadd.s32 $0x1E00, s9;
	s9 =	simm.s32 $0x4000;
	s5 =	sadd.s32 $0x21E00, s29  }
0xf: {  	v0 =	vimm.f32 $0.0e+00;
	v21 =	vimm.f32 $1.000000000e+00;
	v20 =	vmul.u32 $0x20, v1;
	s6 =	sadd.s32 $0x31E00, s7;
	s7 =	smax.u32 s10, $0x1;
	s10 =	simm.s32 $0x4200  }
.LBB2_1:
0x10: {  	[tilespmem:s2], [sflag:$0x1] =	stream.linear.gather [hbm4b:s3+s2], $0x4000, $0x38;
	[tilespmem:$0x8400] =	vst v63  }
0x11: {  	_ =	swait.ge [sflag:s8], $0x4000  }
0x12: {  	[sflag:s8] =	ssyncset.done $0x0  }
0x13: {  	[sflag:s8] =	ssyncadd.s32 $0xFFFFC000  }
0x14: {  	[tilespmem:s9], [sflag:$0x1] =	stream.linear.gather [hbm4b:s4+s2], $0x200, $0x38;
	[tilespmem:$0x8400] =	vst v63  }
0x15: {  	_ =	swait.ge [sflag:s8], $0x200  }
0x16: {  	[sflag:s8] =	ssyncset.done $0x0  }
0x17: {  	s16 =	simm.s32 $0x4240;
	[sflag:s8] =	ssyncadd.s32 $0xFFFFFE00  }
0x18: {  	[tilespmem:s16+$0xFFFFFFC0] =	vst v0  }
0x19: {  	[tilespmem:s16+$0x30] =	vst v0  }
0x1a: {  	[tilespmem:s16+$0x20] =	vst v0  }
0x1b: {  	[tilespmem:s16+$0x10] =	vst v0  }
0x1c: {  	[tilespmem:s16+$0x0] =	vst v0  }
0x1d: {  	[tilespmem:s16+$0xFFFFFFF0] =	vst v0  }
0x1e: {  	s17 =	simm.s32 $0x0;
	[tilespmem:s16+$0xFFFFFFE0] =	vst v0  }
.LBB2_2:
0x1f: {  	s17 =	sadd.s32 $0x8, s17;
	[tilespmem:s16+$0xFFFFFFD0] =	vst v0;
	s16 =	sadd.s32 $0x80, s16;
	s15 =	simm.s32 $0x8240  }
0x20: {  	[tilespmem:s16+$0xFFFFFFC0] =	vst v0;
	p0 =	slt.u32 s17, $0x3F8  }
0x21: {  	[tilespmem:s16+$0x30] =	vst v0  }
.Ltmp0:
0x22: {  	[tilespmem:s16+$0x20] =	vst v0;
	(pc) =	sbr.rel @p0 .LBB2_2-.Ltmp0, $4  }
0x23: {  	[tilespmem:s16+$0x10] =	vst v0  }
0x24: {  	[tilespmem:s16+$0x0] =	vst v0  }
0x25: {  	[tilespmem:s16+$0xFFFFFFF0] =	vst v0  }
0x26: {  	[tilespmem:s16+$0xFFFFFFE0] =	vst v0  }
0x27: {  	[tilespmem:s16+$0xFFFFFFD0] =	vst v0  }
0x28: {  	[tilespmem:s15+$0xFFFFFFC0] =	vst v0  }
0x29: {  	[tilespmem:s15+$0x30] =	vst v0  }
0x2a: {  	[tilespmem:s15+$0x20] =	vst v0  }
0x2b: {  	[tilespmem:s15+$0x10] =	vst v0  }
0x2c: {  	[tilespmem:s15+$0x0] =	vst v0  }
0x2d: {  	[tilespmem:s15+$0xFFFFFFF0] =	vst v0  }
0x2e: {  	s18 =	simm.s32 $0x0;
	s16 =	simm.s32 $0x4010;
	s17 =	simm.s32 $0x10;
	[tilespmem:s15+$0xFFFFFFE0] =	vst v0  }
.LBB2_4:
0x2f: {  	s18 =	sadd.s32 $0x8, s18;
	[tilespmem:s15+$0xFFFFFFD0] =	vst v0;
	s15 =	sadd.s32 $0x80, s15  }
0x30: {  	[tilespmem:s15+$0xFFFFFFC0] =	vst v0;
	p0 =	slt.u32 s18, $0x18  }
0x31: {  	[tilespmem:s15+$0x30] =	vst v0  }
.Ltmp1:
0x32: {  	[tilespmem:s15+$0x20] =	vst v0;
	(pc) =	sbr.rel @p0 .LBB2_4-.Ltmp1, $4  }
0x33: {  	[tilespmem:s15+$0x10] =	vst v0  }
0x34: {  	[tilespmem:s15+$0x0] =	vst v0  }
0x35: {  	[tilespmem:s15+$0xFFFFFFF0] =	vst v0  }
0x36: {  	[tilespmem:s15+$0xFFFFFFE0] =	vst v0  }
0x37: {  	s18 =	simm.s32 $0x0  }
0x38: {  	v1 =	vmov s18  }
0x39: {  	[tilespmem:s15+$0xFFFFFFD0] =	vst v0;
	v1 =	vshll.u32 v1, $0x5  }
0x3a: {  	v9 =	vld [tilespmem:s16+$0xFFFFFFF0];
	v11 =	vor.u32 v20, v1;
	_ =	sdelay $0x1  }
0x3b: {  	v1 =	vmov s17  }
0x3c: {  	v1 =	vshll.u32 v1, $0x5  }
0x3d: {  	v22 =	vld [tilespmem:s16+$0x0];
	v8 =	vor.u32 v20, v1  }
0x3e: {  	v10 =	vshll.u32 v9, $0x5;
	v1 =	vld.idx.msk [tilespmem:v11+s2+$0x0], $0xffff  }
0x3f: {  	v2 =	vor.u32 $0x1, v11;
	_ =	sdelay $0x2  }
0x40: {  	v15 =	vshll.u32 v22, $0x5;
	v3 =	vld.idx.msk [tilespmem:v8+s2+$0x0], $0xffff  }
0x41: {  	v4 =	vor.u32 $0x1, v8;
	[tilespmem:v10+s10+$0x0] =	vst.idx.add.f32.msk $0xffff, v1  }
0x42: {  	v1 =	vld.idx.msk [tilespmem:v2+s2+$0x0], $0xffff;
	v2 =	vor.u32 $0x1, v10  }
0x43: {  	v5 =	vor.u32 $0x2, v11;
	_ =	sdelay $0x1  }
0x44: {  	[tilespmem:v15+s10+$0x0] =	vst.idx.add.f32.msk $0xffff, v3  }
0x45: {  	v3 =	vor.u32 $0x1, v15;
	v4 =	vld.idx.msk [tilespmem:v4+s2+$0x0], $0xffff  }
0x46: {  	v6 =	vor.u32 $0x2, v8;
	[tilespmem:v2+s10+$0x0] =	vst.idx.add.f32.msk $0xffff, v1  }
0x47: {  	v2 =	vor.u32 $0x2, v10;
	v1 =	vld.idx.msk [tilespmem:v5+s2+$0x0], $0xffff  }
0x48: {  	v5 =	vor.u32 $0x3, v11;
	_ =	sdelay $0x1  }
0x49: {  	[tilespmem:v3+s10+$0x0] =	vst.idx.add.f32.msk $0xffff, v4  }
0x4a: {  	v3 =	vor.u32 $0x2, v15;
	v4 =	vld.idx.msk [tilespmem:v6+s2+$0x0], $0xffff  }
0x4b: {  	v6 =	vor.u32 $0x3, v8;
	[tilespmem:v2+s10+$0x0] =	vst.idx.add.f32.msk $0xffff, v1  }
0x4c: {  	v2 =	vor.u32 $0x3, v10;
	v1 =	vld.idx.msk [tilespmem:v5+s2+$0x0], $0xffff  }
0x4d: {  	v5 =	vor.u32 $0x4, v11;
	_ =	sdelay $0x1  }
0x4e: {  	[tilespmem:v3+s10+$0x0] =	vst.idx.add.f32.msk $0xffff, v4  }
0x4f: {  	v3 =	vor.u32 $0x3, v15;
	v4 =	vld.idx.msk [tilespmem:v6+s2+$0x0], $0xffff  }
0x50: {  	v6 =	vor.u32 $0x4, v8;
	[tilespmem:v2+s10+$0x0] =	vst.idx.add.f32.msk $0xffff, v1  }
0x51: {  	v2 =	vor.u32 $0x4, v10;
	v1 =	vld.idx.msk [tilespmem:v5+s2+$0x0], $0xffff  }
0x52: {  	v5 =	vor.u32 $0x5, v11;
	_ =	sdelay $0x1  }
0x53: {  	[tilespmem:v3+s10+$0x0] =	vst.idx.add.f32.msk $0xffff, v4  }
0x54: {  	v3 =	vor.u32 $0x4, v15;
	v4 =	vld.idx.msk [tilespmem:v6+s2+$0x0], $0xffff  }
0x55: {  	v6 =	vor.u32 $0x5, v8;
	[tilespmem:v2+s10+$0x0] =	vst.idx.add.f32.msk $0xffff, v1  }
0x56: {  	v2 =	vor.u32 $0x5, v10;
	v1 =	vld.idx.msk [tilespmem:v5+s2+$0x0], $0xffff  }
0x57: {  	v5 =	vor.u32 $0x6, v11;
	_ =	sdelay $0x1  }
0x58: {  	[tilespmem:v3+s10+$0x0] =	vst.idx.add.f32.msk $0xffff, v4  }
0x59: {  	v3 =	vor.u32 $0x5, v15;
	v4 =	vld.idx.msk [tilespmem:v6+s2+$0x0], $0xffff  }
0x5a: {  	v6 =	vor.u32 $0x6, v8;
	[tilespmem:v2+s10+$0x0] =	vst.idx.add.f32.msk $0xffff, v1  }
0x5b: {  	v2 =	vor.u32 $0x6, v10;
	v1 =	vld.idx.msk [tilespmem:v5+s2+$0x0], $0xffff  }
0x5c: {  	v5 =	vor.u32 $0x7, v11;
	_ =	sdelay $0x1  }
0x5d: {  	[tilespmem:v3+s10+$0x0] =	vst.idx.add.f32.msk $0xffff, v4  }
0x5e: {  	v3 =	vor.u32 $0x6, v15;
	v4 =	vld.idx.msk [tilespmem:v6+s2+$0x0], $0xffff  }
0x5f: {  	v6 =	vor.u32 $0x7, v8;
	[tilespmem:v2+s10+$0x0] =	vst.idx.add.f32.msk $0xffff, v1  }
0x60: {  	v2 =	vor.u32 $0x7, v10;
	v1 =	vld.idx.msk [tilespmem:v5+s2+$0x0], $0xffff  }
0x61: {  	v5 =	vor.u32 $0x8, v11;
	_ =	sdelay $0x1  }
0x62: {  	[tilespmem:v3+s10+$0x0] =	vst.idx.add.f32.msk $0xffff, v4  }
0x63: {  	v3 =	vor.u32 $0x7, v15;
	v4 =	vld.idx.msk [tilespmem:v6+s2+$0x0], $0xffff  }
0x64: {  	v6 =	vor.u32 $0x8, v8;
	[tilespmem:v2+s10+$0x0] =	vst.idx.add.f32.msk $0xffff, v1  }
0x65: {  	v2 =	vor.u32 $0x8, v10;
	v1 =	vld.idx.msk [tilespmem:v5+s2+$0x0], $0xffff  }
0x66: {  	v5 =	vor.u32 $0x9, v11;
	_ =	sdelay $0x1  }
0x67: {  	[tilespmem:v3+s10+$0x0] =	vst.idx.add.f32.msk $0xffff, v4  }
0x68: {  	v3 =	vor.u32 $0x8, v15;
	v4 =	vld.idx.msk [tilespmem:v6+s2+$0x0], $0xffff  }
0x69: {  	v6 =	vor.u32 $0x9, v8;
	[tilespmem:v2+s10+$0x0] =	vst.idx.add.f32.msk $0xffff, v1  }
0x6a: {  	v2 =	vor.u32 $0x9, v10;
	v1 =	vld.idx.msk [tilespmem:v5+s2+$0x0], $0xffff  }
0x6b: {  	v5 =	vor.u32 $0xA, v11;
	_ =	sdelay $0x1  }
0x6c: {  	[tilespmem:v3+s10+$0x0] =	vst.idx.add.f32.msk $0xffff, v4  }
0x6d: {  	v3 =	vor.u32 $0x9, v15;
	v4 =	vld.idx.msk [tilespmem:v6+s2+$0x0], $0xffff  }
0x6e: {  	v6 =	vor.u32 $0xA, v8;
	[tilespmem:v2+s10+$0x0] =	vst.idx.add.f32.msk $0xffff, v1  }
0x6f: {  	v2 =	vor.u32 $0xA, v10;
	v1 =	vld.idx.msk [tilespmem:v5+s2+$0x0], $0xffff  }
0x70: {  	v5 =	vor.u32 $0xB, v11;
	_ =	sdelay $0x1  }
0x71: {  	[tilespmem:v3+s10+$0x0] =	vst.idx.add.f32.msk $0xffff, v4  }
0x72: {  	v3 =	vor.u32 $0xA, v15;
	v4 =	vld.idx.msk [tilespmem:v6+s2+$0x0], $0xffff  }
0x73: {  	v6 =	vor.u32 $0xB, v8;
	[tilespmem:v2+s10+$0x0] =	vst.idx.add.f32.msk $0xffff, v1  }
0x74: {  	v2 =	vor.u32 $0xB, v10;
	v1 =	vld.idx.msk [tilespmem:v5+s2+$0x0], $0xffff  }
0x75: {  	v5 =	vor.u32 $0xC, v11;
	_ =	sdelay $0x1  }
0x76: {  	[tilespmem:v3+s10+$0x0] =	vst.idx.add.f32.msk $0xffff, v4  }
0x77: {  	v3 =	vor.u32 $0xB, v15;
	v4 =	vld.idx.msk [tilespmem:v6+s2+$0x0], $0xffff  }
0x78: {  	v6 =	vor.u32 $0xC, v8;
	[tilespmem:v2+s10+$0x0] =	vst.idx.add.f32.msk $0xffff, v1  }
0x79: {  	v2 =	vor.u32 $0xC, v10;
	v1 =	vld.idx.msk [tilespmem:v5+s2+$0x0], $0xffff  }
0x7a: {  	v5 =	vor.u32 $0xD, v11;
	_ =	sdelay $0x1  }
0x7b: {  	[tilespmem:v3+s10+$0x0] =	vst.idx.add.f32.msk $0xffff, v4  }
0x7c: {  	v3 =	vor.u32 $0xC, v15;
	v4 =	vld.idx.msk [tilespmem:v6+s2+$0x0], $0xffff  }
0x7d: {  	v6 =	vor.u32 $0xD, v8;
	[tilespmem:v2+s10+$0x0] =	vst.idx.add.f32.msk $0xffff, v1  }
0x7e: {  	v2 =	vor.u32 $0xD, v10;
	v1 =	vld.idx.msk [tilespmem:v5+s2+$0x0], $0xffff  }
0x7f: {  	v5 =	vor.u32 $0xE, v11;
	_ =	sdelay $0x1  }
0x80: {  	[tilespmem:v3+s10+$0x0] =	vst.idx.add.f32.msk $0xffff, v4  }
0x81: {  	v3 =	vor.u32 $0xD, v15;
	v4 =	vld.idx.msk [tilespmem:v6+s2+$0x0], $0xffff  }
0x82: {  	v6 =	vor.u32 $0xE, v8;
	[tilespmem:v2+s10+$0x0] =	vst.idx.add.f32.msk $0xffff, v1  }
0x83: {  	v2 =	vor.u32 $0xE, v10;
	v1 =	vld.idx.msk [tilespmem:v5+s2+$0x0], $0xffff  }
0x84: {  	v5 =	vor.u32 $0xF, v11;
	_ =	sdelay $0x1  }
0x85: {  	[tilespmem:v3+s10+$0x0] =	vst.idx.add.f32.msk $0xffff, v4  }
0x86: {  	v3 =	vor.u32 $0xE, v15;
	v4 =	vld.idx.msk [tilespmem:v6+s2+$0x0], $0xffff  }
0x87: {  	v6 =	vor.u32 $0xF, v8;
	[tilespmem:v2+s10+$0x0] =	vst.idx.add.f32.msk $0xffff, v1  }
0x88: {  	v2 =	vor.u32 $0xF, v10;
	v1 =	vld.idx.msk [tilespmem:v5+s2+$0x0], $0xffff  }
0x89: {  	v5 =	vor.u32 $0x10, v11;
	_ =	sdelay $0x1  }
0x8a: {  	[tilespmem:v3+s10+$0x0] =	vst.idx.add.f32.msk $0xffff, v4  }
0x8b: {  	v3 =	vor.u32 $0xF, v15;
	v4 =	vld.idx.msk [tilespmem:v6+s2+$0x0], $0xffff  }
0x8c: {  	v6 =	vor.u32 $0x10, v8;
	[tilespmem:v2+s10+$0x0] =	vst.idx.add.f32.msk $0xffff, v1  }
0x8d: {  	v2 =	vor.u32 $0x10, v10;
	v1 =	vld.idx.msk [tilespmem:v5+s2+$0x0], $0xffff  }
0x8e: {  	v5 =	vor.u32 $0x11, v11;
	_ =	sdelay $0x1  }
0x8f: {  	[tilespmem:v3+s10+$0x0] =	vst.idx.add.f32.msk $0xffff, v4  }
0x90: {  	v3 =	vor.u32 $0x10, v15;
	v4 =	vld.idx.msk [tilespmem:v6+s2+$0x0], $0xffff  }
0x91: {  	v6 =	vor.u32 $0x11, v8;
	[tilespmem:v2+s10+$0x0] =	vst.idx.add.f32.msk $0xffff, v1  }
0x92: {  	v2 =	vor.u32 $0x11, v10;
	v1 =	vld.idx.msk [tilespmem:v5+s2+$0x0], $0xffff  }
0x93: {  	s15 =	simm.s32 $0x4030;
	v5 =	vor.u32 $0x12, v11  }
0x94: {  	s30 =	simm.s32 $0x20;
	v23 =	vld [tilespmem:s15+$0xFFFFFFF0]  }
0x95: {  	[tilespmem:v3+s10+$0x0] =	vst.idx.add.f32.msk $0xffff, v4;
	v4 =	vmov s30  }
0x96: {  	v7 =	vor.u32 $0x11, v15;
	v3 =	vld.idx.msk [tilespmem:v6+s2+$0x0], $0xffff;
	v4 =	vshll.u32 v4, $0x5  }
0x97: {  	s31 =	simm.s32 $0x30;
	v6 =	vor.u32 v20, v4;
	[tilespmem:v2+s10+$0x0] =	vst.idx.add.f32.msk $0xffff, v1  }
0x98: {  	v1 =	vmov s31;
	v4 =	vld.idx.msk [tilespmem:v5+s2+$0x0], $0xffff;
	v5 =	vor.u32 $0x12, v10  }
0x99: {  	v12 =	vor.u32 $0x13, v11;
	v1 =	vshll.u32 v1, $0x5  }
0x9a: {  	v24 =	vld [tilespmem:s15+$0x0];
	v2 =	vor.u32 v20, v1  }
0x9b: {  	v13 =	vor.u32 $0x12, v8;
	[tilespmem:v7+s10+$0x0] =	vst.idx.add.f32.msk $0xffff, v3  }
0x9c: {  	v7 =	vshll.u32 v23, $0x5;
	v3 =	vld.idx.msk [tilespmem:v6+s2+$0x0], $0xffff  }
0x9d: {  	[tilespmem:v5+s10+$0x0] =	vst.idx.add.f32.msk $0xffff, v4;
	v4 =	vor.u32 $0x1, v6  }
0x9e: {  	v5 =	vld.idx.msk [tilespmem:v12+s2+$0x0], $0xffff;
	v12 =	vor.u32 $0x13, v10  }
0x9f: {  	v1 =	vshll.u32 v24, $0x5;
	v14 =	vld.idx.msk [tilespmem:v2+s2+$0x0], $0xffff  }
0xa0: {  	v16 =	vor.u32 $0x14, v11;
	v13 =	vld.idx.msk [tilespmem:v13+s2+$0x0], $0xffff  }
0xa1: {  	v17 =	vor.u32 $0x1, v2;
	[tilespmem:v7+s10+$0x0] =	vst.idx.add.f32.msk $0xffff, v3  }
0xa2: {  	v3 =	vor.u32 $0x12, v15;
	v4 =	vld.idx.msk [tilespmem:v4+s2+$0x0], $0xffff  }
0xa3: {  	v18 =	vor.u32 $0x1, v7;
	[tilespmem:v12+s10+$0x0] =	vst.idx.add.f32.msk $0xffff, v5  }
0xa4: {  	v5 =	vor.u32 $0x2, v6;
	[tilespmem:v1+s10+$0x0] =	vst.idx.add.f32.msk $0xffff, v14  }
0xa5: {  	v14 =	vor.u32 $0x14, v10;
	v12 =	vld.idx.msk [tilespmem:v16+s2+$0x0], $0xffff  }
0xa6: {  	v19 =	vor.u32 $0x1, v1;
	v16 =	vld.idx.msk [tilespmem:v17+s2+$0x0], $0xffff  }
0xa7: {  	v17 =	vor.u32 $0x15, v11;
	[tilespmem:v3+s10+$0x0] =	vst.idx.add.f32.msk $0xffff, v13  }
0xa8: {  	v3 =	vor.u32 $0x2, v2;
	[tilespmem:v18+s10+$0x0] =	vst.idx.add.f32.msk $0xffff, v4  }
0xa9: {  	v4 =	vor.u32 $0x13, v8;
	v5 =	vld.idx.msk [tilespmem:v5+s2+$0x0], $0xffff  }
0xaa: {  	v13 =	vor.u32 $0x2, v7;
	[tilespmem:v14+s10+$0x0] =	vst.idx.add.f32.msk $0xffff, v12  }
0xab: {  	v12 =	vor.u32 $0x3, v6;
	[tilespmem:v19+s10+$0x0] =	vst.idx.add.f32.msk $0xffff, v16  }
0xac: {  	v16 =	vor.u32 $0x15, v10;
	v14 =	vld.idx.msk [tilespmem:v17+s2+$0x0], $0xffff  }
0xad: {  	v18 =	vor.u32 $0x2, v1;
	v3 =	vld.idx.msk [tilespmem:v3+s2+$0x0], $0xffff  }
0xae: {  	v17 =	vor.u32 $0x16, v11;
	v4 =	vld.idx.msk [tilespmem:v4+s2+$0x0], $0xffff  }
0xaf: {  	v19 =	vor.u32 $0x3, v2;
	[tilespmem:v13+s10+$0x0] =	vst.idx.add.f32.msk $0xffff, v5  }
0xb0: {  	v5 =	vor.u32 $0x13, v15;
	v12 =	vld.idx.msk [tilespmem:v12+s2+$0x0], $0xffff  }
0xb1: {  	v13 =	vor.u32 $0x3, v7;
	[tilespmem:v16+s10+$0x0] =	vst.idx.add.f32.msk $0xffff, v14  }
0xb2: {  	v14 =	vor.u32 $0x4, v6;
	[tilespmem:v18+s10+$0x0] =	vst.idx.add.f32.msk $0xffff, v3  }
0xb3: {  	v3 =	vor.u32 $0x16, v10;
	v16 =	vld.idx.msk [tilespmem:v17+s2+$0x0], $0xffff  }
0xb4: {  	v17 =	vld.idx.msk [tilespmem:v19+s2+$0x0], $0xffff;
	v19 =	vor.u32 $0x3, v1  }
0xb5: {  	v18 =	vor.u32 $0x17, v11;
	[tilespmem:v5+s10+$0x0] =	vst.idx.add.f32.msk $0xffff, v4  }
0xb6: {  	v4 =	vor.u32 $0x4, v2;
	[tilespmem:v13+s10+$0x0] =	vst.idx.add.f32.msk $0xffff, v12  }
0xb7: {  	v5 =	vor.u32 $0x14, v8;
	v12 =	vld.idx.msk [tilespmem:v14+s2+$0x0], $0xffff  }
0xb8: {  	v13 =	vor.u32 $0x4, v7;
	[tilespmem:v3+s10+$0x0] =	vst.idx.add.f32.msk $0xffff, v16  }
0xb9: {  	v3 =	vor.u32 $0x5, v6;
	[tilespmem:v19+s10+$0x0] =	vst.idx.add.f32.msk $0xffff, v17  }
0xba: {  	v16 =	vor.u32 $0x17, v10;
	v14 =	vld.idx.msk [tilespmem:v18+s2+$0x0], $0xffff  }
0xbb: {  	v17 =	vor.u32 $0x18, v11;
	v4 =	vld.idx.msk [tilespmem:v4+s2+$0x0], $0xffff  }
0xbc: {  	v18 =	vor.u32 $0x4, v1;
	v5 =	vld.idx.msk [tilespmem:v5+s2+$0x0], $0xffff  }
0xbd: {  	v19 =	vor.u32 $0x5, v2;
	[tilespmem:v13+s10+$0x0] =	vst.idx.add.f32.msk $0xffff, v12  }
0xbe: {  	v12 =	vor.u32 $0x14, v15;
	v3 =	vld.idx.msk [tilespmem:v3+s2+$0x0], $0xffff  }
0xbf: {  	v13 =	vor.u32 $0x5, v7;
	[tilespmem:v16+s10+$0x0] =	vst.idx.add.f32.msk $0xffff, v14  }
0xc0: {  	v14 =	vor.u32 $0x6, v6;
	v16 =	vld.idx.msk [tilespmem:v17+s2+$0x0], $0xffff  }
0xc1: {  	[tilespmem:v18+s10+$0x0] =	vst.idx.add.f32.msk $0xffff, v4;
	v4 =	vor.u32 $0x18, v10  }
0xc2: {  	v18 =	vor.u32 $0x19, v11;
	v17 =	vld.idx.msk [tilespmem:v19+s2+$0x0], $0xffff  }
0xc3: {  	v19 =	vor.u32 $0x5, v1;
	[tilespmem:v12+s10+$0x0] =	vst.idx.add.f32.msk $0xffff, v5  }
0xc4: {  	v5 =	vor.u32 $0x6, v2;
	[tilespmem:v13+s10+$0x0] =	vst.idx.add.f32.msk $0xffff, v3  }
0xc5: {  	v3 =	vor.u32 $0x15, v8;
	v12 =	vld.idx.msk [tilespmem:v14+s2+$0x0], $0xffff  }
0xc6: {  	v13 =	vor.u32 $0x6, v7;
	[tilespmem:v4+s10+$0x0] =	vst.idx.add.f32.msk $0xffff, v16  }
0xc7: {  	v4 =	vor.u32 $0x7, v6;
	v14 =	vld.idx.msk [tilespmem:v18+s2+$0x0], $0xffff  }
0xc8: {  	v16 =	vor.u32 $0x19, v10;
	[tilespmem:v19+s10+$0x0] =	vst.idx.add.f32.msk $0xffff, v17  }
0xc9: {  	v17 =	vor.u32 $0x1A, v11;
	v5 =	vld.idx.msk [tilespmem:v5+s2+$0x0], $0xffff  }
0xca: {  	v18 =	vor.u32 $0x6, v1;
	v3 =	vld.idx.msk [tilespmem:v3+s2+$0x0], $0xffff  }
0xcb: {  	v19 =	vor.u32 $0x7, v2;
	[tilespmem:v13+s10+$0x0] =	vst.idx.add.f32.msk $0xffff, v12  }
0xcc: {  	v12 =	vor.u32 $0x15, v15;
	v4 =	vld.idx.msk [tilespmem:v4+s2+$0x0], $0xffff  }
0xcd: {  	v13 =	vor.u32 $0x7, v7;
	[tilespmem:v16+s10+$0x0] =	vst.idx.add.f32.msk $0xffff, v14  }
0xce: {  	v14 =	vor.u32 $0x8, v6;
	v16 =	vld.idx.msk [tilespmem:v17+s2+$0x0], $0xffff  }
0xcf: {  	[tilespmem:v18+s10+$0x0] =	vst.idx.add.f32.msk $0xffff, v5;
	v5 =	vor.u32 $0x1A, v10  }
0xd0: {  	v18 =	vor.u32 $0x1B, v11;
	v17 =	vld.idx.msk [tilespmem:v19+s2+$0x0], $0xffff  }
0xd1: {  	v19 =	vor.u32 $0x7, v1;
	[tilespmem:v12+s10+$0x0] =	vst.idx.add.f32.msk $0xffff, v3  }
0xd2: {  	v3 =	vor.u32 $0x8, v2;
	[tilespmem:v13+s10+$0x0] =	vst.idx.add.f32.msk $0xffff, v4  }
0xd3: {  	v4 =	vor.u32 $0x16, v8;
	v12 =	vld.idx.msk [tilespmem:v14+s2+$0x0], $0xffff  }
0xd4: {  	v13 =	vor.u32 $0x8, v7;
	[tilespmem:v5+s10+$0x0] =	vst.idx.add.f32.msk $0xffff, v16  }
0xd5: {  	v5 =	vor.u32 $0x9, v6;
	v14 =	vld.idx.msk [tilespmem:v18+s2+$0x0], $0xffff  }
0xd6: {  	v16 =	vor.u32 $0x1B, v10;
	[tilespmem:v19+s10+$0x0] =	vst.idx.add.f32.msk $0xffff, v17  }
0xd7: {  	v17 =	vor.u32 $0x1C, v11;
	v3 =	vld.idx.msk [tilespmem:v3+s2+$0x0], $0xffff  }
0xd8: {  	v18 =	vor.u32 $0x8, v1;
	v4 =	vld.idx.msk [tilespmem:v4+s2+$0x0], $0xffff  }
0xd9: {  	v19 =	vor.u32 $0x9, v2;
	[tilespmem:v13+s10+$0x0] =	vst.idx.add.f32.msk $0xffff, v12  }
0xda: {  	v12 =	vor.u32 $0x16, v15;
	v5 =	vld.idx.msk [tilespmem:v5+s2+$0x0], $0xffff  }
0xdb: {  	v13 =	vor.u32 $0x9, v7;
	[tilespmem:v16+s10+$0x0] =	vst.idx.add.f32.msk $0xffff, v14  }
0xdc: {  	v14 =	vor.u32 $0xA, v6;
	v16 =	vld.idx.msk [tilespmem:v17+s2+$0x0], $0xffff  }
0xdd: {  	[tilespmem:v18+s10+$0x0] =	vst.idx.add.f32.msk $0xffff, v3;
	v3 =	vor.u32 $0x1C, v10  }
0xde: {  	v18 =	vor.u32 $0x1D, v11;
	v17 =	vld.idx.msk [tilespmem:v19+s2+$0x0], $0xffff  }
0xdf: {  	v19 =	vor.u32 $0x9, v1;
	[tilespmem:v12+s10+$0x0] =	vst.idx.add.f32.msk $0xffff, v4  }
0xe0: {  	v4 =	vor.u32 $0xA, v2;
	[tilespmem:v13+s10+$0x0] =	vst.idx.add.f32.msk $0xffff, v5  }
0xe1: {  	v5 =	vor.u32 $0x17, v8;
	v12 =	vld.idx.msk [tilespmem:v14+s2+$0x0], $0xffff  }
0xe2: {  	v13 =	vor.u32 $0xA, v7;
	[tilespmem:v3+s10+$0x0] =	vst.idx.add.f32.msk $0xffff, v16  }
0xe3: {  	v3 =	vor.u32 $0xB, v6;
	v14 =	vld.idx.msk [tilespmem:v18+s2+$0x0], $0xffff  }
0xe4: {  	v16 =	vor.u32 $0x1D, v10;
	[tilespmem:v19+s10+$0x0] =	vst.idx.add.f32.msk $0xffff, v17  }
0xe5: {  	v17 =	vor.u32 $0x1E, v11;
	v4 =	vld.idx.msk [tilespmem:v4+s2+$0x0], $0xffff  }
0xe6: {  	v18 =	vor.u32 $0xA, v1;
	v5 =	vld.idx.msk [tilespmem:v5+s2+$0x0], $0xffff  }
0xe7: {  	v19 =	vor.u32 $0xB, v2;
	[tilespmem:v13+s10+$0x0] =	vst.idx.add.f32.msk $0xffff, v12  }
0xe8: {  	v12 =	vor.u32 $0x17, v15;
	v3 =	vld.idx.msk [tilespmem:v3+s2+$0x0], $0xffff  }
0xe9: {  	v13 =	vor.u32 $0xB, v7;
	[tilespmem:v16+s10+$0x0] =	vst.idx.add.f32.msk $0xffff, v14  }
0xea: {  	v14 =	vor.u32 $0xC, v6;
	v16 =	vld.idx.msk [tilespmem:v17+s2+$0x0], $0xffff  }
0xeb: {  	[tilespmem:v18+s10+$0x0] =	vst.idx.add.f32.msk $0xffff, v4;
	v4 =	vor.u32 $0x1E, v10  }
0xec: {  	v11 =	vor.u32 $0x1F, v11;
	v17 =	vld.idx.msk [tilespmem:v19+s2+$0x0], $0xffff  }
0xed: {  	v18 =	vor.u32 $0xB, v1;
	[tilespmem:v12+s10+$0x0] =	vst.idx.add.f32.msk $0xffff, v5  }
0xee: {  	v5 =	vor.u32 $0xC, v2;
	[tilespmem:v13+s10+$0x0] =	vst.idx.add.f32.msk $0xffff, v3  }
0xef: {  	v3 =	vor.u32 $0x18, v8;
	v12 =	vld.idx.msk [tilespmem:v14+s2+$0x0], $0xffff  }
0xf0: {  	v13 =	vor.u32 $0xC, v7;
	[tilespmem:v4+s10+$0x0] =	vst.idx.add.f32.msk $0xffff, v16  }
0xf1: {  	v4 =	vor.u32 $0xD, v6;
	v11 =	vld.idx.msk [tilespmem:v11+s2+$0x0], $0xffff  }
0xf2: {  	v10 =	vor.u32 $0x1F, v10;
	[tilespmem:v18+s10+$0x0] =	vst.idx.add.f32.msk $0xffff, v17  }
0xf3: {  	v5 =	vld.idx.msk [tilespmem:v5+s2+$0x0], $0xffff  }
0xf4: {  	v14 =	vor.u32 $0xC, v1;
	v3 =	vld.idx.msk [tilespmem:v3+s2+$0x0], $0xffff  }
0xf5: {  	v16 =	vor.u32 $0xD, v2;
	[tilespmem:v13+s10+$0x0] =	vst.idx.add.f32.msk $0xffff, v12  }
0xf6: {  	v12 =	vor.u32 $0x18, v15;
	v4 =	vld.idx.msk [tilespmem:v4+s2+$0x0], $0xffff  }
0xf7: {  	v13 =	vor.u32 $0x19, v8;
	[tilespmem:v10+s10+$0x0] =	vst.idx.add.f32.msk $0xffff, v11  }
0xf8: {  	v10 =	vor.u32 $0xD, v7;
	[tilespmem:v9+s11+$0x0] =	vst.idx.add.f32.msk $0xffff, v21  }
0xf9: {  	v9 =	vor.u32 $0xE, v6;
	[tilespmem:v14+s10+$0x0] =	vst.idx.add.f32.msk $0xffff, v5  }
0xfa: {  	v5 =	vor.u32 $0xD, v1;
	v11 =	vld.idx.msk [tilespmem:v16+s2+$0x0], $0xffff  }
0xfb: {  	v14 =	vor.u32 $0xE, v2;
	[tilespmem:v12+s10+$0x0] =	vst.idx.add.f32.msk $0xffff, v3  }
0xfc: {  	v3 =	vor.u32 $0x19, v15;
	v12 =	vld.idx.msk [tilespmem:v13+s2+$0x0], $0xffff  }
0xfd: {  	v13 =	vor.u32 $0x1A, v8;
	[tilespmem:v10+s10+$0x0] =	vst.idx.add.f32.msk $0xffff, v4  }
0xfe: {  	v4 =	vld.idx.msk [tilespmem:v9+s2+$0x0], $0xffff;
	v9 =	vor.u32 $0xE, v7  }
0xff: {  	v10 =	vor.u32 $0xF, v6;
	[tilespmem:v5+s10+$0x0] =	vst.idx.add.f32.msk $0xffff, v11  }
0x100: {  	v5 =	vor.u32 $0xE, v1;
	v11 =	vld.idx.msk [tilespmem:v14+s2+$0x0], $0xffff  }
0x101: {  	v14 =	vor.u32 $0xF, v2;
	[tilespmem:v3+s10+$0x0] =	vst.idx.add.f32.msk $0xffff, v12  }
0x102: {  	v3 =	vor.u32 $0x1A, v15;
	v13 =	vld.idx.msk [tilespmem:v13+s2+$0x0], $0xffff  }
0x103: {  	v12 =	vor.u32 $0x1B, v8;
	[tilespmem:v9+s10+$0x0] =	vst.idx.add.f32.msk $0xffff, v4  }
0x104: {  	v28 =	vor.u32 $0x1D, v8;
	v26 =	vor.u32 $0x1E, v8;
	v27 =	vor.u32 $0x1C, v15;
	v4 =	vld.idx.msk [tilespmem:v10+s2+$0x0], $0xffff  }
0x105: {  	v25 =	vor.u32 $0x1D, v15;
	v37 =	vor.u32 $0x12, v2;
	v9 =	vor.u32 $0xF, v7;
	[tilespmem:v5+s10+$0x0] =	vst.idx.add.f32.msk $0xffff, v11  }
0x106: {  	v19 =	vor.u32 $0x1F, v8;
	v17 =	vor.u32 $0x1C, v8;
	v10 =	vor.u32 $0x10, v6;
	v8 =	vld.idx.msk [tilespmem:v14+s2+$0x0], $0xffff  }
0x107: {  	v41 =	vor.u32 $0x11, v1;
	v0 =	vor.u32 $0x13, v1;
	v5 =	vor.u32 $0xF, v1;
	[tilespmem:v3+s10+$0x0] =	vst.idx.add.f32.msk $0xffff, v13  }
0x108: {  	v33 =	vor.u32 $0x12, v1;
	v11 =	vor.u32 $0x10, v2;
	v3 =	vld.idx.msk [tilespmem:v12+s2+$0x0], $0xffff;
	[tilespmem:$0x1FFE0] =	vst v0;
	v0 =	vor.u32 $0x14, v2  }
0x109: {  	v38 =	vor.u32 $0x13, v2;
	v62 =	vor.u32 $0x14, v1;
	v16 =	vor.u32 $0x1B, v15;
	[tilespmem:$0x1FFF0] =	vst v0  }
0x10a: {  	v35 =	vor.u32 $0x15, v2;
	v60 =	vor.u32 $0x15, v1;
	v61 =	vor.u32 $0x16, v2;
	[tilespmem:v9+s10+$0x0] =	vst.idx.add.f32.msk $0xffff, v4  }
0x10b: {  	v42 =	vor.u32 $0x16, v1;
	v55 =	vor.u32 $0x17, v2;
	v9 =	vor.u32 $0x10, v7;
	v4 =	vld.idx.msk [tilespmem:v10+s2+$0x0], $0xffff  }
0x10c: {  	v49 =	vor.u32 $0x17, v1;
	v34 =	vor.u32 $0x18, v2;
	v10 =	vor.u32 $0x11, v6;
	[tilespmem:v5+s10+$0x0] =	vst.idx.add.f32.msk $0xffff, v8  }
0x10d: {  	v36 =	vor.u32 $0x18, v1;
	v45 =	vor.u32 $0x19, v2;
	v13 =	vor.u32 $0x10, v1;
	v5 =	vld.idx.msk [tilespmem:v11+s2+$0x0], $0xffff  }
0x10e: {  	v31 =	vor.u32 $0x19, v1;
	v32 =	vor.u32 $0x1A, v2;
	v14 =	vor.u32 $0x11, v2;
	[tilespmem:v16+s10+$0x0] =	vst.idx.add.f32.msk $0xffff, v3  }
0x10f: {  	v29 =	vor.u32 $0x1A, v1;
	v30 =	vor.u32 $0x1B, v2;
	v44 =	vor.u32 $0x1C, v1;
	v3 =	vld.idx.msk [tilespmem:v17+s2+$0x0], $0xffff  }
0x110: {  	v43 =	vor.u32 $0x1D, v2;
	v40 =	vor.u32 $0x1D, v1;
	v39 =	vor.u32 $0x1E, v2;
	[tilespmem:v9+s10+$0x0] =	vst.idx.add.f32.msk $0xffff, v4  }
0x111: {  	v18 =	vor.u32 $0x1E, v15;
	v15 =	vor.u32 $0x1F, v15;
	v12 =	vor.u32 $0x1F, v2;
	v4 =	vld.idx.msk [tilespmem:v10+s2+$0x0], $0xffff  }
0x112: {  	v8 =	vor.u32 $0x11, v7;
	v11 =	vor.u32 $0x1E, v1;
	v16 =	vor.u32 $0x1B, v1;
	[tilespmem:v13+s10+$0x0] =	vst.idx.add.f32.msk $0xffff, v5  }
0x113: {  	s16 =	simm.s32 $0x2;
	s17 =	simm.s32 $0x50;
	v17 =	vor.u32 $0x1C, v2;
	v10 =	vor.u32 $0x1F, v1;
	v5 =	vor.u32 $0x12, v6;
	v2 =	vld.idx.msk [tilespmem:v14+s2+$0x0], $0xffff  }
.LBB2_6:
0x114: {  	[tilespmem:$0x1FD60] =	vst v42  }
0x115: {  	[tilespmem:$0x1FE20] =	vst v18  }
0x116: {  	[tilespmem:$0x1FDF0] =	vst v36  }
0x117: {  	[tilespmem:$0x1FFA0] =	vst v24  }
0x118: {  	[tilespmem:v27+s10+$0x0] =	vst.idx.add.f32.msk $0xffff, v3  }
0x119: {  	[tilespmem:$0x1FED0] =	vst v29;
	v1 =	vmov s17;
	s15 =	sadd.s32 $0x20, s15;
	v9 =	vld.idx.msk [tilespmem:v28+s2+$0x0], $0xffff  }
0x11a: {  	[tilespmem:$0x1FEA0] =	vst v12;
	v1 =	vshll.u32 v1, $0x5;
	v0 =	vld [tilespmem:s15+$0x0]  }
0x11b: {  	v1 =	vor.u32 v20, v1;
	[tilespmem:v8+s10+$0x0] =	vst.idx.add.f32.msk $0xffff, v4  }
0x11c: {  	s18 =	sadd.s32 $0xFFFFFFF0, s17;
	[tilespmem:v41+s10+$0x0] =	vst.idx.add.f32.msk $0xffff, v2  }
0x11d: {  	[tilespmem:$0x1FF70] =	vst v17;
	v3 =	vmov s18;
	v5 =	vld.idx.msk [tilespmem:v5+s2+$0x0], $0xffff  }
0x11e: {  	[tilespmem:$0x1FF50] =	vst v16;
	v3 =	vshll.u32 v3, $0x5;
	v50 =	vld [tilespmem:s15+$0xFFFFFFF0]  }
0x11f: {  	[tilespmem:$0x1FF20] =	vst v10;
	v54 =	vor.u32 v20, v3;
	v12 =	vor.u32 $0x9, v1;
	v47 =	vld.idx.msk [tilespmem:v37+s2+$0x0], $0xffff  }
0x120: {  	v8 =	vor.u32 $0x12, v7;
	[tilespmem:$0x1FD50] =	vst v12;
	v12 =	vld.idx.msk [tilespmem:v1+s2+$0x0], $0xffff  }
0x121: {  	v42 =	vshll.u32 v0, $0x5;
	[tilespmem:v25+s10+$0x0] =	vst.idx.add.f32.msk $0xffff, v9  }
0x122: {  	v10 =	vor.u32 $0x13, v6;
	[tilespmem:$0x1FFB0] =	vst v0;
	v0 =	vld.idx.msk [tilespmem:v26+s2+$0x0], $0xffff  }
0x123: {  	[tilespmem:$0x1FE80] =	vst v32  }
0x124: {  	[tilespmem:$0x1FE60] =	vst v31;
	v14 =	vld.idx.msk [tilespmem:v54+s2+$0x0], $0xffff;
	v58 =	vshll.u32 v50, $0x5  }
0x125: {  	[tilespmem:v8+s10+$0x0] =	vst.idx.add.f32.msk $0xffff, v5  }
0x126: {  	v5 =	vor.u32 $0x1, v54;
	[tilespmem:v42+s10+$0x0] =	vst.idx.add.f32.msk $0xffff, v12  }
0x127: {  	v46 =	vor.u32 $0x13, v7;
	v41 =	vld.idx.msk [tilespmem:v10+s2+$0x0], $0xffff;
	[tilespmem:$0x1FE10] =	vst v0;
	v0 =	vor.u32 $0xB, v42  }
0x128: {  	[tilespmem:$0x1FDA0] =	vst v0  }
0x129: {  	v48 =	vor.u32 $0x14, v6;
	v0 =	vor.u32 $0xC, v42;
	[tilespmem:v58+s10+$0x0] =	vst.idx.add.f32.msk $0xffff, v14  }
0x12a: {  	v4 =	vor.u32 $0x1, v1;
	[tilespmem:$0x1FDD0] =	vst v0;
	v0 =	vor.u32 $0xD, v42  }
0x12b: {  	v5 =	vld.idx.msk [tilespmem:v5+s2+$0x0], $0xffff;
	[tilespmem:$0x1FE40] =	vst v0  }
0x12c: {  	v9 =	vor.u32 $0x1, v58;
	v0 =	vor.u32 $0xE, v42;
	[tilespmem:v46+s10+$0x0] =	vst.idx.add.f32.msk $0xffff, v41  }
0x12d: {  	v57 =	vor.u32 $0x2, v54;
	[tilespmem:$0x1FEB0] =	vst v0;
	v0 =	vor.u32 $0xF, v42  }
0x12e: {  	v29 =	vmov v40;
	v53 =	vor.u32 $0x14, v7;
	v40 =	vld.idx.msk [tilespmem:v48+s2+$0x0], $0xffff;
	[tilespmem:$0x1FF30] =	vst v0;
	v0 =	vor.u32 $0x10, v42  }
0x12f: {  	v31 =	vmov v44;
	v44 =	vor.u32 $0x1, v42;
	[tilespmem:$0x1FFC0] =	vst v0;
	v0 =	vld.idx.msk [tilespmem:v4+s2+$0x0], $0xffff  }
0x130: {  	v32 =	vmov v43;
	v43 =	vor.u32 $0x2, v1;
	v12 =	vor.u32 $0x12, v42;
	[tilespmem:v33+s10+$0x0] =	vst.idx.add.f32.msk $0xffff, v47  }
0x131: {  	v28 =	vmov v20;
	v20 =	vor.u32 $0x15, v6;
	v24 =	vmov v12;
	[tilespmem:v9+s10+$0x0] =	vst.idx.add.f32.msk $0xffff, v5  }
0x132: {  	[tilespmem:$0x1FE00] =	vst v24;
	v4 =	vmov v23;
	v23 =	vld.idx.msk [tilespmem:v57+s2+$0x0], $0xffff  }
0x133: {  	v24 =	vor.u32 $0x2, v58;
	[tilespmem:v53+s10+$0x0] =	vst.idx.add.f32.msk $0xffff, v40  }
0x134: {  	v25 =	vor.u32 $0x3, v54;
	v26 =	vor.u32 $0x1A, v42;
	[tilespmem:v44+s10+$0x0] =	vst.idx.add.f32.msk $0xffff, v0  }
0x135: {  	v16 =	vor.u32 $0x2, v42;
	[tilespmem:$0x1FEE0] =	vst v26;
	v33 =	vmov v45;
	v0 =	vor.u32 $0x1B, v1;
	v45 =	vld.idx.msk [tilespmem:v43+s2+$0x0], $0xffff  }
0x136: {  	v36 =	vmovc v35;
	v35 =	vmov v62;
	v62 =	vor.u32 $0x3, v1;
	v20 =	vld.idx.msk [tilespmem:v20+s2+$0x0], $0xffff;
	[tilespmem:$0x1FF00] =	vst v0;
	v0 =	vor.u32 $0x1B, v42  }
0x137: {  	v27 =	vld.idx.msk [tilespmem:v38+s2+$0x0], $0xffff;
	[tilespmem:$0x1FF60] =	vst v0  }
0x138: {  	v26 =	vor.u32 $0x1C, v1;
	v0 =	vor.u32 $0x15, v7;
	[tilespmem:v24+s10+$0x0] =	vst.idx.add.f32.msk $0xffff, v23  }
0x139: {  	[tilespmem:$0x1FF80] =	vst v26;
	v26 =	vor.u32 $0x16, v6;
	v23 =	vld.idx.msk [tilespmem:v25+s2+$0x0], $0xffff  }
0x13a: {  	v2 =	vor.u32 $0xA, v1;
	v24 =	vor.u32 $0x3, v58;
	[tilespmem:v16+s10+$0x0] =	vst.idx.add.f32.msk $0xffff, v45  }
0x13b: {  	[tilespmem:$0x1FD70] =	vst v2;
	v2 =	vor.u32 $0xB, v1;
	v25 =	vld.idx.msk [tilespmem:v62+s2+$0x0], $0xffff  }
0x13c: {  	[tilespmem:$0x1FD80] =	vst v2;
	v62 =	vld [tilespmem:$0x1FFE0]  }
0x13d: {  	v2 =	vor.u32 $0xC, v1;
	[tilespmem:v0+s10+$0x0] =	vst.idx.add.f32.msk $0xffff, v20;
	v0 =	vor.u32 $0x4, v54  }
0x13e: {  	[tilespmem:$0x1FDB0] =	vst v2;
	v16 =	vor.u32 $0x16, v7;
	v20 =	vld.idx.msk [tilespmem:v26+s2+$0x0], $0xffff  }
0x13f: {  	v2 =	vor.u32 $0xD, v1;
	[tilespmem:v24+s10+$0x0] =	vst.idx.add.f32.msk $0xffff, v23  }
0x140: {  	[tilespmem:$0x1FDE0] =	vst v2;
	v2 =	vor.u32 $0xE, v1;
	v26 =	vor.u32 $0x17, v6;
	v24 =	vld [tilespmem:$0x1FFF0]  }
0x141: {  	v17 =	vor.u32 $0x3, v42;
	[tilespmem:$0x1FE50] =	vst v2;
	v2 =	vor.u32 $0xF, v1  }
0x142: {  	v13 =	vor.u32 $0x4, v1;
	[tilespmem:$0x1FEC0] =	vst v2;
	v0 =	vld.idx.msk [tilespmem:v0+s2+$0x0], $0xffff  }
0x143: {  	v18 =	vor.u32 $0x13, v42;
	[tilespmem:v16+s10+$0x0] =	vst.idx.add.f32.msk $0xffff, v20  }
0x144: {  	v2 =	vor.u32 $0x10, v1;
	[tilespmem:v62+s10+$0x0] =	vst.idx.add.f32.msk $0xffff, v27;
	v27 =	vmovc v31;
	v31 =	vmov v18;
	v18 =	vor.u32 $0x4, v58  }
0x145: {  	[tilespmem:$0x1FF40] =	vst v2;
	v16 =	vor.u32 $0x5, v54;
	v20 =	vld.idx.msk [tilespmem:v26+s2+$0x0], $0xffff  }
0x146: {  	v2 =	vor.u32 $0x11, v1;
	[tilespmem:v17+s10+$0x0] =	vst.idx.add.f32.msk $0xffff, v25;
	v17 =	vor.u32 $0x17, v7  }
0x147: {  	[tilespmem:$0x1FFD0] =	vst v2;
	v2 =	vor.u32 $0x12, v1;
	v23 =	vor.u32 $0x18, v6;
	v13 =	vld.idx.msk [tilespmem:v13+s2+$0x0], $0xffff  }
0x148: {  	[tilespmem:$0x1FE30] =	vst v11;
	v37 =	vmov v2;
	v2 =	vor.u32 $0x4, v42;
	v24 =	vld.idx.msk [tilespmem:v24+s2+$0x0], $0xffff  }
0x149: {  	v11 =	vor.u32 $0x5, v1;
	[tilespmem:v18+s10+$0x0] =	vst.idx.add.f32.msk $0xffff, v0  }
0x14a: {  	v0 =	vld.idx.msk [tilespmem:v16+s2+$0x0], $0xffff  }
0x14b: {  	v16 =	vor.u32 $0x5, v58;
	[tilespmem:v17+s10+$0x0] =	vst.idx.add.f32.msk $0xffff, v20  }
0x14c: {  	v17 =	vor.u32 $0x6, v54;
	v18 =	vld.idx.msk [tilespmem:v23+s2+$0x0], $0xffff  }
0x14d: {  	[tilespmem:v2+s10+$0x0] =	vst.idx.add.f32.msk $0xffff, v13;
	v2 =	vor.u32 $0x18, v7  }
0x14e: {  	[tilespmem:$0x1FF10] =	vst v15;
	v13 =	vor.u32 $0x19, v6;
	v11 =	vld.idx.msk [tilespmem:v11+s2+$0x0], $0xffff  }
0x14f: {  	v15 =	vor.u32 $0x5, v42;
	[tilespmem:v35+s10+$0x0] =	vst.idx.add.f32.msk $0xffff, v24  }
0x150: {  	v3 =	vmov v60;
	v60 =	vor.u32 $0x6, v1;
	[tilespmem:v16+s10+$0x0] =	vst.idx.add.f32.msk $0xffff, v0  }
0x151: {  	v0 =	vld.idx.msk [tilespmem:v17+s2+$0x0], $0xffff  }
0x152: {  	v16 =	vor.u32 $0x6, v58;
	[tilespmem:v2+s10+$0x0] =	vst.idx.add.f32.msk $0xffff, v18  }
0x153: {  	v2 =	vor.u32 $0x7, v54;
	v13 =	vld.idx.msk [tilespmem:v13+s2+$0x0], $0xffff  }
0x154: {  	[tilespmem:v15+s10+$0x0] =	vst.idx.add.f32.msk $0xffff, v11;
	v11 =	vor.u32 $0x19, v7  }
0x155: {  	v17 =	vor.u32 $0x1A, v6;
	v15 =	vld.idx.msk [tilespmem:v60+s2+$0x0], $0xffff  }
0x156: {  	[tilespmem:$0x1FDC0] =	vst v34;
	v34 =	vmov v61;
	v61 =	vor.u32 $0x6, v42;
	v18 =	vld.idx.msk [tilespmem:v36+s2+$0x0], $0xffff  }
0x157: {  	v56 =	vor.u32 $0x7, v1;
	[tilespmem:v16+s10+$0x0] =	vst.idx.add.f32.msk $0xffff, v0  }
0x158: {  	v0 =	vld.idx.msk [tilespmem:v2+s2+$0x0], $0xffff  }
0x159: {  	[tilespmem:v11+s10+$0x0] =	vst.idx.add.f32.msk $0xffff, v13  }
0x15a: {  	v2 =	vor.u32 $0x7, v58;
	v13 =	vld.idx.msk [tilespmem:v17+s2+$0x0], $0xffff  }
0x15b: {  	v11 =	vor.u32 $0x8, v54;
	[tilespmem:v61+s10+$0x0] =	vst.idx.add.f32.msk $0xffff, v15  }
0x15c: {  	v15 =	vor.u32 $0x1A, v7;
	v16 =	vld.idx.msk [tilespmem:v56+s2+$0x0], $0xffff  }
0x15d: {  	v17 =	vor.u32 $0x1B, v6;
	[tilespmem:v3+s10+$0x0] =	vst.idx.add.f32.msk $0xffff, v18  }
0x15e: {  	[tilespmem:$0x1FD90] =	vst v49;
	v10 =	vor.u32 $0x7, v42;
	v3 =	vld [tilespmem:$0x1FD50]  }
0x15f: {  	v51 =	vor.u32 $0x8, v1;
	[tilespmem:v2+s10+$0x0] =	vst.idx.add.f32.msk $0xffff, v0  }
0x160: {  	[tilespmem:$0x1FE90] =	vst v19;
	v0 =	vld.idx.msk [tilespmem:v11+s2+$0x0], $0xffff  }
0x161: {  	v2 =	vor.u32 $0x8, v58;
	[tilespmem:v15+s10+$0x0] =	vst.idx.add.f32.msk $0xffff, v13  }
0x162: {  	[tilespmem:$0x1FF90] =	vst v22;
	v19 =	vor.u32 $0x14, v1;
	v11 =	vor.u32 $0x9, v54;
	v13 =	vld.idx.msk [tilespmem:v17+s2+$0x0], $0xffff  }
0x163: {  	v22 =	vor.u32 $0x15, v1;
	v52 =	vor.u32 $0x18, v1;
	[tilespmem:v10+s10+$0x0] =	vst.idx.add.f32.msk $0xffff, v16;
	v10 =	vor.u32 $0x1B, v7  }
0x164: {  	[tilespmem:$0x1FEF0] =	vst v30;
	v30 =	vmovc v39;
	v39 =	vor.u32 $0x1E, v1;
	v59 =	vor.u32 $0x8, v42;
	v49 =	vor.u32 $0xA, v42;
	v15 =	vld.idx.msk [tilespmem:v51+s2+$0x0], $0xffff  }
0x165: {  	v21 =	vor.u32 $0x14, v42;
	v63 =	vor.u32 $0x15, v42;
	v8 =	vmovc v55;
	v55 =	vor.u32 $0x9, v42;
	v17 =	vld.idx.msk [tilespmem:v34+s2+$0x0], $0xffff  }
0x166: {  	v12 =	vor.u32 $0x16, v42;
	v5 =	vor.u32 $0x19, v42;
	v16 =	vor.u32 $0x1C, v6;
	[tilespmem:v2+s10+$0x0] =	vst.idx.add.f32.msk $0xffff, v0  }
0x167: {  	v14 =	vor.u32 $0x16, v1;
	v41 =	vor.u32 $0x11, v42;
	v46 =	vor.u32 $0x13, v1;
	[tilespmem:$0x1FE70] =	vst v5;
	v0 =	vld.idx.msk [tilespmem:v11+s2+$0x0], $0xffff  }
0x168: {  	v48 =	vor.u32 $0x19, v1;
	v47 =	vor.u32 $0x18, v42;
	v9 =	vor.u32 $0x17, v1;
	[tilespmem:v10+s10+$0x0] =	vst.idx.add.f32.msk $0xffff, v13  }
0x169: {  	v57 =	vor.u32 $0x17, v42;
	v5 =	vor.u32 $0x1A, v1;
	v2 =	vor.u32 $0x9, v58;
	[tilespmem:v59+s10+$0x0] =	vst.idx.add.f32.msk $0xffff, v15  }
0x16a: {  	v40 =	vor.u32 $0x1D, v42;
	v53 =	vor.u32 $0x1E, v42;
	v10 =	vor.u32 $0xA, v54;
	v15 =	vld [tilespmem:$0x1FD60]  }
0x16b: {  	v44 =	vor.u32 $0x1C, v42;
	v43 =	vor.u32 $0x1D, v1;
	v38 =	vmovc v46;
	v13 =	vor.u32 $0x1C, v7;
	v11 =	vld.idx.msk [tilespmem:v16+s2+$0x0], $0xffff  }
0x16c: {  	v46 =	vor.u32 $0x1F, v1;
	v1 =	vor.u32 $0x1F, v42;
	v42 =	vmovc v12;
	v12 =	vld [tilespmem:$0x1FD70];
	v61 =	vmovc v14;
	v14 =	vor.u32 $0x1D, v6  }
0x16d: {  	v3 =	vld.idx.msk [tilespmem:v3+s2+$0x0], $0xffff  }
0x16e: {  	[tilespmem:v2+s10+$0x0] =	vst.idx.add.f32.msk $0xffff, v0  }
0x16f: {  	v0 =	vld.idx.msk [tilespmem:v10+s2+$0x0], $0xffff  }
0x170: {  	[tilespmem:v13+s10+$0x0] =	vst.idx.add.f32.msk $0xffff, v11  }
0x171: {  	v11 =	vld.idx.msk [tilespmem:v14+s2+$0x0], $0xffff  }
0x172: {  	[tilespmem:v15+s10+$0x0] =	vst.idx.add.f32.msk $0xffff, v17  }
0x173: {  	[tilespmem:v55+s10+$0x0] =	vst.idx.add.f32.msk $0xffff, v3  }
0x174: {  	v2 =	vor.u32 $0xA, v58;
	v14 =	vld.idx.msk [tilespmem:v8+s2+$0x0], $0xffff  }
0x175: {  	v10 =	vor.u32 $0xB, v54;
	v8 =	vld [tilespmem:$0x1FD80]  }
0x176: {  	v3 =	vor.u32 $0x1D, v7  }
0x177: {  	v12 =	vld.idx.msk [tilespmem:v12+s2+$0x0], $0xffff;
	_ =	sdelay $0x1  }
0x178: {  	[tilespmem:v2+s10+$0x0] =	vst.idx.add.f32.msk $0xffff, v0  }
0x179: {  	v0 =	vld.idx.msk [tilespmem:v10+s2+$0x0], $0xffff  }
0x17a: {  	[tilespmem:v3+s10+$0x0] =	vst.idx.add.f32.msk $0xffff, v11  }
0x17b: {  	[tilespmem:v49+s10+$0x0] =	vst.idx.add.f32.msk $0xffff, v12  }
0x17c: {  	v11 =	vld.idx.msk [tilespmem:v8+s2+$0x0], $0xffff  }
0x17d: {  	v8 =	vld [tilespmem:$0x1FD90];
	_ =	sdelay $0x4  }
0x17e: {  	v13 =	vor.u32 $0x1E, v6;
	_ =	sdelay $0x2  }
0x17f: {  	v2 =	vor.u32 $0xB, v58;
	[tilespmem:v8+s10+$0x0] =	vst.idx.add.f32.msk $0xffff, v14  }
0x180: {  	v3 =	vor.u32 $0xC, v54;
	v8 =	vld [tilespmem:$0x1FDA0]  }
0x181: {  	v55 =	vmov v9;
	v10 =	vor.u32 $0x1E, v7;
	v9 =	vld.idx.msk [tilespmem:v13+s2+$0x0], $0xffff  }
0x182: {  	v12 =	vor.u32 $0x1F, v6;
	_ =	sdelay $0x1  }
0x183: {  	[tilespmem:v2+s10+$0x0] =	vst.idx.add.f32.msk $0xffff, v0  }
0x184: {  	v6 =	vmov v54;
	v2 =	vor.u32 $0xC, v58;
	v0 =	vld.idx.msk [tilespmem:v3+s2+$0x0], $0xffff  }
0x185: {  	v3 =	vor.u32 $0xD, v6;
	[tilespmem:v10+s10+$0x0] =	vst.idx.add.f32.msk $0xffff, v9  }
0x186: {  	v9 =	vld.idx.msk [tilespmem:v12+s2+$0x0], $0xffff  }
0x187: {  	[tilespmem:v8+s10+$0x0] =	vst.idx.add.f32.msk $0xffff, v11;
	v8 =	vor.u32 $0x1F, v7  }
0x188: {  	v10 =	vld [tilespmem:$0x1FDB0]  }
0x189: {  	[tilespmem:v2+s10+$0x0] =	vst.idx.add.f32.msk $0xffff, v0  }
0x18a: {  	v0 =	vld.idx.msk [tilespmem:v3+s2+$0x0], $0xffff  }
0x18b: {  	v11 =	vld [tilespmem:$0x1FDC0]  }
0x18c: {  	v62 =	vmov v21;
	v21 =	vimm.f32 $1.000000000e+00;
	[tilespmem:v8+s10+$0x0] =	vst.idx.add.f32.msk $0xffff, v9  }
0x18d: {  	[tilespmem:v4+s11+$0x0] =	vst.idx.add.f32.msk $0xffff, v21  }
0x18e: {  	v4 =	vld [tilespmem:$0x1FDD0];
	_ =	sdelay $0x2  }
0x18f: {  	v10 =	vld.idx.msk [tilespmem:v10+s2+$0x0], $0xffff;
	_ =	sdelay $0x3  }
0x190: {  	v11 =	vld.idx.msk [tilespmem:v11+s2+$0x0], $0xffff  }
0x191: {  	[tilespmem:v4+s10+$0x0] =	vst.idx.add.f32.msk $0xffff, v10  }
0x192: {  	v4 =	vld [tilespmem:$0x1FDE0];
	_ =	sdelay $0x7  }
0x193: {  	v8 =	vld.idx.msk [tilespmem:v4+s2+$0x0], $0xffff  }
0x194: {  	v4 =	vld [tilespmem:$0x1FDF0];
	_ =	sdelay $0x3  }
0x195: {  	v7 =	vmov v58  }
0x196: {  	v2 =	vor.u32 $0xD, v7  }
0x197: {  	v3 =	vor.u32 $0xE, v6;
	_ =	sdelay $0x1  }
0x198: {  	[tilespmem:v4+s10+$0x0] =	vst.idx.add.f32.msk $0xffff, v11  }
0x199: {  	v4 =	vld [tilespmem:$0x1FE20]  }
0x19a: {  	[tilespmem:v2+s10+$0x0] =	vst.idx.add.f32.msk $0xffff, v0  }
0x19b: {  	v0 =	vld.idx.msk [tilespmem:v3+s2+$0x0], $0xffff  }
0x19c: {  	v3 =	vld [tilespmem:$0x1FE10];
	_ =	sdelay $0x3  }
0x19d: {  	v9 =	vld.idx.msk [tilespmem:v33+s2+$0x0], $0xffff  }
0x19e: {  	[tilespmem:v4+s10+$0x0] =	vst.idx.add.f32.msk $0xffff, v3  }
0x19f: {  	v4 =	vld [tilespmem:$0x1FE40];
	_ =	sdelay $0x7  }
0x1a0: {  	[tilespmem:v4+s10+$0x0] =	vst.idx.add.f32.msk $0xffff, v8  }
0x1a1: {  	v4 =	vld [tilespmem:$0x1FE50];
	_ =	sdelay $0x7  }
0x1a2: {  	v8 =	vld.idx.msk [tilespmem:v4+s2+$0x0], $0xffff  }
0x1a3: {  	v4 =	vld [tilespmem:$0x1FE60];
	_ =	sdelay $0x1  }
0x1a4: {  	v3 =	vld [tilespmem:$0x1FE30];
	_ =	sdelay $0x3  }
0x1a5: {  	v2 =	vor.u32 $0xE, v7  }
0x1a6: {  	v18 =	vmov v3;
	v3 =	vor.u32 $0xF, v6  }
0x1a7: {  	[tilespmem:v4+s10+$0x0] =	vst.idx.add.f32.msk $0xffff, v9  }
0x1a8: {  	v4 =	vld [tilespmem:$0x1FE70];
	_ =	sdelay $0x1  }
0x1a9: {  	[tilespmem:v2+s10+$0x0] =	vst.idx.add.f32.msk $0xffff, v0  }
0x1aa: {  	v0 =	vld.idx.msk [tilespmem:v3+s2+$0x0], $0xffff  }
0x1ab: {  	v3 =	vld [tilespmem:$0x1FE90]  }
0x1ac: {  	[tilespmem:$0x1FFE0] =	vst v31;
	v31 =	vmov v4;
	v4 =	vld [tilespmem:$0x1FE80]  }
0x1ad: {  	v9 =	vld [tilespmem:$0x1FEB0];
	_ =	sdelay $0x5  }
0x1ae: {  	v3 =	vld.idx.msk [tilespmem:v3+s2+$0x0], $0xffff  }
0x1af: {  	v4 =	vld.idx.msk [tilespmem:v4+s2+$0x0], $0xffff  }
0x1b0: {  	[tilespmem:v9+s10+$0x0] =	vst.idx.add.f32.msk $0xffff, v8  }
0x1b1: {  	v8 =	vld [tilespmem:$0x1FEC0]  }
0x1b2: {  	v9 =	vld [tilespmem:$0x1FED0];
	_ =	sdelay $0x2  }
0x1b3: {  	v20 =	vmov v28;
	v28 =	vmov v32;
	v32 =	vmov v5;
	v5 =	vld [tilespmem:$0x1FEA0];
	_ =	sdelay $0x3  }
0x1b4: {  	v2 =	vor.u32 $0xF, v7;
	v8 =	vld.idx.msk [tilespmem:v8+s2+$0x0], $0xffff  }
0x1b5: {  	v25 =	vmovc v29;
	v29 =	vmov v19;
	v19 =	vmov v5;
	v5 =	vor.u32 $0x10, v6;
	[tilespmem:v9+s10+$0x0] =	vst.idx.add.f32.msk $0xffff, v4  }
0x1b6: {  	v4 =	vld [tilespmem:$0x1FEE0];
	_ =	sdelay $0x2  }
0x1b7: {  	[tilespmem:v2+s10+$0x0] =	vst.idx.add.f32.msk $0xffff, v0  }
0x1b8: {  	v0 =	vld.idx.msk [tilespmem:v5+s2+$0x0], $0xffff  }
0x1b9: {  	[tilespmem:$0x1FFF0] =	vst v29;
	v29 =	vmov v4;
	v4 =	vld [tilespmem:$0x1FEF0]  }
0x1ba: {  	v5 =	vld [tilespmem:$0x1FF10];
	_ =	sdelay $0x6  }
0x1bb: {  	v4 =	vld.idx.msk [tilespmem:v4+s2+$0x0], $0xffff  }
0x1bc: {  	[tilespmem:v5+s10+$0x0] =	vst.idx.add.f32.msk $0xffff, v3  }
0x1bd: {  	v3 =	vld [tilespmem:$0x1FF20];
	_ =	sdelay $0x4  }
0x1be: {  	v15 =	vmov v3;
	v3 =	vld [tilespmem:$0x1FF30];
	_ =	sdelay $0x7  }
0x1bf: {  	[tilespmem:v3+s10+$0x0] =	vst.idx.add.f32.msk $0xffff, v8  }
0x1c0: {  	v3 =	vld [tilespmem:$0x1FF40];
	_ =	sdelay $0x2  }
0x1c1: {  	v9 =	vld [tilespmem:$0x1FF00];
	_ =	sdelay $0x4  }
0x1c2: {  	v26 =	vmov v30;
	v30 =	vmov v9;
	v9 =	vld.idx.msk [tilespmem:v3+s2+$0x0], $0xffff  }
0x1c3: {  	v3 =	vld [tilespmem:$0x1FF50];
	_ =	sdelay $0x7  }
0x1c4: {  	v2 =	vor.u32 $0x10, v7;
	[tilespmem:v3+s10+$0x0] =	vst.idx.add.f32.msk $0xffff, v4  }
0x1c5: {  	v3 =	vld [tilespmem:$0x1FF60];
	_ =	sdelay $0x3  }
0x1c6: {  	[tilespmem:v2+s10+$0x0] =	vst.idx.add.f32.msk $0xffff, v0  }
0x1c7: {  	v16 =	vmov v3;
	v3 =	vld [tilespmem:$0x1FF70]  }
0x1c8: {  	v0 =	vld [tilespmem:$0x1FF90];
	_ =	sdelay $0x6  }
0x1c9: {  	v3 =	vld.idx.msk [tilespmem:v3+s2+$0x0], $0xffff  }
0x1ca: {  	[tilespmem:v0+s11+$0x0] =	vst.idx.add.f32.msk $0xffff, v21  }
0x1cb: {  	v0 =	vld [tilespmem:$0x1FFA0];
	_ =	sdelay $0x4  }
0x1cc: {  	v35 =	vmov v22;
	v22 =	vmov v0;
	v0 =	vld [tilespmem:$0x1FFB0];
	_ =	sdelay $0x4  }
0x1cd: {  	v24 =	vmov v0;
	v0 =	vld [tilespmem:$0x1FFC0];
	_ =	sdelay $0x7  }
0x1ce: {  	[tilespmem:v0+s10+$0x0] =	vst.idx.add.f32.msk $0xffff, v9  }
0x1cf: {  	v0 =	vld [tilespmem:$0x1FFD0];
	_ =	sdelay $0x1  }
0x1d0: {  	s16 =	sadd.s32 $0x2, s16;
	v10 =	vmov v1;
	v1 =	vor.u32 $0x11, v6;
	v4 =	vld [tilespmem:$0x1FF80]  }
0x1d1: {  	p0 =	slt.u32 s16, $0x1E  }
.Ltmp2:
0x1d2: {  	_ = 	snop;
	(pc) =	sbr.rel @p0 .LBB2_6-.Ltmp2, $4  }
0x1d3: {  	_ = 	snop  }
0x1d4: {  	v45 =	vmov v48;
	v33 =	vld [tilespmem:$0x1FE00]  }
0x1d5: {  	v23 =	vmovc v50;
	v60 =	vmovc v63;
	v36 =	vmov v47;
	v34 =	vmov v52;
	v17 =	vmov v4;
	v4 =	vld.idx.msk [tilespmem:v1+s2+$0x0], $0xffff  }
0x1d6: {  	s17 =	sadd.s32 $0x20, s17;
	v49 =	vmovc v57;
	v12 =	vmovc v46;
	v11 =	vmov v53;
	v5 =	vor.u32 $0x12, v6;
	v8 =	vor.u32 $0x11, v7;
	v2 =	vld.idx.msk [tilespmem:v0+s2+$0x0], $0xffff  }
0x1d7: {  	_ =	sdelay $0x3  }
0x1d8: {  	[tilespmem:v8+s10+$0x0] =	vst.idx.add.f32.msk $0xffff, v4  }
0x1d9: {  	v1 =	vor.u32 $0x12, v7;
	v0 =	vld.idx.msk [tilespmem:v5+s2+$0x0], $0xffff  }
0x1da: {  	v50 =	vor.u32 $0x13, v6;
	_ =	sdelay $0x1  }
0x1db: {  	[tilespmem:v41+s10+$0x0] =	vst.idx.add.f32.msk $0xffff, v2  }
0x1dc: {  	v2 =	vld.idx.msk [tilespmem:v37+s2+$0x0], $0xffff  }
0x1dd: {  	[tilespmem:v1+s10+$0x0] =	vst.idx.add.f32.msk $0xffff, v0  }
0x1de: {  	v1 =	vor.u32 $0x13, v7;
	v0 =	vld.idx.msk [tilespmem:v50+s2+$0x0], $0xffff;
	_ =	sdelay $0x3  }
0x1df: {  	[tilespmem:v33+s10+$0x0] =	vst.idx.add.f32.msk $0xffff, v2  }
0x1e0: {  	[tilespmem:v1+s10+$0x0] =	vst.idx.add.f32.msk $0xffff, v0  }
0x1e1: {  	v53 =	vld [tilespmem:$0x1FFE0];
	_ =	sdelay $0x2  }
0x1e2: {  	v2 =	vld.idx.msk [tilespmem:v38+s2+$0x0], $0xffff;
	_ =	sdelay $0x4  }
0x1e3: {  	v51 =	vor.u32 $0x14, v6;
	[tilespmem:v53+s10+$0x0] =	vst.idx.add.f32.msk $0xffff, v2  }
0x1e4: {  	v2 =	vld [tilespmem:$0x1FFF0];
	_ =	sdelay $0x3  }
0x1e5: {  	v1 =	vor.u32 $0x14, v7;
	v0 =	vld.idx.msk [tilespmem:v51+s2+$0x0], $0xffff  }
0x1e6: {  	v52 =	vor.u32 $0x15, v6;
	_ =	sdelay $0x2  }
0x1e7: {  	v2 =	vld.idx.msk [tilespmem:v2+s2+$0x0], $0xffff  }
0x1e8: {  	[tilespmem:v1+s10+$0x0] =	vst.idx.add.f32.msk $0xffff, v0  }
0x1e9: {  	v1 =	vor.u32 $0x15, v7;
	v0 =	vld.idx.msk [tilespmem:v52+s2+$0x0], $0xffff  }
0x1ea: {  	v54 =	vor.u32 $0x16, v6;
	_ =	sdelay $0x1  }
0x1eb: {  	[tilespmem:v62+s10+$0x0] =	vst.idx.add.f32.msk $0xffff, v2  }
0x1ec: {  	v2 =	vld.idx.msk [tilespmem:v35+s2+$0x0], $0xffff  }
0x1ed: {  	[tilespmem:v1+s10+$0x0] =	vst.idx.add.f32.msk $0xffff, v0  }
0x1ee: {  	v1 =	vor.u32 $0x16, v7;
	v0 =	vld.idx.msk [tilespmem:v54+s2+$0x0], $0xffff  }
0x1ef: {  	v56 =	vor.u32 $0x17, v6;
	_ =	sdelay $0x1  }
0x1f0: {  	[tilespmem:v60+s10+$0x0] =	vst.idx.add.f32.msk $0xffff, v2  }
0x1f1: {  	v2 =	vld.idx.msk [tilespmem:v61+s2+$0x0], $0xffff  }
0x1f2: {  	[tilespmem:v1+s10+$0x0] =	vst.idx.add.f32.msk $0xffff, v0  }
0x1f3: {  	v1 =	vor.u32 $0x17, v7;
	v0 =	vld.idx.msk [tilespmem:v56+s2+$0x0], $0xffff  }
0x1f4: {  	v57 =	vor.u32 $0x18, v6;
	_ =	sdelay $0x1  }
0x1f5: {  	[tilespmem:v42+s10+$0x0] =	vst.idx.add.f32.msk $0xffff, v2  }
0x1f6: {  	v2 =	vld.idx.msk [tilespmem:v55+s2+$0x0], $0xffff  }
0x1f7: {  	[tilespmem:v1+s10+$0x0] =	vst.idx.add.f32.msk $0xffff, v0  }
0x1f8: {  	v1 =	vor.u32 $0x18, v7;
	v0 =	vld.idx.msk [tilespmem:v57+s2+$0x0], $0xffff  }
0x1f9: {  	v58 =	vor.u32 $0x19, v6;
	_ =	sdelay $0x1  }
0x1fa: {  	[tilespmem:v49+s10+$0x0] =	vst.idx.add.f32.msk $0xffff, v2  }
0x1fb: {  	v2 =	vld.idx.msk [tilespmem:v34+s2+$0x0], $0xffff  }
0x1fc: {  	[tilespmem:v1+s10+$0x0] =	vst.idx.add.f32.msk $0xffff, v0  }
0x1fd: {  	v1 =	vor.u32 $0x19, v7;
	v0 =	vld.idx.msk [tilespmem:v58+s2+$0x0], $0xffff  }
0x1fe: {  	v59 =	vor.u32 $0x1A, v6;
	_ =	sdelay $0x1  }
0x1ff: {  	[tilespmem:v36+s10+$0x0] =	vst.idx.add.f32.msk $0xffff, v2  }
0x200: {  	v2 =	vld.idx.msk [tilespmem:v45+s2+$0x0], $0xffff  }
0x201: {  	[tilespmem:v1+s10+$0x0] =	vst.idx.add.f32.msk $0xffff, v0  }
0x202: {  	v1 =	vor.u32 $0x1A, v7;
	v0 =	vld.idx.msk [tilespmem:v59+s2+$0x0], $0xffff  }
0x203: {  	v60 =	vor.u32 $0x1B, v6;
	_ =	sdelay $0x1  }
0x204: {  	[tilespmem:v31+s10+$0x0] =	vst.idx.add.f32.msk $0xffff, v2  }
0x205: {  	v2 =	vld.idx.msk [tilespmem:v32+s2+$0x0], $0xffff  }
0x206: {  	[tilespmem:v1+s10+$0x0] =	vst.idx.add.f32.msk $0xffff, v0  }
0x207: {  	v1 =	vor.u32 $0x1B, v7;
	v0 =	vld.idx.msk [tilespmem:v60+s2+$0x0], $0xffff  }
0x208: {  	v61 =	vor.u32 $0x1C, v6;
	_ =	sdelay $0x1  }
0x209: {  	[tilespmem:v29+s10+$0x0] =	vst.idx.add.f32.msk $0xffff, v2  }
0x20a: {  	v2 =	vld.idx.msk [tilespmem:v30+s2+$0x0], $0xffff  }
0x20b: {  	[tilespmem:v1+s10+$0x0] =	vst.idx.add.f32.msk $0xffff, v0  }
0x20c: {  	v1 =	vor.u32 $0x1C, v7;
	v0 =	vld.idx.msk [tilespmem:v61+s2+$0x0], $0xffff  }
0x20d: {  	[tilespmem:v27+s10+$0x0] =	vst.idx.add.f32.msk $0xffff, v3;
	v62 =	vor.u32 $0x1D, v6  }
0x20e: {  	v63 =	vld.idx.msk [tilespmem:v28+s2+$0x0], $0xffff  }
0x20f: {  	[tilespmem:v16+s10+$0x0] =	vst.idx.add.f32.msk $0xffff, v2  }
0x210: {  	v2 =	vld.idx.msk [tilespmem:v17+s2+$0x0], $0xffff  }
0x211: {  	[tilespmem:v1+s10+$0x0] =	vst.idx.add.f32.msk $0xffff, v0  }
0x212: {  	v1 =	vor.u32 $0x1D, v7;
	v0 =	vld.idx.msk [tilespmem:v62+s2+$0x0], $0xffff  }
0x213: {  	v3 =	vor.u32 $0x1E, v6;
	[tilespmem:v25+s10+$0x0] =	vst.idx.add.f32.msk $0xffff, v63  }
0x214: {  	v4 =	vld.idx.msk [tilespmem:v26+s2+$0x0], $0xffff  }
0x215: {  	[tilespmem:v44+s10+$0x0] =	vst.idx.add.f32.msk $0xffff, v2  }
0x216: {  	v2 =	vld.idx.msk [tilespmem:v43+s2+$0x0], $0xffff  }
0x217: {  	[tilespmem:v1+s10+$0x0] =	vst.idx.add.f32.msk $0xffff, v0  }
0x218: {  	v1 =	vor.u32 $0x1E, v7;
	v0 =	vld.idx.msk [tilespmem:v3+s2+$0x0], $0xffff  }
0x219: {  	v3 =	vor.u32 $0x1F, v6  }
0x21a: {  	[tilespmem:v18+s10+$0x0] =	vst.idx.add.f32.msk $0xffff, v4  }
0x21b: {  	[tilespmem:v40+s10+$0x0] =	vst.idx.add.f32.msk $0xffff, v2  }
0x21c: {  	v2 =	vld.idx.msk [tilespmem:v39+s2+$0x0], $0xffff  }
0x21d: {  	[tilespmem:v1+s10+$0x0] =	vst.idx.add.f32.msk $0xffff, v0  }
0x21e: {  	v1 =	vor.u32 $0x1F, v7;
	v0 =	vld.idx.msk [tilespmem:v3+s2+$0x0], $0xffff  }
0x21f: {  	v3 =	vld.idx.msk [tilespmem:v19+s2+$0x0], $0xffff;
	_ =	sdelay $0x1  }
0x220: {  	[tilespmem:v11+s10+$0x0] =	vst.idx.add.f32.msk $0xffff, v2  }
0x221: {  	v2 =	vld.idx.msk [tilespmem:v12+s2+$0x0], $0xffff  }
0x222: {  	[tilespmem:v1+s10+$0x0] =	vst.idx.add.f32.msk $0xffff, v0  }
0x223: {  	[tilespmem:v15+s10+$0x0] =	vst.idx.add.f32.msk $0xffff, v3  }
0x224: {  	[tilespmem:v23+s11+$0x0] =	vst.idx.add.f32.msk $0xffff, v21  }
0x225: {  	[tilespmem:v22+s11+$0x0] =	vst.idx.add.f32.msk $0xffff, v21  }
0x226: {  	[tilespmem:v10+s10+$0x0] =	vst.idx.add.f32.msk $0xffff, v2  }
0x227: {  	[tilespmem:v24+s11+$0x0] =	vst.idx.add.f32.msk $0xffff, v21  }
0x228: {  	[hbm4b:s5+s12] =	stream.strided.scatter [tilespmem:s10], [sflag:$0x1], $0x4000, s13, s12, $0x38;
	[tilespmem:$0x8400] =	vst v63  }
0x229: {  	s14 =	sadd.s32 $0x1, s14;
	_ =	swait.ge [sflag:s8], $0x4000  }
0x22a: {  	p0 =	sne.s32 s14, s7;
	[sflag:s8] =	ssyncset.done $0x0  }
.Ltmp3:
0x22b: {  	[sflag:s8] =	ssyncadd.s32 $0xFFFFC000;
	(pc) =	sbr.rel @p0 .LBB2_1-.Ltmp3, $4  }
0x22c: {  	[hbm4b:s6+s12] =	stream.strided.scatter [tilespmem:s11], [sflag:$0x1], $0x200, s13, s12, $0x38;
	[tilespmem:$0x8400] =	vst v63  }
0x22d: {  	_ =	swait.ge [sflag:s8], $0x200  }
0x22e: {  	[sflag:s8] =	ssyncset.done $0x0  }
0x22f: {  	v0 =	vimm.f32 $0.0e+00;
	[sflag:s8] =	ssyncadd.s32 $0xFFFFFE00  }
0x230: {  	_ =	sfence.sel $0x180000  }
0x231: {  	[bflag:$0x0] =	sbarrier.arrive $0xFFFF  }
0x232: {  	p0 =	sne.s32 s1, $0x0;
	_ =	strace $0x90000047  }
0x233: {  	s0 =	sadd.s32 @!p0 $0x100000, s0;
	[bflag:$0x2] =	sbarrier.arrive $0xFFFF  }
0x234: {  	[sflag:s0] =	ssyncadd.tile.s32 @!p0 $0x1;
	_ =	shalt  }
.Lfunc_end2:
_tile_overlayer_lowered:
.L_overlay_start_2:
0x235: {  	(tag) =	ssettag $0x2  }
0x236: {  	s0 =	rddreg [dreg:$0x0];
	s2 =	stileid.u32  }
0x237: {  	s1 =	rddreg [dreg:$0x1];
	p0 =	sne.s32 s2, $0x0  }
0x238: {  	s3 =	rddreg [dreg:$0x2];
	[bflag:$0x3] =	sbarrier.arrive $0xFFFF;
	s2 =	simm.s32 @!p0 $0x1C01  }
0x239: {  	[timem:s3], [sflag:s2] =	dma.local @!p0 [hbm:s0], s1  }
0x23a: {  	s0 =	simm.s32 @!p0 $0x1  }
0x23b: {  	_ =	swait.ge @!p0 [sflag:s0], s1  }
0x23c: {  	s1 =	ssub.s32 @!p0 $0x0, s1;
	[sflag:s0] =	ssyncset.done @!p0 $0x0  }
0x23d: {  	[sflag:s0] =	ssyncadd.s32 @!p0 s1  }
0x23e: {  	[bflag:$0x3] =	sbarrier.arrive $0xFFFF  }
0x23f: {  	_ =	shalt  }

</sc_bundles>
